<compile_context>
chip_gen: v7x
topology: tpu7x:2x2x1
jax: 0.10.2.dev20260603
libtpu: 0.0.44.dev20260713+nightly
codegen_flags: <defaults>
</compile_context>

<pallas_src>
import functools

import jax
import jax.numpy as jnp
from jax import lax
from jax.experimental import pallas as pl
from jax.experimental.pallas import tpu as pltpu
from jax.experimental.pallas import tpu_sc as plsc

_NC = 2
_NS = 16
_L = 16

_MESH = dict(core_axis_name="c", subcore_axis_name="s")


def _sc_degree(row4, n_nodes):
    _, _, g, c = row4.shape
    zchunk = 1000
    depth = 8

    @functools.partial(
        pl.kernel,
        out_type=jax.ShapeDtypeStruct((2 * n_nodes,), jnp.float32),
        mesh=plsc.VectorSubcoreMesh(**_MESH),
        scratch_types=[
            pltpu.VMEM((c,), jnp.float32),
            pltpu.VMEM((g, c), jnp.int32),
            pltpu.VMEM((1024,), jnp.float32),
            pltpu.VMEM_SHARED((n_nodes,), jnp.float32),
            pltpu.SemaphoreType.DMA,
        ],
    )
    def deg_kernel(row_hbm, deg_hbm, ones_v, row_m, zero_v, deg_sh, sem):
        core = lax.axis_index("c")
        sub = lax.axis_index("s")
        for i in range(c // _L):
            ones_v[pl.ds(i * _L, _L)] = jnp.ones((_L,), jnp.float32)
        for i in range(1024 // _L):
            zero_v[pl.ds(i * _L, _L)] = jnp.zeros((_L,), jnp.float32)
        pltpu.sync_copy(row_hbm.at[core, sub], row_m)

        @pl.when(sub < n_nodes // zchunk)
        def _():
            pltpu.sync_copy(zero_v.at[pl.ds(0, zchunk)],
                            deg_sh.at[pl.ds(sub * zchunk, zchunk)])

        plsc.subcore_barrier()

        def fire(i):
            pltpu.async_copy(ones_v, deg_sh.at[row_m.at[i]], sem, add=True)

        def drain(i):
            pltpu.make_async_copy(ones_v, deg_sh.at[row_m.at[i]], sem).wait()

        def chunk(i, carry):
            fire(i)

            @pl.when(i >= depth)
            def _():
                drain(i - depth)

            return carry

        lax.fori_loop(0, g, chunk, 0)
        lax.fori_loop(g - depth, g, lambda i, cy: (drain(i), cy)[1], 0)
        plsc.subcore_barrier()

        @pl.when(sub < n_nodes // zchunk)
        def _():
            pltpu.sync_copy(deg_sh.at[pl.ds(sub * zchunk, zchunk)],
                            zero_v.at[pl.ds(0, zchunk)])
            pltpu.sync_copy(
                zero_v.at[pl.ds(0, zchunk)],
                deg_hbm.at[pl.ds(core * n_nodes + sub * zchunk, zchunk)])

    return deg_kernel(row4)


def _sc_edges(row2, colx2, et2, xs_cat, rel_cat):
    e2 = row2.shape[0]
    e = e2 // 2
    ept = e // _NS
    c = 80
    g = ept // c
    assert g % 2 == 1
    n2, h = xs_cat.shape
    n = n2 // 2
    hl = h // _L
    br = 16
    nb = n // br

    @functools.partial(
        pl.kernel,
        out_type=jax.ShapeDtypeStruct((2 * n, h), jnp.float32),
        mesh=plsc.VectorSubcoreMesh(**_MESH),
        scratch_types=[
            pltpu.VMEM((c,), jnp.int32),
            pltpu.VMEM((c,), jnp.int32),
            pltpu.VMEM((c,), jnp.int32),
            pltpu.VMEM((c,), jnp.int32),
            pltpu.VMEM((c,), jnp.int32),
            pltpu.VMEM((c,), jnp.int32),
            pltpu.VMEM((c, h), jnp.float32),
            pltpu.VMEM((c, h), jnp.float32),
            pltpu.VMEM((c, h), jnp.float32),
            pltpu.VMEM((c, h), jnp.float32),
            pltpu.VMEM((br, h), jnp.float32),
            pltpu.VMEM_SHARED((n, h), jnp.float32),
            pltpu.SemaphoreType.DMA,
            pltpu.SemaphoreType.DMA,
            pltpu.SemaphoreType.DMA,
            pltpu.SemaphoreType.DMA,
            pltpu.SemaphoreType.DMA,
            pltpu.SemaphoreType.DMA,
        ],
    )
    def edge_kernel(row_hbm, col_hbm, et_hbm, xs_hbm, rel_hbm, agg_hbm,
                    rwa, cla, eta, rwb, clb, etb, xba, rba, xbb, rbb,
                    zb, agg_sh, sxa, sra, sxb, srb, sia, sib):
        core = lax.axis_index("c")
        sub = lax.axis_index("s")

        def zrow(r, carry):
            for j in range(hl):
                zb[r, pl.ds(j * _L, _L)] = jnp.zeros((_L,), jnp.float32)
            return carry

        lax.fori_loop(0, br, zrow, 0)

        def zblk(k, carry):
            blk = k * _NS + sub
            @pl.when(blk < nb)
            def _():
                pltpu.sync_copy(zb, agg_sh.at[pl.ds(blk * br, br)])
            return carry

        lax.fori_loop(0, (nb + _NS - 1) // _NS, zblk, 0)
        plsc.subcore_barrier()

        ebase = core * e + sub * ept

        def fire_idx(i, rw, cl, et, si):
            pltpu.async_copy(row_hbm.at[pl.ds(ebase + i * c, c)], rw, si)
            pltpu.async_copy(col_hbm.at[pl.ds(ebase + i * c, c)], cl, si)
            pltpu.async_copy(et_hbm.at[pl.ds(ebase + i * c, c)], et, si)

        def wait_idx(i, rw, cl, et, si):
            pltpu.make_async_copy(row_hbm.at[pl.ds(ebase + i * c, c)], rw,
                                  si).wait()
            pltpu.make_async_copy(col_hbm.at[pl.ds(ebase + i * c, c)], cl,
                                  si).wait()
            pltpu.make_async_copy(et_hbm.at[pl.ds(ebase + i * c, c)], et,
                                  si).wait()

        def fire_gather(cl, et, xb, rb, sx, sr):
            pltpu.async_copy(xs_hbm.at[cl], xb, sx)
            pltpu.async_copy(rel_hbm.at[et], rb, sr)

        def wait_gather(cl, et, xb, rb, sx, sr):
            pltpu.make_async_copy(xs_hbm.at[cl], xb, sx).wait()
            pltpu.make_async_copy(rel_hbm.at[et], rb, sr).wait()

        def compute(rw, xb, rb):
            def prod(k, carry2):
                for j in range(hl):
                    sl = pl.ds(j * _L, _L)
                    xb[k, sl] = xb[k, sl] * rb[k, sl]
                return carry2

            lax.fori_loop(0, c, prod, 0)
            pltpu.sync_copy(xb, agg_sh.at[rw], add=True)

        pltpu.sync_copy(row_hbm.at[pl.ds(ebase, c)], rwa)
        pltpu.sync_copy(col_hbm.at[pl.ds(ebase, c)], cla)
        pltpu.sync_copy(et_hbm.at[pl.ds(ebase, c)], eta)
        fire_gather(cla, eta, xba, rba, sxa, sra)
        fire_idx(1, rwb, clb, etb, sib)

        def pipe(gg, carry):
            a = 2 * gg
            wait_idx(a + 1, rwb, clb, etb, sib)
            fire_gather(clb, etb, xbb, rbb, sxb, srb)
            wait_gather(cla, eta, xba, rba, sxa, sra)
            compute(rwa, xba, rba)

            @pl.when(a + 2 < g)
            def _():
                fire_idx(a + 2, rwa, cla, eta, sia)

            wait_gather(clb, etb, xbb, rbb, sxb, srb)
            compute(rwb, xbb, rbb)

            @pl.when(a + 2 < g)
            def _():
                wait_idx(a + 2, rwa, cla, eta, sia)
                fire_gather(cla, eta, xba, rba, sxa, sra)

            @pl.when(a + 3 < g)
            def _():
                fire_idx(a + 3, rwb, clb, etb, sib)

            return carry

        lax.fori_loop(0, g // 2, pipe, 0)
        wait_gather(cla, eta, xba, rba, sxa, sra)
        compute(rwa, xba, rba)
        plsc.subcore_barrier()

        def wblk(k, carry):
            blk = k * _NS + sub
            @pl.when(blk < nb)
            def _():
                pltpu.sync_copy(agg_sh.at[pl.ds(blk * br, br)], zb)
                pltpu.sync_copy(zb, agg_hbm.at[pl.ds(core * n + blk * br, br)])
            return carry

        lax.fori_loop(0, (nb + _NS - 1) // _NS, wblk, 0)

    return edge_kernel(row2, colx2, et2, xs_cat, rel_cat)


def _tc_scale(x, deg):
    n, h = x.shape

    def body(x_ref, deg_ref, xs_ref, dinv_ref):
        d = deg_ref[...]
        dinv = jnp.where(d > 0, lax.rsqrt(d), 0.0)
        dinv_ref[...] = dinv
        xv = x_ref[...]
        xs_ref[0:n] = xv * dinv[0:n]
        xs_ref[n:] = xv * dinv[n:]

    return pl.pallas_call(
        body,
        out_shape=[
            jax.ShapeDtypeStruct((2 * n, h), jnp.float32),
            jax.ShapeDtypeStruct((2 * n, 1), jnp.float32),
        ],
    )(x, deg)


def _tc_final(agg, dinv, x, loop_rel, rel_embed, w_loop, w_in, w_out, w_rel,
              gamma, beta):
    n, h = x.shape
    nr = rel_embed.shape[0]

    def body(agg_ref, dinv_ref, x_ref, loop_ref, re_ref, wl_ref, wi_ref,
             wo_ref, wr_ref, g_ref, b_ref, out_ref, ro_ref):
        dv = dinv_ref[...]
        a_in = agg_ref[0:n] * dv[0:n]
        a_out = agg_ref[n:] * dv[n:]
        t = jnp.dot(a_in, wi_ref[...], preferred_element_type=jnp.float32)
        t = t + jnp.dot(a_out, wo_ref[...], preferred_element_type=jnp.float32)
        t = t + jnp.dot(x_ref[...] * loop_ref[...], wl_ref[...],
                        preferred_element_type=jnp.float32)
        t = t * (1.0 / 3.0)
        mean = jnp.mean(t, axis=0, keepdims=True)
        cen = t - mean
        var = jnp.mean(cen * cen, axis=0, keepdims=True)
        out_ref[...] = g_ref[...] * cen * lax.rsqrt(var + 1e-5) + b_ref[...]
        ro_ref[...] = jnp.dot(re_ref[...], wr_ref[...],
                              preferred_element_type=jnp.float32)

    return pl.pallas_call(
        body,
        out_shape=[
            jax.ShapeDtypeStruct((n, h), jnp.float32),
            jax.ShapeDtypeStruct((nr, h), jnp.float32),
        ],
    )(agg, dinv, x, loop_rel, rel_embed, w_loop, w_in, w_out, w_rel,
      gamma, beta)


def kernel(x, edge_index, edge_type, rel_embed, w_loop, w_in, w_out, w_rel,
           loop_rel, bn_gamma, bn_beta):
    n, h = x.shape
    e2 = edge_index.shape[1]
    e = e2 // 2

    chunk = 80
    ept = e // _NS

    row2 = edge_index[0].astype(jnp.int32)
    row4 = row2.reshape(2, _NS, ept // chunk, chunk)
    col = edge_index[1].astype(jnp.int32)
    colx2 = jnp.concatenate([col[:e], col[e:] + n])
    et2 = edge_type.astype(jnp.int32)
    rel_cat = jnp.concatenate([rel_embed, loop_rel], axis=0)

    deg2 = _sc_degree(row4, n)
    xs_cat, dinv = _tc_scale(x, deg2.reshape(2 * n, 1))
    agg2 = _sc_edges(row2, colx2, et2, xs_cat, rel_cat)
    out, rel_out = _tc_final(agg2, dinv, x, loop_rel, rel_embed, w_loop,
                             w_in, w_out, w_rel,
                             bn_gamma.reshape(1, h), bn_beta.reshape(1, h))
    return out, rel_out

# --- scband reference (transcript-rebuilt; emitter-appended) ---
"""Pipeline reference for scband-comp-gcnconv-24489903522003 (READ-ONLY COPY).

The authoritative reference and input builder live on the scoring server;
editing this copy changes nothing except your own understanding.
"""

import jax, jax.numpy as jnp
import numpy as np

N_NODES = 10000
N_EDGES = 320000  # must be even: first half 'in' edges, second half 'out' edges
HIDDEN = 128
N_REL = 200


def _xavier_normal(key, shape):
    fan_in, fan_out = shape[0], shape[1]
    std = float(np.sqrt(2.0 / (fan_in + fan_out)))
    return jax.random.normal(key, shape, dtype=jnp.float32) * std


def setup_inputs(seed: int = 0) -> dict:
    key = jax.random.key(seed)
    ks = jax.random.split(key, 10)
    x = jax.random.normal(ks[0], (N_NODES, HIDDEN), dtype=jnp.float32)
    # int64 per spec; jax on CPU w/o x64 silently uses int32, which is fine for indexing
    edge_index = jax.random.randint(ks[1], (2, N_EDGES), 0, N_NODES, dtype=jnp.int32)
    edge_type = jax.random.randint(ks[2], (N_EDGES,), 0, N_REL, dtype=jnp.int32)
    rel_embed = jax.random.normal(ks[3], (N_REL, HIDDEN), dtype=jnp.float32)
    w_loop = _xavier_normal(ks[4], (HIDDEN, HIDDEN))
    w_in = _xavier_normal(ks[5], (HIDDEN, HIDDEN))
    w_out = _xavier_normal(ks[6], (HIDDEN, HIDDEN))
    w_rel = _xavier_normal(ks[7], (HIDDEN, HIDDEN))
    loop_rel = _xavier_normal(ks[8], (1, HIDDEN))
    bn_gamma = jnp.ones((HIDDEN,), dtype=jnp.float32)
    bn_beta = jnp.zeros((HIDDEN,), dtype=jnp.float32)
    return {"x": x, "edge_index": edge_index, "edge_type": edge_type,
            "rel_embed": rel_embed, "w_loop": w_loop, "w_in": w_in,
            "w_out": w_out, "w_rel": w_rel, "loop_rel": loop_rel,
            "bn_gamma": bn_gamma, "bn_beta": bn_beta}


def reference(x, edge_index, edge_type, rel_embed, w_loop, w_in, w_out,
              w_rel, loop_rel, bn_gamma, bn_beta):
    # CompGCNConv forward (opn='mult', dropout=0, bias=False, act=identity,
    # BatchNorm1d in training mode -> batch statistics, biased variance)
    rel = jnp.concatenate([rel_embed, loop_rel], axis=0)  # [N_REL+1, H]
    num_edges = edge_index.shape[1] // 2
    num_ent = x.shape[0]
    in_index = edge_index[:, :num_edges]
    out_index = edge_index[:, num_edges:]
    in_type = edge_type[:num_edges]
    out_type = edge_type[num_edges:]

    def compute_norm(ei):
        row, col = ei[0], ei[1]
        ew = jnp.ones((ei.shape[1],), dtype=jnp.float32)
        deg = jax.ops.segment_sum(ew, row, num_segments=num_ent)
        deg_inv = jnp.where(deg > 0, deg ** (-0.5), 0.0)
        return deg_inv[row] * ew * deg_inv[col]

    def propagate(ei, etype, norm, w):
        # message: x_j = x[edge_index[1]]; rel_transform (mult); mm; norm
        x_j = jnp.take(x, ei[1], axis=0)                 # gather [E, H]
        rel_e = jnp.take(rel, etype, axis=0)             # gather [E, H]
        msg = (x_j * rel_e) @ w                          # [E, H]
        if norm is not None:
            msg = msg * norm[:, None]
        # scatter-add to edge_index[0] with dim_size=num_ent
        return jax.ops.segment_sum(msg, ei[0], num_segments=num_ent)

    in_norm = compute_norm(in_index)
    out_norm = compute_norm(out_index)
    in_res = propagate(in_index, in_type, in_norm, w_in)
    out_res = propagate(out_index, out_type, out_norm, w_out)
    # loop: edge_index = (arange, arange), edge_type = last rel, norm=None
    loop_res = (x * rel[-1][None, :]) @ w_loop

    out = in_res * (1.0 / 3.0) + out_res * (1.0 / 3.0) + loop_res * (1.0 / 3.0)
    # BatchNorm1d (training): biased var, eps=1e-5
    mean = jnp.mean(out, axis=0)
    var = jnp.mean((out - mean[None, :]) ** 2, axis=0)
    out = bn_gamma * (out - mean[None, :]) / jnp.sqrt(var + 1e-5) + bn_beta
    rel_out = (rel @ w_rel)[:-1]
    return out, rel_out


if False:  # reference __main__ guard neutralized (emitter)
    inp = setup_inputs()
    o = reference(**inp)
    print(o[0].shape, o[1].shape)

if __name__ == "__main__":
    import jax
    _d = setup_inputs()
    print(jax.jit(kernel)(*tuple(_d.values())))

</pallas_src>

<mosaic_0001>
#map = affine_map<(d0, d1) -> (0, 0, 0, 0)>
#map1 = affine_map<(d0, d1) -> (0)>
module attributes {stable_mosaic.version = 14 : i64} {
  func.func @deg_kernel(%arg0: i32, %arg1: i32, %arg2: memref<2x16x125x80xi32, #tpu.memory_space<hbm>>, %arg3: memref<20000xf32, #tpu.memory_space<hbm>>, %arg4: memref<80xf32, #tpu.memory_space<vmem>>, %arg5: memref<125x80xi32, #tpu.memory_space<vmem>>, %arg6: memref<1024xf32, #tpu.memory_space<vmem>>, %arg7: memref<10000xf32, #tpu.memory_space<vmem_shared>>, %arg8: memref<!tpu.dma_semaphore, #tpu.memory_space<semaphore_mem>>) attributes {dimension_semantics = [#tpu.dimension_semantics<core_parallel>, #tpu.dimension_semantics<subcore_parallel>], iteration_bounds = array<i64: 2, 16>, scalar_prefetch = 0 : i64, scratch_operands = 5 : i64, tpu.core_type = #tpu.core_type<sc_vector_subcore>, window_params = [{transform_indices = #map}, {transform_indices = #map1}]} {
    %broadcast_in_dim3A = arith.constant 1.000000e+00 : f32
    %broadcast_in_dim3A_0 = vector.broadcast %broadcast_in_dim3A : f32 to vector<16xf32>
    %swap3A = arith.constant 0 : index
    %swap3A_1 = tpu.vector_load %arg4[%swap3A] {strides = array<i32>} : memref<80xf32, #tpu.memory_space<vmem>>, vector<16xf32>,
    %swap3A_2 = vector.shape_cast %swap3A_1 : vector<16xf32> to vector<16xf32>
    %swap3A_3 = vector.shape_cast %broadcast_in_dim3A_0 : vector<16xf32> to vector<16xf32>
    tpu.vector_store %arg4[%swap3A], %swap3A_3 {strides = array<i32>} : memref<80xf32, #tpu.memory_space<vmem>>, vector<16xf32>,
    %broadcast_in_dim3A_4 = arith.constant 1.000000e+00 : f32
    %broadcast_in_dim3A_5 = vector.broadcast %broadcast_in_dim3A_4 : f32 to vector<16xf32>
    %swap3A_6 = arith.constant 16 : index
    %swap3A_7 = tpu.vector_load %arg4[%swap3A_6] {strides = array<i32>} : memref<80xf32, #tpu.memory_space<vmem>>, vector<16xf32>,
    %swap3A_8 = vector.shape_cast %swap3A_7 : vector<16xf32> to vector<16xf32>
    %swap3A_9 = vector.shape_cast %broadcast_in_dim3A_5 : vector<16xf32> to vector<16xf32>
    tpu.vector_store %arg4[%swap3A_6], %swap3A_9 {strides = array<i32>} : memref<80xf32, #tpu.memory_space<vmem>>, vector<16xf32>,
    %broadcast_in_dim3A_10 = arith.constant 1.000000e+00 : f32
    %broadcast_in_dim3A_11 = vector.broadcast %broadcast_in_dim3A_10 : f32 to vector<16xf32>
    %swap3A_12 = arith.constant 32 : index
    %swap3A_13 = tpu.vector_load %arg4[%swap3A_12] {strides = array<i32>} : memref<80xf32, #tpu.memory_space<vmem>>, vector<16xf32>,
    %swap3A_14 = vector.shape_cast %swap3A_13 : vector<16xf32> to vector<16xf32>
    %swap3A_15 = vector.shape_cast %broadcast_in_dim3A_11 : vector<16xf32> to vector<16xf32>
    tpu.vector_store %arg4[%swap3A_12], %swap3A_15 {strides = array<i32>} : memref<80xf32, #tpu.memory_space<vmem>>, vector<16xf32>,
    %broadcast_in_dim3A_16 = arith.constant 1.000000e+00 : f32
    %broadcast_in_dim3A_17 = vector.broadcast %broadcast_in_dim3A_16 : f32 to vector<16xf32>
    %swap3A_18 = arith.constant 48 : index
    %swap3A_19 = tpu.vector_load %arg4[%swap3A_18] {strides = array<i32>} : memref<80xf32, #tpu.memory_space<vmem>>, vector<16xf32>,
    %swap3A_20 = vector.shape_cast %swap3A_19 : vector<16xf32> to vector<16xf32>
    %swap3A_21 = vector.shape_cast %broadcast_in_dim3A_17 : vector<16xf32> to vector<16xf32>
    tpu.vector_store %arg4[%swap3A_18], %swap3A_21 {strides = array<i32>} : memref<80xf32, #tpu.memory_space<vmem>>, vector<16xf32>,
    %broadcast_in_dim3A_22 = arith.constant 1.000000e+00 : f32
    %broadcast_in_dim3A_23 = vector.broadcast %broadcast_in_dim3A_22 : f32 to vector<16xf32>
    %swap3A_24 = arith.constant 64 : index
    %swap3A_25 = tpu.vector_load %arg4[%swap3A_24] {strides = array<i32>} : memref<80xf32, #tpu.memory_space<vmem>>, vector<16xf32>,
    %swap3A_26 = vector.shape_cast %swap3A_25 : vector<16xf32> to vector<16xf32>
    %swap3A_27 = vector.shape_cast %broadcast_in_dim3A_23 : vector<16xf32> to vector<16xf32>
    tpu.vector_store %arg4[%swap3A_24], %swap3A_27 {strides = array<i32>} : memref<80xf32, #tpu.memory_space<vmem>>, vector<16xf32>,
    %broadcast_in_dim3A_28 = arith.constant 0.000000e+00 : f32
    %broadcast_in_dim3A_29 = vector.broadcast %broadcast_in_dim3A_28 : f32 to vector<16xf32>
    %swap3A_30 = arith.constant 0 : index
    %swap3A_31 = tpu.vector_load %arg6[%swap3A_30] {strides = array<i32>} : memref<1024xf32, #tpu.memory_space<vmem>>, vector<16xf32>,
    %swap3A_32 = vector.shape_cast %swap3A_31 : vector<16xf32> to vector<16xf32>
    %swap3A_33 = vector.shape_cast %broadcast_in_dim3A_29 : vector<16xf32> to vector<16xf32>
    tpu.vector_store %arg6[%swap3A_30], %swap3A_33 {strides = array<i32>} : memref<1024xf32, #tpu.memory_space<vmem>>, vector<16xf32>,
    %broadcast_in_dim3A_34 = arith.constant 0.000000e+00 : f32
    %broadcast_in_dim3A_35 = vector.broadcast %broadcast_in_dim3A_34 : f32 to vector<16xf32>
    %swap3A_36 = arith.constant 16 : index
    %swap3A_37 = tpu.vector_load %arg6[%swap3A_36] {strides = array<i32>} : memref<1024xf32, #tpu.memory_space<vmem>>, vector<16xf32>,
    %swap3A_38 = vector.shape_cast %swap3A_37 : vector<16xf32> to vector<16xf32>
    %swap3A_39 = vector.shape_cast %broadcast_in_dim3A_35 : vector<16xf32> to vector<16xf32>
    tpu.vector_store %arg6[%swap3A_36], %swap3A_39 {strides = array<i32>} : memref<1024xf32, #tpu.memory_space<vmem>>, vector<16xf32>,
    %broadcast_in_dim3A_40 = arith.constant 0.000000e+00 : f32
    %broadcast_in_dim3A_41 = vector.broadcast %broadcast_in_dim3A_40 : f32 to vector<16xf32>
    %swap3A_42 = arith.constant 32 : index
    %swap3A_43 = tpu.vector_load %arg6[%swap3A_42] {strides = array<i32>} : memref<1024xf32, #tpu.memory_space<vmem>>, vector<16xf32>,
    %swap3A_44 = vector.shape_cast %swap3A_43 : vector<16xf32> to vector<16xf32>
    %swap3A_45 = vector.shape_cast %broadcast_in_dim3A_41 : vector<16xf32> to vector<16xf32>
    tpu.vector_store %arg6[%swap3A_42], %swap3A_45 {strides = array<i32>} : memref<1024xf32, #tpu.memory_space<vmem>>, vector<16xf32>,
    %broadcast_in_dim3A_46 = arith.constant 0.000000e+00 : f32
    %broadcast_in_dim3A_47 = vector.broadcast %broadcast_in_dim3A_46 : f32 to vector<16xf32>
    %swap3A_48 = arith.constant 48 : index
    %swap3A_49 = tpu.vector_load %arg6[%swap3A_48] {strides = array<i32>} : memref<1024xf32, #tpu.memory_space<vmem>>, vector<16xf32>,
    %swap3A_50 = vector.shape_cast %swap3A_49 : vector<16xf32> to vector<16xf32>
    %swap3A_51 = vector.shape_cast %broadcast_in_dim3A_47 : vector<16xf32> to vector<16xf32>
    tpu.vector_store %arg6[%swap3A_48], %swap3A_51 {strides = array<i32>} : memref<1024xf32, #tpu.memory_space<vmem>>, vector<16xf32>,
    %broadcast_in_dim3A_52 = arith.constant 0.000000e+00 : f32
    %broadcast_in_dim3A_53 = vector.broadcast %broadcast_in_dim3A_52 : f32 to vector<16xf32>
    %swap3A_54 = arith.constant 64 : index
    %swap3A_55 = tpu.vector_load %arg6[%swap3A_54] {strides = array<i32>} : memref<1024xf32, #tpu.memory_space<vmem>>, vector<16xf32>,
    %swap3A_56 = vector.shape_cast %swap3A_55 : vector<16xf32> to vector<16xf32>
    %swap3A_57 = vector.shape_cast %broadcast_in_dim3A_53 : vector<16xf32> to vector<16xf32>
    tpu.vector_store %arg6[%swap3A_54], %swap3A_57 {strides = array<i32>} : memref<1024xf32, #tpu.memory_space<vmem>>, vector<16xf32>,
    %broadcast_in_dim3A_58 = arith.constant 0.000000e+00 : f32
    %broadcast_in_dim3A_59 = vector.broadcast %broadcast_in_dim3A_58 : f32 to vector<16xf32>
    %swap3A_60 = arith.constant 80 : index
    %swap3A_61 = tpu.vector_load %arg6[%swap3A_60] {strides = array<i32>} : memref<1024xf32, #tpu.memory_space<vmem>>, vector<16xf32>,
    %swap3A_62 = vector.shape_cast %swap3A_61 : vector<16xf32> to vector<16xf32>
    %swap3A_63 = vector.shape_cast %broadcast_in_dim3A_59 : vector<16xf32> to vector<16xf32>
    tpu.vector_store %arg6[%swap3A_60], %swap3A_63 {strides = array<i32>} : memref<1024xf32, #tpu.memory_space<vmem>>, vector<16xf32>,
    %broadcast_in_dim3A_64 = arith.constant 0.000000e+00 : f32
    %broadcast_in_dim3A_65 = vector.broadcast %broadcast_in_dim3A_64 : f32 to vector<16xf32>
    %swap3A_66 = arith.constant 96 : index
    %swap3A_67 = tpu.vector_load %arg6[%swap3A_66] {strides = array<i32>} : memref<1024xf32, #tpu.memory_space<vmem>>, vector<16xf32>,
    %swap3A_68 = vector.shape_cast %swap3A_67 : vector<16xf32> to vector<16xf32>
    %swap3A_69 = vector.shape_cast %broadcast_in_dim3A_65 : vector<16xf32> to vector<16xf32>
    tpu.vector_store %arg6[%swap3A_66], %swap3A_69 {strides = array<i32>} : memref<1024xf32, #tpu.memory_space<vmem>>, vector<16xf32>,
    %broadcast_in_dim3A_70 = arith.constant 0.000000e+00 : f32
    %broadcast_in_dim3A_71 = vector.broadcast %broadcast_in_dim3A_70 : f32 to vector<16xf32>
    %swap3A_72 = arith.constant 112 : index
    %swap3A_73 = tpu.vector_load %arg6[%swap3A_72] {strides = array<i32>} : memref<1024xf32, #tpu.memory_space<vmem>>, vector<16xf32>,
    %swap3A_74 = vector.shape_cast %swap3A_73 : vector<16xf32> to vector<16xf32>
    %swap3A_75 = vector.shape_cast %broadcast_in_dim3A_71 : vector<16xf32> to vector<16xf32>
    tpu.vector_store %arg6[%swap3A_72], %swap3A_75 {strides = array<i32>} : memref<1024xf32, #tpu.memory_space<vmem>>, vector<16xf32>,
    %broadcast_in_dim3A_76 = arith.constant 0.000000e+00 : f32
    %broadcast_in_dim3A_77 = vector.broadcast %broadcast_in_dim3A_76 : f32 to vector<16xf32>
    %swap3A_78 = arith.constant 128 : index
    %swap3A_79 = tpu.vector_load %arg6[%swap3A_78] {strides = array<i32>} : memref<1024xf32, #tpu.memory_space<vmem>>, vector<16xf32>,
    %swap3A_80 = vector.shape_cast %swap3A_79 : vector<16xf32> to vector<16xf32>
    %swap3A_81 = vector.shape_cast %broadcast_in_dim3A_77 : vector<16xf32> to vector<16xf32>
    tpu.vector_store %arg6[%swap3A_78], %swap3A_81 {strides = array<i32>} : memref<1024xf32, #tpu.memory_space<vmem>>, vector<16xf32>,
    %broadcast_in_dim3A_82 = arith.constant 0.000000e+00 : f32
    %broadcast_in_dim3A_83 = vector.broadcast %broadcast_in_dim3A_82 : f32 to vector<16xf32>
    %swap3A_84 = arith.constant 144 : index
    %swap3A_85 = tpu.vector_load %arg6[%swap3A_84] {strides = array<i32>} : memref<1024xf32, #tpu.memory_space<vmem>>, vector<16xf32>,
    %swap3A_86 = vector.shape_cast %swap3A_85 : vector<16xf32> to vector<16xf32>
    %swap3A_87 = vector.shape_cast %broadcast_in_dim3A_83 : vector<16xf32> to vector<16xf32>
    tpu.vector_store %arg6[%swap3A_84], %swap3A_87 {strides = array<i32>} : memref<1024xf32, #tpu.memory_space<vmem>>, vector<16xf32>,
    %broadcast_in_dim3A_88 = arith.constant 0.000000e+00 : f32
    %broadcast_in_dim3A_89 = vector.broadcast %broadcast_in_dim3A_88 : f32 to vector<16xf32>
    %swap3A_90 = arith.constant 160 : index
    %swap3A_91 = tpu.vector_load %arg6[%swap3A_90] {strides = array<i32>} : memref<1024xf32, #tpu.memory_space<vmem>>, vector<16xf32>,
    %swap3A_92 = vector.shape_cast %swap3A_91 : vector<16xf32> to vector<16xf32>
    %swap3A_93 = vector.shape_cast %broadcast_in_dim3A_89 : vector<16xf32> to vector<16xf32>
    tpu.vector_store %arg6[%swap3A_90], %swap3A_93 {strides = array<i32>} : memref<1024xf32, #tpu.memory_space<vmem>>, vector<16xf32>,
    %broadcast_in_dim3A_94 = arith.constant 0.000000e+00 : f32
    %broadcast_in_dim3A_95 = vector.broadcast %broadcast_in_dim3A_94 : f32 to vector<16xf32>
    %swap3A_96 = arith.constant 176 : index
    %swap3A_97 = tpu.vector_load %arg6[%swap3A_96] {strides = array<i32>} : memref<1024xf32, #tpu.memory_space<vmem>>, vector<16xf32>,
    %swap3A_98 = vector.shape_cast %swap3A_97 : vector<16xf32> to vector<16xf32>
    %swap3A_99 = vector.shape_cast %broadcast_in_dim3A_95 : vector<16xf32> to vector<16xf32>
    tpu.vector_store %arg6[%swap3A_96], %swap3A_99 {strides = array<i32>} : memref<1024xf32, #tpu.memory_space<vmem>>, vector<16xf32>,
    %broadcast_in_dim3A_100 = arith.constant 0.000000e+00 : f32
    %broadcast_in_dim3A_101 = vector.broadcast %broadcast_in_dim3A_100 : f32 to vector<16xf32>
    %swap3A_102 = arith.constant 192 : index
    %swap3A_103 = tpu.vector_load %arg6[%swap3A_102] {strides = array<i32>} : memref<1024xf32, #tpu.memory_space<vmem>>, vector<16xf32>,
    %swap3A_104 = vector.shape_cast %swap3A_103 : vector<16xf32> to vector<16xf32>
    %swap3A_105 = vector.shape_cast %broadcast_in_dim3A_101 : vector<16xf32> to vector<16xf32>
    tpu.vector_store %arg6[%swap3A_102], %swap3A_105 {strides = array<i32>} : memref<1024xf32, #tpu.memory_space<vmem>>, vector<16xf32>,
    %broadcast_in_dim3A_106 = arith.constant 0.000000e+00 : f32
    %broadcast_in_dim3A_107 = vector.broadcast %broadcast_in_dim3A_106 : f32 to vector<16xf32>
    %swap3A_108 = arith.constant 208 : index
    %swap3A_109 = tpu.vector_load %arg6[%swap3A_108] {strides = array<i32>} : memref<1024xf32, #tpu.memory_space<vmem>>, vector<16xf32>,
    %swap3A_110 = vector.shape_cast %swap3A_109 : vector<16xf32> to vector<16xf32>
    %swap3A_111 = vector.shape_cast %broadcast_in_dim3A_107 : vector<16xf32> to vector<16xf32>
    tpu.vector_store %arg6[%swap3A_108], %swap3A_111 {strides = array<i32>} : memref<1024xf32, #tpu.memory_space<vmem>>, vector<16xf32>,
    %broadcast_in_dim3A_112 = arith.constant 0.000000e+00 : f32
    %broadcast_in_dim3A_113 = vector.broadcast %broadcast_in_dim3A_112 : f32 to vector<16xf32>
    %swap3A_114 = arith.constant 224 : index
    %swap3A_115 = tpu.vector_load %arg6[%swap3A_114] {strides = array<i32>} : memref<1024xf32, #tpu.memory_space<vmem>>, vector<16xf32>,
    %swap3A_116 = vector.shape_cast %swap3A_115 : vector<16xf32> to vector<16xf32>
    %swap3A_117 = vector.shape_cast %broadcast_in_dim3A_113 : vector<16xf32> to vector<16xf32>
    tpu.vector_store %arg6[%swap3A_114], %swap3A_117 {strides = array<i32>} : memref<1024xf32, #tpu.memory_space<vmem>>, vector<16xf32>,
    %broadcast_in_dim3A_118 = arith.constant 0.000000e+00 : f32
    %broadcast_in_dim3A_119 = vector.broadcast %broadcast_in_dim3A_118 : f32 to vector<16xf32>
    %swap3A_120 = arith.constant 240 : index
    %swap3A_121 = tpu.vector_load %arg6[%swap3A_120] {strides = array<i32>} : memref<1024xf32, #tpu.memory_space<vmem>>, vector<16xf32>,
    %swap3A_122 = vector.shape_cast %swap3A_121 : vector<16xf32> to vector<16xf32>
    %swap3A_123 = vector.shape_cast %broadcast_in_dim3A_119 : vector<16xf32> to vector<16xf32>
    tpu.vector_store %arg6[%swap3A_120], %swap3A_123 {strides = array<i32>} : memref<1024xf32, #tpu.memory_space<vmem>>, vector<16xf32>,
    %broadcast_in_dim3A_124 = arith.constant 0.000000e+00 : f32
    %broadcast_in_dim3A_125 = vector.broadcast %broadcast_in_dim3A_124 : f32 to vector<16xf32>
    %swap3A_126 = arith.constant 256 : index
    %swap3A_127 = tpu.vector_load %arg6[%swap3A_126] {strides = array<i32>} : memref<1024xf32, #tpu.memory_space<vmem>>, vector<16xf32>,
    %swap3A_128 = vector.shape_cast %swap3A_127 : vector<16xf32> to vector<16xf32>
    %swap3A_129 = vector.shape_cast %broadcast_in_dim3A_125 : vector<16xf32> to vector<16xf32>
    tpu.vector_store %arg6[%swap3A_126], %swap3A_129 {strides = array<i32>} : memref<1024xf32, #tpu.memory_space<vmem>>, vector<16xf32>,
    %broadcast_in_dim3A_130 = arith.constant 0.000000e+00 : f32
    %broadcast_in_dim3A_131 = vector.broadcast %broadcast_in_dim3A_130 : f32 to vector<16xf32>
    %swap3A_132 = arith.constant 272 : index
    %swap3A_133 = tpu.vector_load %arg6[%swap3A_132] {strides = array<i32>} : memref<1024xf32, #tpu.memory_space<vmem>>, vector<16xf32>,
    %swap3A_134 = vector.shape_cast %swap3A_133 : vector<16xf32> to vector<16xf32>
    %swap3A_135 = vector.shape_cast %broadcast_in_dim3A_131 : vector<16xf32> to vector<16xf32>
    tpu.vector_store %arg6[%swap3A_132], %swap3A_135 {strides = array<i32>} : memref<1024xf32, #tpu.memory_space<vmem>>, vector<16xf32>,
    %broadcast_in_dim3A_136 = arith.constant 0.000000e+00 : f32
    %broadcast_in_dim3A_137 = vector.broadcast %broadcast_in_dim3A_136 : f32 to vector<16xf32>
    %swap3A_138 = arith.constant 288 : index
    %swap3A_139 = tpu.vector_load %arg6[%swap3A_138] {strides = array<i32>} : memref<1024xf32, #tpu.memory_space<vmem>>, vector<16xf32>,
    %swap3A_140 = vector.shape_cast %swap3A_139 : vector<16xf32> to vector<16xf32>
    %swap3A_141 = vector.shape_cast %broadcast_in_dim3A_137 : vector<16xf32> to vector<16xf32>
    tpu.vector_store %arg6[%swap3A_138], %swap3A_141 {strides = array<i32>} : memref<1024xf32, #tpu.memory_space<vmem>>, vector<16xf32>,
    %broadcast_in_dim3A_142 = arith.constant 0.000000e+00 : f32
    %broadcast_in_dim3A_143 = vector.broadcast %broadcast_in_dim3A_142 : f32 to vector<16xf32>
    %swap3A_144 = arith.constant 304 : index
    %swap3A_145 = tpu.vector_load %arg6[%swap3A_144] {strides = array<i32>} : memref<1024xf32, #tpu.memory_space<vmem>>, vector<16xf32>,
    %swap3A_146 = vector.shape_cast %swap3A_145 : vector<16xf32> to vector<16xf32>
    %swap3A_147 = vector.shape_cast %broadcast_in_dim3A_143 : vector<16xf32> to vector<16xf32>
    tpu.vector_store %arg6[%swap3A_144], %swap3A_147 {strides = array<i32>} : memref<1024xf32, #tpu.memory_space<vmem>>, vector<16xf32>,
    %broadcast_in_dim3A_148 = arith.constant 0.000000e+00 : f32
    %broadcast_in_dim3A_149 = vector.broadcast %broadcast_in_dim3A_148 : f32 to vector<16xf32>
    %swap3A_150 = arith.constant 320 : index
    %swap3A_151 = tpu.vector_load %arg6[%swap3A_150] {strides = array<i32>} : memref<1024xf32, #tpu.memory_space<vmem>>, vector<16xf32>,
    %swap3A_152 = vector.shape_cast %swap3A_151 : vector<16xf32> to vector<16xf32>
    %swap3A_153 = vector.shape_cast %broadcast_in_dim3A_149 : vector<16xf32> to vector<16xf32>
    tpu.vector_store %arg6[%swap3A_150], %swap3A_153 {strides = array<i32>} : memref<1024xf32, #tpu.memory_space<vmem>>, vector<16xf32>,
    %broadcast_in_dim3A_154 = arith.constant 0.000000e+00 : f32
    %broadcast_in_dim3A_155 = vector.broadcast %broadcast_in_dim3A_154 : f32 to vector<16xf32>
    %swap3A_156 = arith.constant 336 : index
    %swap3A_157 = tpu.vector_load %arg6[%swap3A_156] {strides = array<i32>} : memref<1024xf32, #tpu.memory_space<vmem>>, vector<16xf32>,
    %swap3A_158 = vector.shape_cast %swap3A_157 : vector<16xf32> to vector<16xf32>
    %swap3A_159 = vector.shape_cast %broadcast_in_dim3A_155 : vector<16xf32> to vector<16xf32>
    tpu.vector_store %arg6[%swap3A_156], %swap3A_159 {strides = array<i32>} : memref<1024xf32, #tpu.memory_space<vmem>>, vector<16xf32>,
    %broadcast_in_dim3A_160 = arith.constant 0.000000e+00 : f32
    %broadcast_in_dim3A_161 = vector.broadcast %broadcast_in_dim3A_160 : f32 to vector<16xf32>
    %swap3A_162 = arith.constant 352 : index
    %swap3A_163 = tpu.vector_load %arg6[%swap3A_162] {strides = array<i32>} : memref<1024xf32, #tpu.memory_space<vmem>>, vector<16xf32>,
    %swap3A_164 = vector.shape_cast %swap3A_163 : vector<16xf32> to vector<16xf32>
    %swap3A_165 = vector.shape_cast %broadcast_in_dim3A_161 : vector<16xf32> to vector<16xf32>
    tpu.vector_store %arg6[%swap3A_162], %swap3A_165 {strides = array<i32>} : memref<1024xf32, #tpu.memory_space<vmem>>, vector<16xf32>,
    %broadcast_in_dim3A_166 = arith.constant 0.000000e+00 : f32
    %broadcast_in_dim3A_167 = vector.broadcast %broadcast_in_dim3A_166 : f32 to vector<16xf32>
    %swap3A_168 = arith.constant 368 : index
    %swap3A_169 = tpu.vector_load %arg6[%swap3A_168] {strides = array<i32>} : memref<1024xf32, #tpu.memory_space<vmem>>, vector<16xf32>,
    %swap3A_170 = vector.shape_cast %swap3A_169 : vector<16xf32> to vector<16xf32>
    %swap3A_171 = vector.shape_cast %broadcast_in_dim3A_167 : vector<16xf32> to vector<16xf32>
    tpu.vector_store %arg6[%swap3A_168], %swap3A_171 {strides = array<i32>} : memref<1024xf32, #tpu.memory_space<vmem>>, vector<16xf32>,
    %broadcast_in_dim3A_172 = arith.constant 0.000000e+00 : f32
    %broadcast_in_dim3A_173 = vector.broadcast %broadcast_in_dim3A_172 : f32 to vector<16xf32>
    %swap3A_174 = arith.constant 384 : index
    %swap3A_175 = tpu.vector_load %arg6[%swap3A_174] {strides = array<i32>} : memref<1024xf32, #tpu.memory_space<vmem>>, vector<16xf32>,
    %swap3A_176 = vector.shape_cast %swap3A_175 : vector<16xf32> to vector<16xf32>
    %swap3A_177 = vector.shape_cast %broadcast_in_dim3A_173 : vector<16xf32> to vector<16xf32>
    tpu.vector_store %arg6[%swap3A_174], %swap3A_177 {strides = array<i32>} : memref<1024xf32, #tpu.memory_space<vmem>>, vector<16xf32>,
    %broadcast_in_dim3A_178 = arith.constant 0.000000e+00 : f32
    %broadcast_in_dim3A_179 = vector.broadcast %broadcast_in_dim3A_178 : f32 to vector<16xf32>
    %swap3A_180 = arith.constant 400 : index
    %swap3A_181 = tpu.vector_load %arg6[%swap3A_180] {strides = array<i32>} : memref<1024xf32, #tpu.memory_space<vmem>>, vector<16xf32>,
    %swap3A_182 = vector.shape_cast %swap3A_181 : vector<16xf32> to vector<16xf32>
    %swap3A_183 = vector.shape_cast %broadcast_in_dim3A_179 : vector<16xf32> to vector<16xf32>
    tpu.vector_store %arg6[%swap3A_180], %swap3A_183 {strides = array<i32>} : memref<1024xf32, #tpu.memory_space<vmem>>, vector<16xf32>,
    %broadcast_in_dim3A_184 = arith.constant 0.000000e+00 : f32
    %broadcast_in_dim3A_185 = vector.broadcast %broadcast_in_dim3A_184 : f32 to vector<16xf32>
    %swap3A_186 = arith.constant 416 : index
    %swap3A_187 = tpu.vector_load %arg6[%swap3A_186] {strides = array<i32>} : memref<1024xf32, #tpu.memory_space<vmem>>, vector<16xf32>,
    %swap3A_188 = vector.shape_cast %swap3A_187 : vector<16xf32> to vector<16xf32>
    %swap3A_189 = vector.shape_cast %broadcast_in_dim3A_185 : vector<16xf32> to vector<16xf32>
    tpu.vector_store %arg6[%swap3A_186], %swap3A_189 {strides = array<i32>} : memref<1024xf32, #tpu.memory_space<vmem>>, vector<16xf32>,
    %broadcast_in_dim3A_190 = arith.constant 0.000000e+00 : f32
    %broadcast_in_dim3A_191 = vector.broadcast %broadcast_in_dim3A_190 : f32 to vector<16xf32>
    %swap3A_192 = arith.constant 432 : index
    %swap3A_193 = tpu.vector_load %arg6[%swap3A_192] {strides = array<i32>} : memref<1024xf32, #tpu.memory_space<vmem>>, vector<16xf32>,
    %swap3A_194 = vector.shape_cast %swap3A_193 : vector<16xf32> to vector<16xf32>
    %swap3A_195 = vector.shape_cast %broadcast_in_dim3A_191 : vector<16xf32> to vector<16xf32>
    tpu.vector_store %arg6[%swap3A_192], %swap3A_195 {strides = array<i32>} : memref<1024xf32, #tpu.memory_space<vmem>>, vector<16xf32>,
    %broadcast_in_dim3A_196 = arith.constant 0.000000e+00 : f32
    %broadcast_in_dim3A_197 = vector.broadcast %broadcast_in_dim3A_196 : f32 to vector<16xf32>
    %swap3A_198 = arith.constant 448 : index
    %swap3A_199 = tpu.vector_load %arg6[%swap3A_198] {strides = array<i32>} : memref<1024xf32, #tpu.memory_space<vmem>>, vector<16xf32>,
    %swap3A_200 = vector.shape_cast %swap3A_199 : vector<16xf32> to vector<16xf32>
    %swap3A_201 = vector.shape_cast %broadcast_in_dim3A_197 : vector<16xf32> to vector<16xf32>
    tpu.vector_store %arg6[%swap3A_198], %swap3A_201 {strides = array<i32>} : memref<1024xf32, #tpu.memory_space<vmem>>, vector<16xf32>,
    %broadcast_in_dim3A_202 = arith.constant 0.000000e+00 : f32
    %broadcast_in_dim3A_203 = vector.broadcast %broadcast_in_dim3A_202 : f32 to vector<16xf32>
    %swap3A_204 = arith.constant 464 : index
    %swap3A_205 = tpu.vector_load %arg6[%swap3A_204] {strides = array<i32>} : memref<1024xf32, #tpu.memory_space<vmem>>, vector<16xf32>,
    %swap3A_206 = vector.shape_cast %swap3A_205 : vector<16xf32> to vector<16xf32>
    %swap3A_207 = vector.shape_cast %broadcast_in_dim3A_203 : vector<16xf32> to vector<16xf32>
    tpu.vector_store %arg6[%swap3A_204], %swap3A_207 {strides = array<i32>} : memref<1024xf32, #tpu.memory_space<vmem>>, vector<16xf32>,
    %broadcast_in_dim3A_208 = arith.constant 0.000000e+00 : f32
    %broadcast_in_dim3A_209 = vector.broadcast %broadcast_in_dim3A_208 : f32 to vector<16xf32>
    %swap3A_210 = arith.constant 480 : index
    %swap3A_211 = tpu.vector_load %arg6[%swap3A_210] {strides = array<i32>} : memref<1024xf32, #tpu.memory_space<vmem>>, vector<16xf32>,
    %swap3A_212 = vector.shape_cast %swap3A_211 : vector<16xf32> to vector<16xf32>
    %swap3A_213 = vector.shape_cast %broadcast_in_dim3A_209 : vector<16xf32> to vector<16xf32>
    tpu.vector_store %arg6[%swap3A_210], %swap3A_213 {strides = array<i32>} : memref<1024xf32, #tpu.memory_space<vmem>>, vector<16xf32>,
    %broadcast_in_dim3A_214 = arith.constant 0.000000e+00 : f32
    %broadcast_in_dim3A_215 = vector.broadcast %broadcast_in_dim3A_214 : f32 to vector<16xf32>
    %swap3A_216 = arith.constant 496 : index
    %swap3A_217 = tpu.vector_load %arg6[%swap3A_216] {strides = array<i32>} : memref<1024xf32, #tpu.memory_space<vmem>>, vector<16xf32>,
    %swap3A_218 = vector.shape_cast %swap3A_217 : vector<16xf32> to vector<16xf32>
    %swap3A_219 = vector.shape_cast %broadcast_in_dim3A_215 : vector<16xf32> to vector<16xf32>
    tpu.vector_store %arg6[%swap3A_216], %swap3A_219 {strides = array<i32>} : memref<1024xf32, #tpu.memory_space<vmem>>, vector<16xf32>,
    %broadcast_in_dim3A_220 = arith.constant 0.000000e+00 : f32
    %broadcast_in_dim3A_221 = vector.broadcast %broadcast_in_dim3A_220 : f32 to vector<16xf32>
    %swap3A_222 = arith.constant 512 : index
    %swap3A_223 = tpu.vector_load %arg6[%swap3A_222] {strides = array<i32>} : memref<1024xf32, #tpu.memory_space<vmem>>, vector<16xf32>,
    %swap3A_224 = vector.shape_cast %swap3A_223 : vector<16xf32> to vector<16xf32>
    %swap3A_225 = vector.shape_cast %broadcast_in_dim3A_221 : vector<16xf32> to vector<16xf32>
    tpu.vector_store %arg6[%swap3A_222], %swap3A_225 {strides = array<i32>} : memref<1024xf32, #tpu.memory_space<vmem>>, vector<16xf32>,
    %broadcast_in_dim3A_226 = arith.constant 0.000000e+00 : f32
    %broadcast_in_dim3A_227 = vector.broadcast %broadcast_in_dim3A_226 : f32 to vector<16xf32>
    %swap3A_228 = arith.constant 528 : index
    %swap3A_229 = tpu.vector_load %arg6[%swap3A_228] {strides = array<i32>} : memref<1024xf32, #tpu.memory_space<vmem>>, vector<16xf32>,
    %swap3A_230 = vector.shape_cast %swap3A_229 : vector<16xf32> to vector<16xf32>
    %swap3A_231 = vector.shape_cast %broadcast_in_dim3A_227 : vector<16xf32> to vector<16xf32>
    tpu.vector_store %arg6[%swap3A_228], %swap3A_231 {strides = array<i32>} : memref<1024xf32, #tpu.memory_space<vmem>>, vector<16xf32>,
    %broadcast_in_dim3A_232 = arith.constant 0.000000e+00 : f32
    %broadcast_in_dim3A_233 = vector.broadcast %broadcast_in_dim3A_232 : f32 to vector<16xf32>
    %swap3A_234 = arith.constant 544 : index
    %swap3A_235 = tpu.vector_load %arg6[%swap3A_234] {strides = array<i32>} : memref<1024xf32, #tpu.memory_space<vmem>>, vector<16xf32>,
    %swap3A_236 = vector.shape_cast %swap3A_235 : vector<16xf32> to vector<16xf32>
    %swap3A_237 = vector.shape_cast %broadcast_in_dim3A_233 : vector<16xf32> to vector<16xf32>
    tpu.vector_store %arg6[%swap3A_234], %swap3A_237 {strides = array<i32>} : memref<1024xf32, #tpu.memory_space<vmem>>, vector<16xf32>,
    %broadcast_in_dim3A_238 = arith.constant 0.000000e+00 : f32
    %broadcast_in_dim3A_239 = vector.broadcast %broadcast_in_dim3A_238 : f32 to vector<16xf32>
    %swap3A_240 = arith.constant 560 : index
    %swap3A_241 = tpu.vector_load %arg6[%swap3A_240] {strides = array<i32>} : memref<1024xf32, #tpu.memory_space<vmem>>, vector<16xf32>,
    %swap3A_242 = vector.shape_cast %swap3A_241 : vector<16xf32> to vector<16xf32>
    %swap3A_243 = vector.shape_cast %broadcast_in_dim3A_239 : vector<16xf32> to vector<16xf32>
    tpu.vector_store %arg6[%swap3A_240], %swap3A_243 {strides = array<i32>} : memref<1024xf32, #tpu.memory_space<vmem>>, vector<16xf32>,
    %broadcast_in_dim3A_244 = arith.constant 0.000000e+00 : f32
    %broadcast_in_dim3A_245 = vector.broadcast %broadcast_in_dim3A_244 : f32 to vector<16xf32>
    %swap3A_246 = arith.constant 576 : index
    %swap3A_247 = tpu.vector_load %arg6[%swap3A_246] {strides = array<i32>} : memref<1024xf32, #tpu.memory_space<vmem>>, vector<16xf32>,
    %swap3A_248 = vector.shape_cast %swap3A_247 : vector<16xf32> to vector<16xf32>
    %swap3A_249 = vector.shape_cast %broadcast_in_dim3A_245 : vector<16xf32> to vector<16xf32>
    tpu.vector_store %arg6[%swap3A_246], %swap3A_249 {strides = array<i32>} : memref<1024xf32, #tpu.memory_space<vmem>>, vector<16xf32>,
    %broadcast_in_dim3A_250 = arith.constant 0.000000e+00 : f32
    %broadcast_in_dim3A_251 = vector.broadcast %broadcast_in_dim3A_250 : f32 to vector<16xf32>
    %swap3A_252 = arith.constant 592 : index
    %swap3A_253 = tpu.vector_load %arg6[%swap3A_252] {strides = array<i32>} : memref<1024xf32, #tpu.memory_space<vmem>>, vector<16xf32>,
    %swap3A_254 = vector.shape_cast %swap3A_253 : vector<16xf32> to vector<16xf32>
    %swap3A_255 = vector.shape_cast %broadcast_in_dim3A_251 : vector<16xf32> to vector<16xf32>
    tpu.vector_store %arg6[%swap3A_252], %swap3A_255 {strides = array<i32>} : memref<1024xf32, #tpu.memory_space<vmem>>, vector<16xf32>,
    %broadcast_in_dim3A_256 = arith.constant 0.000000e+00 : f32
    %broadcast_in_dim3A_257 = vector.broadcast %broadcast_in_dim3A_256 : f32 to vector<16xf32>
    %swap3A_258 = arith.constant 608 : index
    %swap3A_259 = tpu.vector_load %arg6[%swap3A_258] {strides = array<i32>} : memref<1024xf32, #tpu.memory_space<vmem>>, vector<16xf32>,
    %swap3A_260 = vector.shape_cast %swap3A_259 : vector<16xf32> to vector<16xf32>
    %swap3A_261 = vector.shape_cast %broadcast_in_dim3A_257 : vector<16xf32> to vector<16xf32>
    tpu.vector_store %arg6[%swap3A_258], %swap3A_261 {strides = array<i32>} : memref<1024xf32, #tpu.memory_space<vmem>>, vector<16xf32>,
    %broadcast_in_dim3A_262 = arith.constant 0.000000e+00 : f32
    %broadcast_in_dim3A_263 = vector.broadcast %broadcast_in_dim3A_262 : f32 to vector<16xf32>
    %swap3A_264 = arith.constant 624 : index
    %swap3A_265 = tpu.vector_load %arg6[%swap3A_264] {strides = array<i32>} : memref<1024xf32, #tpu.memory_space<vmem>>, vector<16xf32>,
    %swap3A_266 = vector.shape_cast %swap3A_265 : vector<16xf32> to vector<16xf32>
    %swap3A_267 = vector.shape_cast %broadcast_in_dim3A_263 : vector<16xf32> to vector<16xf32>
    tpu.vector_store %arg6[%swap3A_264], %swap3A_267 {strides = array<i32>} : memref<1024xf32, #tpu.memory_space<vmem>>, vector<16xf32>,
    %broadcast_in_dim3A_268 = arith.constant 0.000000e+00 : f32
    %broadcast_in_dim3A_269 = vector.broadcast %broadcast_in_dim3A_268 : f32 to vector<16xf32>
    %swap3A_270 = arith.constant 640 : index
    %swap3A_271 = tpu.vector_load %arg6[%swap3A_270] {strides = array<i32>} : memref<1024xf32, #tpu.memory_space<vmem>>, vector<16xf32>,
    %swap3A_272 = vector.shape_cast %swap3A_271 : vector<16xf32> to vector<16xf32>
    %swap3A_273 = vector.shape_cast %broadcast_in_dim3A_269 : vector<16xf32> to vector<16xf32>
    tpu.vector_store %arg6[%swap3A_270], %swap3A_273 {strides = array<i32>} : memref<1024xf32, #tpu.memory_space<vmem>>, vector<16xf32>,
    %broadcast_in_dim3A_274 = arith.constant 0.000000e+00 : f32
    %broadcast_in_dim3A_275 = vector.broadcast %broadcast_in_dim3A_274 : f32 to vector<16xf32>
    %swap3A_276 = arith.constant 656 : index
    %swap3A_277 = tpu.vector_load %arg6[%swap3A_276] {strides = array<i32>} : memref<1024xf32, #tpu.memory_space<vmem>>, vector<16xf32>,
    %swap3A_278 = vector.shape_cast %swap3A_277 : vector<16xf32> to vector<16xf32>
    %swap3A_279 = vector.shape_cast %broadcast_in_dim3A_275 : vector<16xf32> to vector<16xf32>
    tpu.vector_store %arg6[%swap3A_276], %swap3A_279 {strides = array<i32>} : memref<1024xf32, #tpu.memory_space<vmem>>, vector<16xf32>,
    %broadcast_in_dim3A_280 = arith.constant 0.000000e+00 : f32
    %broadcast_in_dim3A_281 = vector.broadcast %broadcast_in_dim3A_280 : f32 to vector<16xf32>
    %swap3A_282 = arith.constant 672 : index
    %swap3A_283 = tpu.vector_load %arg6[%swap3A_282] {strides = array<i32>} : memref<1024xf32, #tpu.memory_space<vmem>>, vector<16xf32>,
    %swap3A_284 = vector.shape_cast %swap3A_283 : vector<16xf32> to vector<16xf32>
    %swap3A_285 = vector.shape_cast %broadcast_in_dim3A_281 : vector<16xf32> to vector<16xf32>
    tpu.vector_store %arg6[%swap3A_282], %swap3A_285 {strides = array<i32>} : memref<1024xf32, #tpu.memory_space<vmem>>, vector<16xf32>,
    %broadcast_in_dim3A_286 = arith.constant 0.000000e+00 : f32
    %broadcast_in_dim3A_287 = vector.broadcast %broadcast_in_dim3A_286 : f32 to vector<16xf32>
    %swap3A_288 = arith.constant 688 : index
    %swap3A_289 = tpu.vector_load %arg6[%swap3A_288] {strides = array<i32>} : memref<1024xf32, #tpu.memory_space<vmem>>, vector<16xf32>,
    %swap3A_290 = vector.shape_cast %swap3A_289 : vector<16xf32> to vector<16xf32>
    %swap3A_291 = vector.shape_cast %broadcast_in_dim3A_287 : vector<16xf32> to vector<16xf32>
    tpu.vector_store %arg6[%swap3A_288], %swap3A_291 {strides = array<i32>} : memref<1024xf32, #tpu.memory_space<vmem>>, vector<16xf32>,
    %broadcast_in_dim3A_292 = arith.constant 0.000000e+00 : f32
    %broadcast_in_dim3A_293 = vector.broadcast %broadcast_in_dim3A_292 : f32 to vector<16xf32>
    %swap3A_294 = arith.constant 704 : index
    %swap3A_295 = tpu.vector_load %arg6[%swap3A_294] {strides = array<i32>} : memref<1024xf32, #tpu.memory_space<vmem>>, vector<16xf32>,
    %swap3A_296 = vector.shape_cast %swap3A_295 : vector<16xf32> to vector<16xf32>
    %swap3A_297 = vector.shape_cast %broadcast_in_dim3A_293 : vector<16xf32> to vector<16xf32>
    tpu.vector_store %arg6[%swap3A_294], %swap3A_297 {strides = array<i32>} : memref<1024xf32, #tpu.memory_space<vmem>>, vector<16xf32>,
    %broadcast_in_dim3A_298 = arith.constant 0.000000e+00 : f32
    %broadcast_in_dim3A_299 = vector.broadcast %broadcast_in_dim3A_298 : f32 to vector<16xf32>
    %swap3A_300 = arith.constant 720 : index
    %swap3A_301 = tpu.vector_load %arg6[%swap3A_300] {strides = array<i32>} : memref<1024xf32, #tpu.memory_space<vmem>>, vector<16xf32>,
    %swap3A_302 = vector.shape_cast %swap3A_301 : vector<16xf32> to vector<16xf32>
    %swap3A_303 = vector.shape_cast %broadcast_in_dim3A_299 : vector<16xf32> to vector<16xf32>
    tpu.vector_store %arg6[%swap3A_300], %swap3A_303 {strides = array<i32>} : memref<1024xf32, #tpu.memory_space<vmem>>, vector<16xf32>,
    %broadcast_in_dim3A_304 = arith.constant 0.000000e+00 : f32
    %broadcast_in_dim3A_305 = vector.broadcast %broadcast_in_dim3A_304 : f32 to vector<16xf32>
    %swap3A_306 = arith.constant 736 : index
    %swap3A_307 = tpu.vector_load %arg6[%swap3A_306] {strides = array<i32>} : memref<1024xf32, #tpu.memory_space<vmem>>, vector<16xf32>,
    %swap3A_308 = vector.shape_cast %swap3A_307 : vector<16xf32> to vector<16xf32>
    %swap3A_309 = vector.shape_cast %broadcast_in_dim3A_305 : vector<16xf32> to vector<16xf32>
    tpu.vector_store %arg6[%swap3A_306], %swap3A_309 {strides = array<i32>} : memref<1024xf32, #tpu.memory_space<vmem>>, vector<16xf32>,
    %broadcast_in_dim3A_310 = arith.constant 0.000000e+00 : f32
    %broadcast_in_dim3A_311 = vector.broadcast %broadcast_in_dim3A_310 : f32 to vector<16xf32>
    %swap3A_312 = arith.constant 752 : index
    %swap3A_313 = tpu.vector_load %arg6[%swap3A_312] {strides = array<i32>} : memref<1024xf32, #tpu.memory_space<vmem>>, vector<16xf32>,
    %swap3A_314 = vector.shape_cast %swap3A_313 : vector<16xf32> to vector<16xf32>
    %swap3A_315 = vector.shape_cast %broadcast_in_dim3A_311 : vector<16xf32> to vector<16xf32>
    tpu.vector_store %arg6[%swap3A_312], %swap3A_315 {strides = array<i32>} : memref<1024xf32, #tpu.memory_space<vmem>>, vector<16xf32>,
    %broadcast_in_dim3A_316 = arith.constant 0.000000e+00 : f32
    %broadcast_in_dim3A_317 = vector.broadcast %broadcast_in_dim3A_316 : f32 to vector<16xf32>
    %swap3A_318 = arith.constant 768 : index
    %swap3A_319 = tpu.vector_load %arg6[%swap3A_318] {strides = array<i32>} : memref<1024xf32, #tpu.memory_space<vmem>>, vector<16xf32>,
    %swap3A_320 = vector.shape_cast %swap3A_319 : vector<16xf32> to vector<16xf32>
    %swap3A_321 = vector.shape_cast %broadcast_in_dim3A_317 : vector<16xf32> to vector<16xf32>
    tpu.vector_store %arg6[%swap3A_318], %swap3A_321 {strides = array<i32>} : memref<1024xf32, #tpu.memory_space<vmem>>, vector<16xf32>,
    %broadcast_in_dim3A_322 = arith.constant 0.000000e+00 : f32
    %broadcast_in_dim3A_323 = vector.broadcast %broadcast_in_dim3A_322 : f32 to vector<16xf32>
    %swap3A_324 = arith.constant 784 : index
    %swap3A_325 = tpu.vector_load %arg6[%swap3A_324] {strides = array<i32>} : memref<1024xf32, #tpu.memory_space<vmem>>, vector<16xf32>,
    %swap3A_326 = vector.shape_cast %swap3A_325 : vector<16xf32> to vector<16xf32>
    %swap3A_327 = vector.shape_cast %broadcast_in_dim3A_323 : vector<16xf32> to vector<16xf32>
    tpu.vector_store %arg6[%swap3A_324], %swap3A_327 {strides = array<i32>} : memref<1024xf32, #tpu.memory_space<vmem>>, vector<16xf32>,
    %broadcast_in_dim3A_328 = arith.constant 0.000000e+00 : f32
    %broadcast_in_dim3A_329 = vector.broadcast %broadcast_in_dim3A_328 : f32 to vector<16xf32>
    %swap3A_330 = arith.constant 800 : index
    %swap3A_331 = tpu.vector_load %arg6[%swap3A_330] {strides = array<i32>} : memref<1024xf32, #tpu.memory_space<vmem>>, vector<16xf32>,
    %swap3A_332 = vector.shape_cast %swap3A_331 : vector<16xf32> to vector<16xf32>
    %swap3A_333 = vector.shape_cast %broadcast_in_dim3A_329 : vector<16xf32> to vector<16xf32>
    tpu.vector_store %arg6[%swap3A_330], %swap3A_333 {strides = array<i32>} : memref<1024xf32, #tpu.memory_space<vmem>>, vector<16xf32>,
    %broadcast_in_dim3A_334 = arith.constant 0.000000e+00 : f32
    %broadcast_in_dim3A_335 = vector.broadcast %broadcast_in_dim3A_334 : f32 to vector<16xf32>
    %swap3A_336 = arith.constant 816 : index
    %swap3A_337 = tpu.vector_load %arg6[%swap3A_336] {strides = array<i32>} : memref<1024xf32, #tpu.memory_space<vmem>>, vector<16xf32>,
    %swap3A_338 = vector.shape_cast %swap3A_337 : vector<16xf32> to vector<16xf32>
    %swap3A_339 = vector.shape_cast %broadcast_in_dim3A_335 : vector<16xf32> to vector<16xf32>
    tpu.vector_store %arg6[%swap3A_336], %swap3A_339 {strides = array<i32>} : memref<1024xf32, #tpu.memory_space<vmem>>, vector<16xf32>,
    %broadcast_in_dim3A_340 = arith.constant 0.000000e+00 : f32
    %broadcast_in_dim3A_341 = vector.broadcast %broadcast_in_dim3A_340 : f32 to vector<16xf32>
    %swap3A_342 = arith.constant 832 : index
    %swap3A_343 = tpu.vector_load %arg6[%swap3A_342] {strides = array<i32>} : memref<1024xf32, #tpu.memory_space<vmem>>, vector<16xf32>,
    %swap3A_344 = vector.shape_cast %swap3A_343 : vector<16xf32> to vector<16xf32>
    %swap3A_345 = vector.shape_cast %broadcast_in_dim3A_341 : vector<16xf32> to vector<16xf32>
    tpu.vector_store %arg6[%swap3A_342], %swap3A_345 {strides = array<i32>} : memref<1024xf32, #tpu.memory_space<vmem>>, vector<16xf32>,
    %broadcast_in_dim3A_346 = arith.constant 0.000000e+00 : f32
    %broadcast_in_dim3A_347 = vector.broadcast %broadcast_in_dim3A_346 : f32 to vector<16xf32>
    %swap3A_348 = arith.constant 848 : index
    %swap3A_349 = tpu.vector_load %arg6[%swap3A_348] {strides = array<i32>} : memref<1024xf32, #tpu.memory_space<vmem>>, vector<16xf32>,
    %swap3A_350 = vector.shape_cast %swap3A_349 : vector<16xf32> to vector<16xf32>
    %swap3A_351 = vector.shape_cast %broadcast_in_dim3A_347 : vector<16xf32> to vector<16xf32>
    tpu.vector_store %arg6[%swap3A_348], %swap3A_351 {strides = array<i32>} : memref<1024xf32, #tpu.memory_space<vmem>>, vector<16xf32>,
    %broadcast_in_dim3A_352 = arith.constant 0.000000e+00 : f32
    %broadcast_in_dim3A_353 = vector.broadcast %broadcast_in_dim3A_352 : f32 to vector<16xf32>
    %swap3A_354 = arith.constant 864 : index
    %swap3A_355 = tpu.vector_load %arg6[%swap3A_354] {strides = array<i32>} : memref<1024xf32, #tpu.memory_space<vmem>>, vector<16xf32>,
    %swap3A_356 = vector.shape_cast %swap3A_355 : vector<16xf32> to vector<16xf32>
    %swap3A_357 = vector.shape_cast %broadcast_in_dim3A_353 : vector<16xf32> to vector<16xf32>
    tpu.vector_store %arg6[%swap3A_354], %swap3A_357 {strides = array<i32>} : memref<1024xf32, #tpu.memory_space<vmem>>, vector<16xf32>,
    %broadcast_in_dim3A_358 = arith.constant 0.000000e+00 : f32
    %broadcast_in_dim3A_359 = vector.broadcast %broadcast_in_dim3A_358 : f32 to vector<16xf32>
    %swap3A_360 = arith.constant 880 : index
    %swap3A_361 = tpu.vector_load %arg6[%swap3A_360] {strides = array<i32>} : memref<1024xf32, #tpu.memory_space<vmem>>, vector<16xf32>,
    %swap3A_362 = vector.shape_cast %swap3A_361 : vector<16xf32> to vector<16xf32>
    %swap3A_363 = vector.shape_cast %broadcast_in_dim3A_359 : vector<16xf32> to vector<16xf32>
    tpu.vector_store %arg6[%swap3A_360], %swap3A_363 {strides = array<i32>} : memref<1024xf32, #tpu.memory_space<vmem>>, vector<16xf32>,
    %broadcast_in_dim3A_364 = arith.constant 0.000000e+00 : f32
    %broadcast_in_dim3A_365 = vector.broadcast %broadcast_in_dim3A_364 : f32 to vector<16xf32>
    %swap3A_366 = arith.constant 896 : index
    %swap3A_367 = tpu.vector_load %arg6[%swap3A_366] {strides = array<i32>} : memref<1024xf32, #tpu.memory_space<vmem>>, vector<16xf32>,
    %swap3A_368 = vector.shape_cast %swap3A_367 : vector<16xf32> to vector<16xf32>
    %swap3A_369 = vector.shape_cast %broadcast_in_dim3A_365 : vector<16xf32> to vector<16xf32>
    tpu.vector_store %arg6[%swap3A_366], %swap3A_369 {strides = array<i32>} : memref<1024xf32, #tpu.memory_space<vmem>>, vector<16xf32>,
    %broadcast_in_dim3A_370 = arith.constant 0.000000e+00 : f32
    %broadcast_in_dim3A_371 = vector.broadcast %broadcast_in_dim3A_370 : f32 to vector<16xf32>
    %swap3A_372 = arith.constant 912 : index
    %swap3A_373 = tpu.vector_load %arg6[%swap3A_372] {strides = array<i32>} : memref<1024xf32, #tpu.memory_space<vmem>>, vector<16xf32>,
    %swap3A_374 = vector.shape_cast %swap3A_373 : vector<16xf32> to vector<16xf32>
    %swap3A_375 = vector.shape_cast %broadcast_in_dim3A_371 : vector<16xf32> to vector<16xf32>
    tpu.vector_store %arg6[%swap3A_372], %swap3A_375 {strides = array<i32>} : memref<1024xf32, #tpu.memory_space<vmem>>, vector<16xf32>,
    %broadcast_in_dim3A_376 = arith.constant 0.000000e+00 : f32
    %broadcast_in_dim3A_377 = vector.broadcast %broadcast_in_dim3A_376 : f32 to vector<16xf32>
    %swap3A_378 = arith.constant 928 : index
    %swap3A_379 = tpu.vector_load %arg6[%swap3A_378] {strides = array<i32>} : memref<1024xf32, #tpu.memory_space<vmem>>, vector<16xf32>,
    %swap3A_380 = vector.shape_cast %swap3A_379 : vector<16xf32> to vector<16xf32>
    %swap3A_381 = vector.shape_cast %broadcast_in_dim3A_377 : vector<16xf32> to vector<16xf32>
    tpu.vector_store %arg6[%swap3A_378], %swap3A_381 {strides = array<i32>} : memref<1024xf32, #tpu.memory_space<vmem>>, vector<16xf32>,
    %broadcast_in_dim3A_382 = arith.constant 0.000000e+00 : f32
    %broadcast_in_dim3A_383 = vector.broadcast %broadcast_in_dim3A_382 : f32 to vector<16xf32>
    %swap3A_384 = arith.constant 944 : index
    %swap3A_385 = tpu.vector_load %arg6[%swap3A_384] {strides = array<i32>} : memref<1024xf32, #tpu.memory_space<vmem>>, vector<16xf32>,
    %swap3A_386 = vector.shape_cast %swap3A_385 : vector<16xf32> to vector<16xf32>
    %swap3A_387 = vector.shape_cast %broadcast_in_dim3A_383 : vector<16xf32> to vector<16xf32>
    tpu.vector_store %arg6[%swap3A_384], %swap3A_387 {strides = array<i32>} : memref<1024xf32, #tpu.memory_space<vmem>>, vector<16xf32>,
    %broadcast_in_dim3A_388 = arith.constant 0.000000e+00 : f32
    %broadcast_in_dim3A_389 = vector.broadcast %broadcast_in_dim3A_388 : f32 to vector<16xf32>
    %swap3A_390 = arith.constant 960 : index
    %swap3A_391 = tpu.vector_load %arg6[%swap3A_390] {strides = array<i32>} : memref<1024xf32, #tpu.memory_space<vmem>>, vector<16xf32>,
    %swap3A_392 = vector.shape_cast %swap3A_391 : vector<16xf32> to vector<16xf32>
    %swap3A_393 = vector.shape_cast %broadcast_in_dim3A_389 : vector<16xf32> to vector<16xf32>
    tpu.vector_store %arg6[%swap3A_390], %swap3A_393 {strides = array<i32>} : memref<1024xf32, #tpu.memory_space<vmem>>, vector<16xf32>,
    %broadcast_in_dim3A_394 = arith.constant 0.000000e+00 : f32
    %broadcast_in_dim3A_395 = vector.broadcast %broadcast_in_dim3A_394 : f32 to vector<16xf32>
    %swap3A_396 = arith.constant 976 : index
    %swap3A_397 = tpu.vector_load %arg6[%swap3A_396] {strides = array<i32>} : memref<1024xf32, #tpu.memory_space<vmem>>, vector<16xf32>,
    %swap3A_398 = vector.shape_cast %swap3A_397 : vector<16xf32> to vector<16xf32>
    %swap3A_399 = vector.shape_cast %broadcast_in_dim3A_395 : vector<16xf32> to vector<16xf32>
    tpu.vector_store %arg6[%swap3A_396], %swap3A_399 {strides = array<i32>} : memref<1024xf32, #tpu.memory_space<vmem>>, vector<16xf32>,
    %broadcast_in_dim3A_400 = arith.constant 0.000000e+00 : f32
    %broadcast_in_dim3A_401 = vector.broadcast %broadcast_in_dim3A_400 : f32 to vector<16xf32>
    %swap3A_402 = arith.constant 992 : index
    %swap3A_403 = tpu.vector_load %arg6[%swap3A_402] {strides = array<i32>} : memref<1024xf32, #tpu.memory_space<vmem>>, vector<16xf32>,
    %swap3A_404 = vector.shape_cast %swap3A_403 : vector<16xf32> to vector<16xf32>
    %swap3A_405 = vector.shape_cast %broadcast_in_dim3A_401 : vector<16xf32> to vector<16xf32>
    tpu.vector_store %arg6[%swap3A_402], %swap3A_405 {strides = array<i32>} : memref<1024xf32, #tpu.memory_space<vmem>>, vector<16xf32>,
    %broadcast_in_dim3A_406 = arith.constant 0.000000e+00 : f32
    %broadcast_in_dim3A_407 = vector.broadcast %broadcast_in_dim3A_406 : f32 to vector<16xf32>
    %swap3A_408 = arith.constant 1008 : index
    %swap3A_409 = tpu.vector_load %arg6[%swap3A_408] {strides = array<i32>} : memref<1024xf32, #tpu.memory_space<vmem>>, vector<16xf32>,
    %swap3A_410 = vector.shape_cast %swap3A_409 : vector<16xf32> to vector<16xf32>
    %swap3A_411 = vector.shape_cast %broadcast_in_dim3A_407 : vector<16xf32> to vector<16xf32>
    tpu.vector_store %arg6[%swap3A_408], %swap3A_411 {strides = array<i32>} : memref<1024xf32, #tpu.memory_space<vmem>>, vector<16xf32>,
    "tpu.region"() ({
      %run_scoped3A = tpu.sem_alloc : memref<!tpu.dma_semaphore, #tpu.memory_space<semaphore_mem>>
      %dma_start3A = arith.constant 0 : i32
      %dma_start3A_431 = arith.constant 0 : i32
      %dma_start3A_432 = tpu.memref_slice %arg2[%arg0, %arg1, %dma_start3A, %dma_start3A_431] : memref<2x16x125x80xi32, #tpu.memory_space<hbm>> -> memref<1x1x125x80xi32, #tpu.memory_space<hbm>>
      %dma_start3A_433 = tpu.memref_squeeze %dma_start3A_432 : memref<1x1x125x80xi32, #tpu.memory_space<hbm>> -> memref<125x80xi32, #tpu.memory_space<hbm>>
      %dma_start3A_434 = arith.constant 0 : i32
      %dma_start3A_435 = arith.constant 0 : i32
      %dma_start3A_436 = tpu.memref_slice %arg2[%arg0, %arg1, %dma_start3A_434, %dma_start3A_435] : memref<2x16x125x80xi32, #tpu.memory_space<hbm>> -> memref<1x1x125x80xi32, #tpu.memory_space<hbm>>
      %dma_start3A_437 = tpu.memref_squeeze %dma_start3A_436 : memref<1x1x125x80xi32, #tpu.memory_space<hbm>> -> memref<125x80xi32, #tpu.memory_space<hbm>>
      tpu.enqueue_dma source(%dma_start3A_437 : memref<125x80xi32, #tpu.memory_space<hbm>>) target(%arg5 : memref<125x80xi32, #tpu.memory_space<vmem>>) target_semaphore(%run_scoped3A : memref<!tpu.dma_semaphore, #tpu.memory_space<semaphore_mem>>)
      %dma_wait3A = arith.constant 0 : i32
      %dma_wait3A_438 = arith.constant 0 : i32
      %dma_wait3A_439 = tpu.memref_slice %arg2[%arg0, %arg1, %dma_wait3A, %dma_wait3A_438] : memref<2x16x125x80xi32, #tpu.memory_space<hbm>> -> memref<1x1x125x80xi32, #tpu.memory_space<hbm>>
      %dma_wait3A_440 = tpu.memref_squeeze %dma_wait3A_439 : memref<1x1x125x80xi32, #tpu.memory_space<hbm>> -> memref<125x80xi32, #tpu.memory_space<hbm>>
      %dma_wait3A_441 = arith.constant 0 : i32
      %dma_wait3A_442 = arith.constant 0 : i32
      %dma_wait3A_443 = tpu.memref_slice %arg2[%arg0, %arg1, %dma_wait3A_441, %dma_wait3A_442] : memref<2x16x125x80xi32, #tpu.memory_space<hbm>> -> memref<1x1x125x80xi32, #tpu.memory_space<hbm>>
      %dma_wait3A_444 = tpu.memref_squeeze %dma_wait3A_443 : memref<1x1x125x80xi32, #tpu.memory_space<hbm>> -> memref<125x80xi32, #tpu.memory_space<hbm>>
      tpu.wait_dma2 semaphore(%run_scoped3A : memref<!tpu.dma_semaphore, #tpu.memory_space<semaphore_mem>>) src(%dma_wait3A_444 : memref<125x80xi32, #tpu.memory_space<hbm>>) dst(%arg5 : memref<125x80xi32, #tpu.memory_space<vmem>>)
      tpu.yield
    }) : () -> ()
    %lt3A = arith.constant 10 : i32
    %lt3A_412 = arith.cmpi slt, %arg1, %lt3A : i32
    %convert_element_type3A = arith.extui %lt3A_412 : i1 to i32
    %cond3A = arith.constant 0 : i32
    %cond3A_413 = arith.cmpi ne, %convert_element_type3A, %cond3A : i32
    scf.if %cond3A_413 {
      %mul3A = arith.constant 1000 : i32
      %mul3A_431 = arith.muli %arg1, %mul3A : i32
      "tpu.region"() ({
        %run_scoped3A = tpu.sem_alloc : memref<!tpu.dma_semaphore, #tpu.memory_space<semaphore_mem>>
        %dma_start3A = arith.constant 0 : i32
        %dma_start3A_432 = tpu.memref_slice %arg6[%dma_start3A] : memref<1024xf32, #tpu.memory_space<vmem>> -> memref<1000xf32, #tpu.memory_space<vmem>>
        %dma_start3A_433 = tpu.memref_slice %arg7[%mul3A_431] : memref<10000xf32, #tpu.memory_space<vmem_shared>> -> memref<1000xf32, #tpu.memory_space<vmem_shared>>
        %dma_start3A_434 = tpu.memref_slice %arg7[%mul3A_431] : memref<10000xf32, #tpu.memory_space<vmem_shared>> -> memref<1000xf32, #tpu.memory_space<vmem_shared>>
        %dma_start3A_435 = arith.constant 0 : i32
        %dma_start3A_436 = tpu.memref_slice %arg6[%dma_start3A_435] : memref<1024xf32, #tpu.memory_space<vmem>> -> memref<1000xf32, #tpu.memory_space<vmem>>
        tpu.enqueue_dma source(%dma_start3A_436 : memref<1000xf32, #tpu.memory_space<vmem>>) target(%dma_start3A_434 : memref<1000xf32, #tpu.memory_space<vmem_shared>>) target_semaphore(%run_scoped3A : memref<!tpu.dma_semaphore, #tpu.memory_space<semaphore_mem>>)
        %dma_wait3A = arith.constant 0 : i32
        %dma_wait3A_437 = tpu.memref_slice %arg6[%dma_wait3A] : memref<1024xf32, #tpu.memory_space<vmem>> -> memref<1000xf32, #tpu.memory_space<vmem>>
        %dma_wait3A_438 = tpu.memref_slice %arg7[%mul3A_431] : memref<10000xf32, #tpu.memory_space<vmem_shared>> -> memref<1000xf32, #tpu.memory_space<vmem_shared>>
        %dma_wait3A_439 = tpu.memref_slice %arg7[%mul3A_431] : memref<10000xf32, #tpu.memory_space<vmem_shared>> -> memref<1000xf32, #tpu.memory_space<vmem_shared>>
        %dma_wait3A_440 = arith.constant 0 : i32
        %dma_wait3A_441 = tpu.memref_slice %arg6[%dma_wait3A_440] : memref<1024xf32, #tpu.memory_space<vmem>> -> memref<1000xf32, #tpu.memory_space<vmem>>
        tpu.wait_dma2 semaphore(%run_scoped3A : memref<!tpu.dma_semaphore, #tpu.memory_space<semaphore_mem>>) src(%dma_wait3A_441 : memref<1000xf32, #tpu.memory_space<vmem>>) dst(%dma_wait3A_439 : memref<1000xf32, #tpu.memory_space<vmem_shared>>)
        tpu.yield
      }) : () -> ()
    } else {
    }
    %barrier3A = arith.constant 0 : index
    tpu.barrier barrier_id(%barrier3A)
    %scan3A = arith.constant 0 : i32
    %scan3A_414 = arith.constant 0 : i32
    %scan3A_415 = arith.constant 125 : i32
    %scan3A_416 = arith.addi %scan3A_414, %scan3A_415 : i32
    %scan3A_417 = arith.constant 1 : i32
    scf.for %scan3A_431 = %scan3A_414 to %scan3A_416 step %scan3A_417  : i32 {
      %dma_start3A = arith.constant 0 : i32
      %dma_start3A_432 = tpu.memref_slice %arg5[%scan3A_431, %dma_start3A] : memref<125x80xi32, #tpu.memory_space<vmem>> -> memref<1x80xi32, #tpu.memory_space<vmem>>
      %dma_start3A_433 = tpu.memref_squeeze %dma_start3A_432 : memref<1x80xi32, #tpu.memory_space<vmem>> -> memref<80xi32, #tpu.memory_space<vmem>>
      %dma_start3A_434 = arith.constant 0 : i32
      %dma_start3A_435 = tpu.memref_slice %arg7[%dma_start3A_434] : memref<10000xf32, #tpu.memory_space<vmem_shared>> -> memref<10000xf32, #tpu.memory_space<vmem_shared>>
      tpu.enqueue_indirect_dma source(%arg4 : memref<80xf32, #tpu.memory_space<vmem>>) target(%dma_start3A_435 : memref<10000xf32, #tpu.memory_space<vmem_shared>>) offsets(%dma_start3A_433 : memref<80xi32, #tpu.memory_space<vmem>>) semaphore(%arg8 : memref<!tpu.dma_semaphore, #tpu.memory_space<semaphore_mem>>) {add = true}
      %ge3A = arith.constant 8 : i32
      %ge3A_436 = arith.cmpi sge, %scan3A_431, %ge3A : i32
      %convert_element_type3A_437 = arith.extui %ge3A_436 : i1 to i32
      %cond3A_438 = arith.constant 0 : i32
      %cond3A_439 = arith.cmpi ne, %convert_element_type3A_437, %cond3A_438 : i32
      scf.if %cond3A_439 {
        %sub3A = arith.constant 8 : i32
        %sub3A_440 = arith.subi %scan3A_431, %sub3A : i32
        %dma_wait3A = arith.constant 0 : i32
        %dma_wait3A_441 = tpu.memref_slice %arg5[%sub3A_440, %dma_wait3A] : memref<125x80xi32, #tpu.memory_space<vmem>> -> memref<1x80xi32, #tpu.memory_space<vmem>>
        %dma_wait3A_442 = tpu.memref_squeeze %dma_wait3A_441 : memref<1x80xi32, #tpu.memory_space<vmem>> -> memref<80xi32, #tpu.memory_space<vmem>>
        %dma_wait3A_443 = arith.constant 0 : i32
        %dma_wait3A_444 = tpu.memref_slice %arg7[%dma_wait3A_443] : memref<10000xf32, #tpu.memory_space<vmem_shared>> -> memref<10000xf32, #tpu.memory_space<vmem_shared>>
        tpu.wait_indirect_dma semaphore(%arg8 : memref<!tpu.dma_semaphore, #tpu.memory_space<semaphore_mem>>) src(%arg4 : memref<80xf32, #tpu.memory_space<vmem>>) dst(%dma_wait3A_444 : memref<10000xf32, #tpu.memory_space<vmem_shared>>)
      } else {
      }
    }
    %scan3A_418 = arith.constant 125 : i32
    %scan3A_419 = arith.constant 0 : i32
    %scan3A_420 = arith.constant 117 : i32
    %scan3A_421 = arith.constant 8 : i32
    %scan3A_422 = arith.addi %scan3A_420, %scan3A_421 : i32
    %scan3A_423 = arith.constant 1 : i32
    scf.for %scan3A_431 = %scan3A_420 to %scan3A_422 step %scan3A_423  : i32 {
      %dma_wait3A = arith.constant 0 : i32
      %dma_wait3A_432 = tpu.memref_slice %arg5[%scan3A_431, %dma_wait3A] : memref<125x80xi32, #tpu.memory_space<vmem>> -> memref<1x80xi32, #tpu.memory_space<vmem>>
      %dma_wait3A_433 = tpu.memref_squeeze %dma_wait3A_432 : memref<1x80xi32, #tpu.memory_space<vmem>> -> memref<80xi32, #tpu.memory_space<vmem>>
      %dma_wait3A_434 = arith.constant 0 : i32
      %dma_wait3A_435 = tpu.memref_slice %arg7[%dma_wait3A_434] : memref<10000xf32, #tpu.memory_space<vmem_shared>> -> memref<10000xf32, #tpu.memory_space<vmem_shared>>
      tpu.wait_indirect_dma semaphore(%arg8 : memref<!tpu.dma_semaphore, #tpu.memory_space<semaphore_mem>>) src(%arg4 : memref<80xf32, #tpu.memory_space<vmem>>) dst(%dma_wait3A_435 : memref<10000xf32, #tpu.memory_space<vmem_shared>>)
    }
    %scan3A_424 = arith.constant 8 : i32
    %barrier3A_425 = arith.constant 0 : index
    tpu.barrier barrier_id(%barrier3A_425)
    %lt3A_426 = arith.constant 10 : i32
    %lt3A_427 = arith.cmpi slt, %arg1, %lt3A_426 : i32
    %convert_element_type3A_428 = arith.extui %lt3A_427 : i1 to i32
    %cond3A_429 = arith.constant 0 : i32
    %cond3A_430 = arith.cmpi ne, %convert_element_type3A_428, %cond3A_429 : i32
    scf.if %cond3A_430 {
      %mul3A = arith.constant 1000 : i32
      %mul3A_431 = arith.muli %arg1, %mul3A : i32
      "tpu.region"() ({
        %run_scoped3A = tpu.sem_alloc : memref<!tpu.dma_semaphore, #tpu.memory_space<semaphore_mem>>
        %dma_start3A = arith.constant 0 : i32
        %dma_start3A_436 = tpu.memref_slice %arg6[%dma_start3A] : memref<1024xf32, #tpu.memory_space<vmem>> -> memref<1000xf32, #tpu.memory_space<vmem>>
        %dma_start3A_437 = tpu.memref_slice %arg7[%mul3A_431] : memref<10000xf32, #tpu.memory_space<vmem_shared>> -> memref<1000xf32, #tpu.memory_space<vmem_shared>>
        %dma_start3A_438 = arith.constant 0 : i32
        %dma_start3A_439 = tpu.memref_slice %arg6[%dma_start3A_438] : memref<1024xf32, #tpu.memory_space<vmem>> -> memref<1000xf32, #tpu.memory_space<vmem>>
        %dma_start3A_440 = tpu.memref_slice %arg7[%mul3A_431] : memref<10000xf32, #tpu.memory_space<vmem_shared>> -> memref<1000xf32, #tpu.memory_space<vmem_shared>>
        tpu.enqueue_dma source(%dma_start3A_440 : memref<1000xf32, #tpu.memory_space<vmem_shared>>) target(%dma_start3A_439 : memref<1000xf32, #tpu.memory_space<vmem>>) target_semaphore(%run_scoped3A : memref<!tpu.dma_semaphore, #tpu.memory_space<semaphore_mem>>)
        %dma_wait3A = arith.constant 0 : i32
        %dma_wait3A_441 = tpu.memref_slice %arg6[%dma_wait3A] : memref<1024xf32, #tpu.memory_space<vmem>> -> memref<1000xf32, #tpu.memory_space<vmem>>
        %dma_wait3A_442 = tpu.memref_slice %arg7[%mul3A_431] : memref<10000xf32, #tpu.memory_space<vmem_shared>> -> memref<1000xf32, #tpu.memory_space<vmem_shared>>
        %dma_wait3A_443 = arith.constant 0 : i32
        %dma_wait3A_444 = tpu.memref_slice %arg6[%dma_wait3A_443] : memref<1024xf32, #tpu.memory_space<vmem>> -> memref<1000xf32, #tpu.memory_space<vmem>>
        %dma_wait3A_445 = tpu.memref_slice %arg7[%mul3A_431] : memref<10000xf32, #tpu.memory_space<vmem_shared>> -> memref<1000xf32, #tpu.memory_space<vmem_shared>>
        tpu.wait_dma2 semaphore(%run_scoped3A : memref<!tpu.dma_semaphore, #tpu.memory_space<semaphore_mem>>) src(%dma_wait3A_445 : memref<1000xf32, #tpu.memory_space<vmem_shared>>) dst(%dma_wait3A_444 : memref<1000xf32, #tpu.memory_space<vmem>>)
        tpu.yield
      }) : () -> ()
      %mul3A_432 = arith.constant 10000 : i32
      %mul3A_433 = arith.muli %arg0, %mul3A_432 : i32
      %mul3A_434 = arith.constant 1000 : i32
      %mul3A_435 = arith.muli %arg1, %mul3A_434 : i32
      %add3A = arith.addi %mul3A_433, %mul3A_435 : i32
      "tpu.region"() ({
        %run_scoped3A = tpu.sem_alloc : memref<!tpu.dma_semaphore, #tpu.memory_space<semaphore_mem>>
        %dma_start3A = arith.constant 0 : i32
        %dma_start3A_436 = tpu.memref_slice %arg6[%dma_start3A] : memref<1024xf32, #tpu.memory_space<vmem>> -> memref<1000xf32, #tpu.memory_space<vmem>>
        %dma_start3A_437 = tpu.memref_slice %arg3[%add3A] : memref<20000xf32, #tpu.memory_space<hbm>> -> memref<1000xf32, #tpu.memory_space<hbm>>
        %dma_start3A_438 = tpu.memref_slice %arg3[%add3A] : memref<20000xf32, #tpu.memory_space<hbm>> -> memref<1000xf32, #tpu.memory_space<hbm>>
        %dma_start3A_439 = arith.constant 0 : i32
        %dma_start3A_440 = tpu.memref_slice %arg6[%dma_start3A_439] : memref<1024xf32, #tpu.memory_space<vmem>> -> memref<1000xf32, #tpu.memory_space<vmem>>
        tpu.enqueue_dma source(%dma_start3A_440 : memref<1000xf32, #tpu.memory_space<vmem>>) target(%dma_start3A_438 : memref<1000xf32, #tpu.memory_space<hbm>>) target_semaphore(%run_scoped3A : memref<!tpu.dma_semaphore, #tpu.memory_space<semaphore_mem>>)
        %dma_wait3A = arith.constant 0 : i32
        %dma_wait3A_441 = tpu.memref_slice %arg6[%dma_wait3A] : memref<1024xf32, #tpu.memory_space<vmem>> -> memref<1000xf32, #tpu.memory_space<vmem>>
        %dma_wait3A_442 = tpu.memref_slice %arg3[%add3A] : memref<20000xf32, #tpu.memory_space<hbm>> -> memref<1000xf32, #tpu.memory_space<hbm>>
        %dma_wait3A_443 = tpu.memref_slice %arg3[%add3A] : memref<20000xf32, #tpu.memory_space<hbm>> -> memref<1000xf32, #tpu.memory_space<hbm>>
        %dma_wait3A_444 = arith.constant 0 : i32
        %dma_wait3A_445 = tpu.memref_slice %arg6[%dma_wait3A_444] : memref<1024xf32, #tpu.memory_space<vmem>> -> memref<1000xf32, #tpu.memory_space<vmem>>
        tpu.wait_dma2 semaphore(%run_scoped3A : memref<!tpu.dma_semaphore, #tpu.memory_space<semaphore_mem>>) src(%dma_wait3A_445 : memref<1000xf32, #tpu.memory_space<vmem>>) dst(%dma_wait3A_443 : memref<1000xf32, #tpu.memory_space<hbm>>)
        tpu.yield
      }) : () -> ()
    } else {
    }
    return
  }
}

#map = affine_map<(d0, d1) -> (0)>
#map1 = affine_map<(d0, d1) -> (0, 0)>
module attributes {stable_mosaic.version = 14 : i64} {
  func.func @edge_kernel(%arg0: i32, %arg1: i32, %arg2: memref<320000xi32, #tpu.memory_space<hbm>>, %arg3: memref<320000xi32, #tpu.memory_space<hbm>>, %arg4: memref<320000xi32, #tpu.memory_space<hbm>>, %arg5: memref<20000x128xf32, #tpu.memory_space<hbm>>, %arg6: memref<201x128xf32, #tpu.memory_space<hbm>>, %arg7: memref<20000x128xf32, #tpu.memory_space<hbm>>, %arg8: memref<80xi32, #tpu.memory_space<vmem>>, %arg9: memref<80xi32, #tpu.memory_space<vmem>>, %arg10: memref<80xi32, #tpu.memory_space<vmem>>, %arg11: memref<80xi32, #tpu.memory_space<vmem>>, %arg12: memref<80xi32, #tpu.memory_space<vmem>>, %arg13: memref<80xi32, #tpu.memory_space<vmem>>, %arg14: memref<80x128xf32, #tpu.memory_space<vmem>>, %arg15: memref<80x128xf32, #tpu.memory_space<vmem>>, %arg16: memref<80x128xf32, #tpu.memory_space<vmem>>, %arg17: memref<80x128xf32, #tpu.memory_space<vmem>>, %arg18: memref<16x128xf32, #tpu.memory_space<vmem>>, %arg19: memref<10000x128xf32, #tpu.memory_space<vmem_shared>>, %arg20: memref<!tpu.dma_semaphore, #tpu.memory_space<semaphore_mem>>, %arg21: memref<!tpu.dma_semaphore, #tpu.memory_space<semaphore_mem>>, %arg22: memref<!tpu.dma_semaphore, #tpu.memory_space<semaphore_mem>>, %arg23: memref<!tpu.dma_semaphore, #tpu.memory_space<semaphore_mem>>, %arg24: memref<!tpu.dma_semaphore, #tpu.memory_space<semaphore_mem>>, %arg25: memref<!tpu.dma_semaphore, #tpu.memory_space<semaphore_mem>>) attributes {dimension_semantics = [#tpu.dimension_semantics<core_parallel>, #tpu.dimension_semantics<subcore_parallel>], iteration_bounds = array<i64: 2, 16>, scalar_prefetch = 0 : i64, scratch_operands = 18 : i64, tpu.core_type = #tpu.core_type<sc_vector_subcore>, window_params = [{transform_indices = #map}, {transform_indices = #map}, {transform_indices = #map}, {transform_indices = #map1}, {transform_indices = #map1}, {transform_indices = #map1}]} {
    %scan3A = arith.constant 0 : i32
    %scan3A_0 = arith.constant 0 : i32
    %scan3A_1 = arith.constant 16 : i32
    %scan3A_2 = arith.addi %scan3A_0, %scan3A_1 : i32
    %scan3A_3 = arith.constant 1 : i32
    scf.for %scan3A_55 = %scan3A_0 to %scan3A_2 step %scan3A_3  : i32 {
      %broadcast_in_dim3A = arith.constant 0.000000e+00 : f32
      %broadcast_in_dim3A_56 = vector.broadcast %broadcast_in_dim3A : f32 to vector<16xf32>
      %swap3A = arith.index_cast %scan3A_55 : i32 to index
      %swap3A_57 = arith.constant 0 : index
      %swap3A_58 = tpu.vector_load %arg18[%swap3A, %swap3A_57] {strides = array<i32>} : memref<16x128xf32, #tpu.memory_space<vmem>>, vector<1x16xf32>,
      %swap3A_59 = vector.shape_cast %swap3A_58 : vector<1x16xf32> to vector<16xf32>
      %swap3A_60 = vector.shape_cast %broadcast_in_dim3A_56 : vector<16xf32> to vector<1x16xf32>
      tpu.vector_store %arg18[%swap3A, %swap3A_57], %swap3A_60 {strides = array<i32>} : memref<16x128xf32, #tpu.memory_space<vmem>>, vector<1x16xf32>,
      %broadcast_in_dim3A_61 = arith.constant 0.000000e+00 : f32
      %broadcast_in_dim3A_62 = vector.broadcast %broadcast_in_dim3A_61 : f32 to vector<16xf32>
      %swap3A_63 = arith.index_cast %scan3A_55 : i32 to index
      %swap3A_64 = arith.constant 16 : index
      %swap3A_65 = tpu.vector_load %arg18[%swap3A_63, %swap3A_64] {strides = array<i32>} : memref<16x128xf32, #tpu.memory_space<vmem>>, vector<1x16xf32>,
      %swap3A_66 = vector.shape_cast %swap3A_65 : vector<1x16xf32> to vector<16xf32>
      %swap3A_67 = vector.shape_cast %broadcast_in_dim3A_62 : vector<16xf32> to vector<1x16xf32>
      tpu.vector_store %arg18[%swap3A_63, %swap3A_64], %swap3A_67 {strides = array<i32>} : memref<16x128xf32, #tpu.memory_space<vmem>>, vector<1x16xf32>,
      %broadcast_in_dim3A_68 = arith.constant 0.000000e+00 : f32
      %broadcast_in_dim3A_69 = vector.broadcast %broadcast_in_dim3A_68 : f32 to vector<16xf32>
      %swap3A_70 = arith.index_cast %scan3A_55 : i32 to index
      %swap3A_71 = arith.constant 32 : index
      %swap3A_72 = tpu.vector_load %arg18[%swap3A_70, %swap3A_71] {strides = array<i32>} : memref<16x128xf32, #tpu.memory_space<vmem>>, vector<1x16xf32>,
      %swap3A_73 = vector.shape_cast %swap3A_72 : vector<1x16xf32> to vector<16xf32>
      %swap3A_74 = vector.shape_cast %broadcast_in_dim3A_69 : vector<16xf32> to vector<1x16xf32>
      tpu.vector_store %arg18[%swap3A_70, %swap3A_71], %swap3A_74 {strides = array<i32>} : memref<16x128xf32, #tpu.memory_space<vmem>>, vector<1x16xf32>,
      %broadcast_in_dim3A_75 = arith.constant 0.000000e+00 : f32
      %broadcast_in_dim3A_76 = vector.broadcast %broadcast_in_dim3A_75 : f32 to vector<16xf32>
      %swap3A_77 = arith.index_cast %scan3A_55 : i32 to index
      %swap3A_78 = arith.constant 48 : index
      %swap3A_79 = tpu.vector_load %arg18[%swap3A_77, %swap3A_78] {strides = array<i32>} : memref<16x128xf32, #tpu.memory_space<vmem>>, vector<1x16xf32>,
      %swap3A_80 = vector.shape_cast %swap3A_79 : vector<1x16xf32> to vector<16xf32>
      %swap3A_81 = vector.shape_cast %broadcast_in_dim3A_76 : vector<16xf32> to vector<1x16xf32>
      tpu.vector_store %arg18[%swap3A_77, %swap3A_78], %swap3A_81 {strides = array<i32>} : memref<16x128xf32, #tpu.memory_space<vmem>>, vector<1x16xf32>,
      %broadcast_in_dim3A_82 = arith.constant 0.000000e+00 : f32
      %broadcast_in_dim3A_83 = vector.broadcast %broadcast_in_dim3A_82 : f32 to vector<16xf32>
      %swap3A_84 = arith.index_cast %scan3A_55 : i32 to index
      %swap3A_85 = arith.constant 64 : index
      %swap3A_86 = tpu.vector_load %arg18[%swap3A_84, %swap3A_85] {strides = array<i32>} : memref<16x128xf32, #tpu.memory_space<vmem>>, vector<1x16xf32>,
      %swap3A_87 = vector.shape_cast %swap3A_86 : vector<1x16xf32> to vector<16xf32>
      %swap3A_88 = vector.shape_cast %broadcast_in_dim3A_83 : vector<16xf32> to vector<1x16xf32>
      tpu.vector_store %arg18[%swap3A_84, %swap3A_85], %swap3A_88 {strides = array<i32>} : memref<16x128xf32, #tpu.memory_space<vmem>>, vector<1x16xf32>,
      %broadcast_in_dim3A_89 = arith.constant 0.000000e+00 : f32
      %broadcast_in_dim3A_90 = vector.broadcast %broadcast_in_dim3A_89 : f32 to vector<16xf32>
      %swap3A_91 = arith.index_cast %scan3A_55 : i32 to index
      %swap3A_92 = arith.constant 80 : index
      %swap3A_93 = tpu.vector_load %arg18[%swap3A_91, %swap3A_92] {strides = array<i32>} : memref<16x128xf32, #tpu.memory_space<vmem>>, vector<1x16xf32>,
      %swap3A_94 = vector.shape_cast %swap3A_93 : vector<1x16xf32> to vector<16xf32>
      %swap3A_95 = vector.shape_cast %broadcast_in_dim3A_90 : vector<16xf32> to vector<1x16xf32>
      tpu.vector_store %arg18[%swap3A_91, %swap3A_92], %swap3A_95 {strides = array<i32>} : memref<16x128xf32, #tpu.memory_space<vmem>>, vector<1x16xf32>,
      %broadcast_in_dim3A_96 = arith.constant 0.000000e+00 : f32
      %broadcast_in_dim3A_97 = vector.broadcast %broadcast_in_dim3A_96 : f32 to vector<16xf32>
      %swap3A_98 = arith.index_cast %scan3A_55 : i32 to index
      %swap3A_99 = arith.constant 96 : index
      %swap3A_100 = tpu.vector_load %arg18[%swap3A_98, %swap3A_99] {strides = array<i32>} : memref<16x128xf32, #tpu.memory_space<vmem>>, vector<1x16xf32>,
      %swap3A_101 = vector.shape_cast %swap3A_100 : vector<1x16xf32> to vector<16xf32>
      %swap3A_102 = vector.shape_cast %broadcast_in_dim3A_97 : vector<16xf32> to vector<1x16xf32>
      tpu.vector_store %arg18[%swap3A_98, %swap3A_99], %swap3A_102 {strides = array<i32>} : memref<16x128xf32, #tpu.memory_space<vmem>>, vector<1x16xf32>,
      %broadcast_in_dim3A_103 = arith.constant 0.000000e+00 : f32
      %broadcast_in_dim3A_104 = vector.broadcast %broadcast_in_dim3A_103 : f32 to vector<16xf32>
      %swap3A_105 = arith.index_cast %scan3A_55 : i32 to index
      %swap3A_106 = arith.constant 112 : index
      %swap3A_107 = tpu.vector_load %arg18[%swap3A_105, %swap3A_106] {strides = array<i32>} : memref<16x128xf32, #tpu.memory_space<vmem>>, vector<1x16xf32>,
      %swap3A_108 = vector.shape_cast %swap3A_107 : vector<1x16xf32> to vector<16xf32>
      %swap3A_109 = vector.shape_cast %broadcast_in_dim3A_104 : vector<16xf32> to vector<1x16xf32>
      tpu.vector_store %arg18[%swap3A_105, %swap3A_106], %swap3A_109 {strides = array<i32>} : memref<16x128xf32, #tpu.memory_space<vmem>>, vector<1x16xf32>,
    }
    %scan3A_4 = arith.constant 16 : i32
    %scan3A_5 = arith.constant 0 : i32
    %scan3A_6 = arith.constant 0 : i32
    %scan3A_7 = arith.constant 40 : i32
    %scan3A_8 = arith.addi %scan3A_6, %scan3A_7 : i32
    %scan3A_9 = arith.constant 1 : i32
    scf.for %scan3A_55 = %scan3A_6 to %scan3A_8 step %scan3A_9  : i32 {
      %mul3A_56 = arith.constant 16 : i32
      %mul3A_57 = arith.muli %scan3A_55, %mul3A_56 : i32
      %add3A_58 = arith.addi %mul3A_57, %arg1 : i32
      %lt3A = arith.constant 625 : i32
      %lt3A_59 = arith.cmpi slt, %add3A_58, %lt3A : i32
      %convert_element_type3A = arith.extui %lt3A_59 : i1 to i32
      %cond3A = arith.constant 0 : i32
      %cond3A_60 = arith.cmpi ne, %convert_element_type3A, %cond3A : i32
      scf.if %cond3A_60 {
        %mul3A_61 = arith.constant 16 : i32
        %mul3A_62 = arith.muli %add3A_58, %mul3A_61 : i32
        "tpu.region"() ({
          %run_scoped3A = tpu.sem_alloc : memref<!tpu.dma_semaphore, #tpu.memory_space<semaphore_mem>>
          %dma_start3A_63 = arith.constant 0 : i32
          %dma_start3A_64 = tpu.memref_slice %arg19[%mul3A_62, %dma_start3A_63] : memref<10000x128xf32, #tpu.memory_space<vmem_shared>> -> memref<16x128xf32, #tpu.memory_space<vmem_shared>>
          %dma_start3A_65 = arith.constant 0 : i32
          %dma_start3A_66 = tpu.memref_slice %arg19[%mul3A_62, %dma_start3A_65] : memref<10000x128xf32, #tpu.memory_space<vmem_shared>> -> memref<16x128xf32, #tpu.memory_space<vmem_shared>>
          tpu.enqueue_dma source(%arg18 : memref<16x128xf32, #tpu.memory_space<vmem>>) target(%dma_start3A_66 : memref<16x128xf32, #tpu.memory_space<vmem_shared>>) target_semaphore(%run_scoped3A : memref<!tpu.dma_semaphore, #tpu.memory_space<semaphore_mem>>)
          %dma_wait3A_67 = arith.constant 0 : i32
          %dma_wait3A_68 = tpu.memref_slice %arg19[%mul3A_62, %dma_wait3A_67] : memref<10000x128xf32, #tpu.memory_space<vmem_shared>> -> memref<16x128xf32, #tpu.memory_space<vmem_shared>>
          %dma_wait3A_69 = arith.constant 0 : i32
          %dma_wait3A_70 = tpu.memref_slice %arg19[%mul3A_62, %dma_wait3A_69] : memref<10000x128xf32, #tpu.memory_space<vmem_shared>> -> memref<16x128xf32, #tpu.memory_space<vmem_shared>>
          tpu.wait_dma2 semaphore(%run_scoped3A : memref<!tpu.dma_semaphore, #tpu.memory_space<semaphore_mem>>) src(%arg18 : memref<16x128xf32, #tpu.memory_space<vmem>>) dst(%dma_wait3A_70 : memref<16x128xf32, #tpu.memory_space<vmem_shared>>)
          tpu.yield
        }) : () -> ()
      } else {
      }
    }
    %scan3A_10 = arith.constant 40 : i32
    %barrier3A = arith.constant 0 : index
    tpu.barrier barrier_id(%barrier3A)
    %mul3A = arith.constant 160000 : i32
    %mul3A_11 = arith.muli %arg0, %mul3A : i32
    %mul3A_12 = arith.constant 10000 : i32
    %mul3A_13 = arith.muli %arg1, %mul3A_12 : i32
    %add3A = arith.addi %mul3A_11, %mul3A_13 : i32
    "tpu.region"() ({
      %run_scoped3A = tpu.sem_alloc : memref<!tpu.dma_semaphore, #tpu.memory_space<semaphore_mem>>
      %dma_start3A_55 = tpu.memref_slice %arg2[%add3A] : memref<320000xi32, #tpu.memory_space<hbm>> -> memref<80xi32, #tpu.memory_space<hbm>>
      %dma_start3A_56 = tpu.memref_slice %arg2[%add3A] : memref<320000xi32, #tpu.memory_space<hbm>> -> memref<80xi32, #tpu.memory_space<hbm>>
      tpu.enqueue_dma source(%dma_start3A_56 : memref<80xi32, #tpu.memory_space<hbm>>) target(%arg8 : memref<80xi32, #tpu.memory_space<vmem>>) target_semaphore(%run_scoped3A : memref<!tpu.dma_semaphore, #tpu.memory_space<semaphore_mem>>)
      %dma_wait3A_57 = tpu.memref_slice %arg2[%add3A] : memref<320000xi32, #tpu.memory_space<hbm>> -> memref<80xi32, #tpu.memory_space<hbm>>
      %dma_wait3A_58 = tpu.memref_slice %arg2[%add3A] : memref<320000xi32, #tpu.memory_space<hbm>> -> memref<80xi32, #tpu.memory_space<hbm>>
      tpu.wait_dma2 semaphore(%run_scoped3A : memref<!tpu.dma_semaphore, #tpu.memory_space<semaphore_mem>>) src(%dma_wait3A_58 : memref<80xi32, #tpu.memory_space<hbm>>) dst(%arg8 : memref<80xi32, #tpu.memory_space<vmem>>)
      tpu.yield
    }) : () -> ()
    "tpu.region"() ({
      %run_scoped3A = tpu.sem_alloc : memref<!tpu.dma_semaphore, #tpu.memory_space<semaphore_mem>>
      %dma_start3A_55 = tpu.memref_slice %arg3[%add3A] : memref<320000xi32, #tpu.memory_space<hbm>> -> memref<80xi32, #tpu.memory_space<hbm>>
      %dma_start3A_56 = tpu.memref_slice %arg3[%add3A] : memref<320000xi32, #tpu.memory_space<hbm>> -> memref<80xi32, #tpu.memory_space<hbm>>
      tpu.enqueue_dma source(%dma_start3A_56 : memref<80xi32, #tpu.memory_space<hbm>>) target(%arg9 : memref<80xi32, #tpu.memory_space<vmem>>) target_semaphore(%run_scoped3A : memref<!tpu.dma_semaphore, #tpu.memory_space<semaphore_mem>>)
      %dma_wait3A_57 = tpu.memref_slice %arg3[%add3A] : memref<320000xi32, #tpu.memory_space<hbm>> -> memref<80xi32, #tpu.memory_space<hbm>>
      %dma_wait3A_58 = tpu.memref_slice %arg3[%add3A] : memref<320000xi32, #tpu.memory_space<hbm>> -> memref<80xi32, #tpu.memory_space<hbm>>
      tpu.wait_dma2 semaphore(%run_scoped3A : memref<!tpu.dma_semaphore, #tpu.memory_space<semaphore_mem>>) src(%dma_wait3A_58 : memref<80xi32, #tpu.memory_space<hbm>>) dst(%arg9 : memref<80xi32, #tpu.memory_space<vmem>>)
      tpu.yield
    }) : () -> ()
    "tpu.region"() ({
      %run_scoped3A = tpu.sem_alloc : memref<!tpu.dma_semaphore, #tpu.memory_space<semaphore_mem>>
      %dma_start3A_55 = tpu.memref_slice %arg4[%add3A] : memref<320000xi32, #tpu.memory_space<hbm>> -> memref<80xi32, #tpu.memory_space<hbm>>
      %dma_start3A_56 = tpu.memref_slice %arg4[%add3A] : memref<320000xi32, #tpu.memory_space<hbm>> -> memref<80xi32, #tpu.memory_space<hbm>>
      tpu.enqueue_dma source(%dma_start3A_56 : memref<80xi32, #tpu.memory_space<hbm>>) target(%arg10 : memref<80xi32, #tpu.memory_space<vmem>>) target_semaphore(%run_scoped3A : memref<!tpu.dma_semaphore, #tpu.memory_space<semaphore_mem>>)
      %dma_wait3A_57 = tpu.memref_slice %arg4[%add3A] : memref<320000xi32, #tpu.memory_space<hbm>> -> memref<80xi32, #tpu.memory_space<hbm>>
      %dma_wait3A_58 = tpu.memref_slice %arg4[%add3A] : memref<320000xi32, #tpu.memory_space<hbm>> -> memref<80xi32, #tpu.memory_space<hbm>>
      tpu.wait_dma2 semaphore(%run_scoped3A : memref<!tpu.dma_semaphore, #tpu.memory_space<semaphore_mem>>) src(%dma_wait3A_58 : memref<80xi32, #tpu.memory_space<hbm>>) dst(%arg10 : memref<80xi32, #tpu.memory_space<vmem>>)
      tpu.yield
    }) : () -> ()
    %dma_start3A = arith.constant 0 : i32
    %dma_start3A_14 = arith.constant 0 : i32
    %dma_start3A_15 = tpu.memref_slice %arg5[%dma_start3A, %dma_start3A_14] : memref<20000x128xf32, #tpu.memory_space<hbm>> -> memref<20000x128xf32, #tpu.memory_space<hbm>>
    tpu.enqueue_indirect_dma source(%dma_start3A_15 : memref<20000x128xf32, #tpu.memory_space<hbm>>) target(%arg14 : memref<80x128xf32, #tpu.memory_space<vmem>>) offsets(%arg9 : memref<80xi32, #tpu.memory_space<vmem>>) semaphore(%arg20 : memref<!tpu.dma_semaphore, #tpu.memory_space<semaphore_mem>>)
    %dma_start3A_16 = arith.constant 0 : i32
    %dma_start3A_17 = arith.constant 0 : i32
    %dma_start3A_18 = tpu.memref_slice %arg6[%dma_start3A_16, %dma_start3A_17] : memref<201x128xf32, #tpu.memory_space<hbm>> -> memref<201x128xf32, #tpu.memory_space<hbm>>
    tpu.enqueue_indirect_dma source(%dma_start3A_18 : memref<201x128xf32, #tpu.memory_space<hbm>>) target(%arg15 : memref<80x128xf32, #tpu.memory_space<vmem>>) offsets(%arg10 : memref<80xi32, #tpu.memory_space<vmem>>) semaphore(%arg21 : memref<!tpu.dma_semaphore, #tpu.memory_space<semaphore_mem>>)
    %add3A_19 = arith.constant 80 : i32
    %add3A_20 = arith.addi %add3A, %add3A_19 : i32
    %dma_start3A_21 = tpu.memref_slice %arg2[%add3A_20] : memref<320000xi32, #tpu.memory_space<hbm>> -> memref<80xi32, #tpu.memory_space<hbm>>
    %dma_start3A_22 = tpu.memref_slice %arg2[%add3A_20] : memref<320000xi32, #tpu.memory_space<hbm>> -> memref<80xi32, #tpu.memory_space<hbm>>
    tpu.enqueue_dma source(%dma_start3A_22 : memref<80xi32, #tpu.memory_space<hbm>>) target(%arg11 : memref<80xi32, #tpu.memory_space<vmem>>) target_semaphore(%arg25 : memref<!tpu.dma_semaphore, #tpu.memory_space<semaphore_mem>>)
    %add3A_23 = arith.constant 80 : i32
    %add3A_24 = arith.addi %add3A, %add3A_23 : i32
    %dma_start3A_25 = tpu.memref_slice %arg3[%add3A_24] : memref<320000xi32, #tpu.memory_space<hbm>> -> memref<80xi32, #tpu.memory_space<hbm>>
    %dma_start3A_26 = tpu.memref_slice %arg3[%add3A_24] : memref<320000xi32, #tpu.memory_space<hbm>> -> memref<80xi32, #tpu.memory_space<hbm>>
    tpu.enqueue_dma source(%dma_start3A_26 : memref<80xi32, #tpu.memory_space<hbm>>) target(%arg12 : memref<80xi32, #tpu.memory_space<vmem>>) target_semaphore(%arg25 : memref<!tpu.dma_semaphore, #tpu.memory_space<semaphore_mem>>)
    %add3A_27 = arith.constant 80 : i32
    %add3A_28 = arith.addi %add3A, %add3A_27 : i32
    %dma_start3A_29 = tpu.memref_slice %arg4[%add3A_28] : memref<320000xi32, #tpu.memory_space<hbm>> -> memref<80xi32, #tpu.memory_space<hbm>>
    %dma_start3A_30 = tpu.memref_slice %arg4[%add3A_28] : memref<320000xi32, #tpu.memory_space<hbm>> -> memref<80xi32, #tpu.memory_space<hbm>>
    tpu.enqueue_dma source(%dma_start3A_30 : memref<80xi32, #tpu.memory_space<hbm>>) target(%arg13 : memref<80xi32, #tpu.memory_space<vmem>>) target_semaphore(%arg25 : memref<!tpu.dma_semaphore, #tpu.memory_space<semaphore_mem>>)
    %scan3A_31 = arith.constant 0 : i32
    %scan3A_32 = arith.constant 0 : i32
    %scan3A_33 = arith.constant 62 : i32
    %scan3A_34 = arith.addi %scan3A_32, %scan3A_33 : i32
    %scan3A_35 = arith.constant 1 : i32
    scf.for %scan3A_55 = %scan3A_32 to %scan3A_34 step %scan3A_35  : i32 {
      %mul3A_56 = arith.constant 2 : i32
      %mul3A_57 = arith.muli %mul3A_56, %scan3A_55 : i32
      %add3A_58 = arith.constant 1 : i32
      %add3A_59 = arith.addi %mul3A_57, %add3A_58 : i32
      %mul3A_60 = arith.constant 80 : i32
      %mul3A_61 = arith.muli %add3A_59, %mul3A_60 : i32
      %add3A_62 = arith.addi %add3A, %mul3A_61 : i32
      %dma_wait3A_63 = tpu.memref_slice %arg2[%add3A_62] : memref<320000xi32, #tpu.memory_space<hbm>> -> memref<80xi32, #tpu.memory_space<hbm>>
      %dma_wait3A_64 = tpu.memref_slice %arg2[%add3A_62] : memref<320000xi32, #tpu.memory_space<hbm>> -> memref<80xi32, #tpu.memory_space<hbm>>
      tpu.wait_dma2 semaphore(%arg25 : memref<!tpu.dma_semaphore, #tpu.memory_space<semaphore_mem>>) src(%dma_wait3A_64 : memref<80xi32, #tpu.memory_space<hbm>>) dst(%arg11 : memref<80xi32, #tpu.memory_space<vmem>>)
      %mul3A_65 = arith.constant 80 : i32
      %mul3A_66 = arith.muli %add3A_59, %mul3A_65 : i32
      %add3A_67 = arith.addi %add3A, %mul3A_66 : i32
      %dma_wait3A_68 = tpu.memref_slice %arg3[%add3A_67] : memref<320000xi32, #tpu.memory_space<hbm>> -> memref<80xi32, #tpu.memory_space<hbm>>
      %dma_wait3A_69 = tpu.memref_slice %arg3[%add3A_67] : memref<320000xi32, #tpu.memory_space<hbm>> -> memref<80xi32, #tpu.memory_space<hbm>>
      tpu.wait_dma2 semaphore(%arg25 : memref<!tpu.dma_semaphore, #tpu.memory_space<semaphore_mem>>) src(%dma_wait3A_69 : memref<80xi32, #tpu.memory_space<hbm>>) dst(%arg12 : memref<80xi32, #tpu.memory_space<vmem>>)
      %mul3A_70 = arith.constant 80 : i32
      %mul3A_71 = arith.muli %add3A_59, %mul3A_70 : i32
      %add3A_72 = arith.addi %add3A, %mul3A_71 : i32
      %dma_wait3A_73 = tpu.memref_slice %arg4[%add3A_72] : memref<320000xi32, #tpu.memory_space<hbm>> -> memref<80xi32, #tpu.memory_space<hbm>>
      %dma_wait3A_74 = tpu.memref_slice %arg4[%add3A_72] : memref<320000xi32, #tpu.memory_space<hbm>> -> memref<80xi32, #tpu.memory_space<hbm>>
      tpu.wait_dma2 semaphore(%arg25 : memref<!tpu.dma_semaphore, #tpu.memory_space<semaphore_mem>>) src(%dma_wait3A_74 : memref<80xi32, #tpu.memory_space<hbm>>) dst(%arg13 : memref<80xi32, #tpu.memory_space<vmem>>)
      %dma_start3A_75 = arith.constant 0 : i32
      %dma_start3A_76 = arith.constant 0 : i32
      %dma_start3A_77 = tpu.memref_slice %arg5[%dma_start3A_75, %dma_start3A_76] : memref<20000x128xf32, #tpu.memory_space<hbm>> -> memref<20000x128xf32, #tpu.memory_space<hbm>>
      tpu.enqueue_indirect_dma source(%dma_start3A_77 : memref<20000x128xf32, #tpu.memory_space<hbm>>) target(%arg16 : memref<80x128xf32, #tpu.memory_space<vmem>>) offsets(%arg12 : memref<80xi32, #tpu.memory_space<vmem>>) semaphore(%arg22 : memref<!tpu.dma_semaphore, #tpu.memory_space<semaphore_mem>>)
      %dma_start3A_78 = arith.constant 0 : i32
      %dma_start3A_79 = arith.constant 0 : i32
      %dma_start3A_80 = tpu.memref_slice %arg6[%dma_start3A_78, %dma_start3A_79] : memref<201x128xf32, #tpu.memory_space<hbm>> -> memref<201x128xf32, #tpu.memory_space<hbm>>
      tpu.enqueue_indirect_dma source(%dma_start3A_80 : memref<201x128xf32, #tpu.memory_space<hbm>>) target(%arg17 : memref<80x128xf32, #tpu.memory_space<vmem>>) offsets(%arg13 : memref<80xi32, #tpu.memory_space<vmem>>) semaphore(%arg23 : memref<!tpu.dma_semaphore, #tpu.memory_space<semaphore_mem>>)
      %dma_wait3A_81 = arith.constant 0 : i32
      %dma_wait3A_82 = arith.constant 0 : i32
      %dma_wait3A_83 = tpu.memref_slice %arg5[%dma_wait3A_81, %dma_wait3A_82] : memref<20000x128xf32, #tpu.memory_space<hbm>> -> memref<20000x128xf32, #tpu.memory_space<hbm>>
      tpu.wait_indirect_dma semaphore(%arg20 : memref<!tpu.dma_semaphore, #tpu.memory_space<semaphore_mem>>) src(%dma_wait3A_83 : memref<20000x128xf32, #tpu.memory_space<hbm>>) dst(%arg14 : memref<80x128xf32, #tpu.memory_space<vmem>>)
      %dma_wait3A_84 = arith.constant 0 : i32
      %dma_wait3A_85 = arith.constant 0 : i32
      %dma_wait3A_86 = tpu.memref_slice %arg6[%dma_wait3A_84, %dma_wait3A_85] : memref<201x128xf32, #tpu.memory_space<hbm>> -> memref<201x128xf32, #tpu.memory_space<hbm>>
      tpu.wait_indirect_dma semaphore(%arg21 : memref<!tpu.dma_semaphore, #tpu.memory_space<semaphore_mem>>) src(%dma_wait3A_86 : memref<201x128xf32, #tpu.memory_space<hbm>>) dst(%arg15 : memref<80x128xf32, #tpu.memory_space<vmem>>)
      %scan3A_87 = arith.constant 0 : i32
      %scan3A_88 = arith.constant 0 : i32
      %scan3A_89 = arith.constant 80 : i32
      %scan3A_90 = arith.addi %scan3A_88, %scan3A_89 : i32
      %scan3A_91 = arith.constant 1 : i32
      scf.for %scan3A_123 = %scan3A_88 to %scan3A_90 step %scan3A_91  : i32 {
        %get3A = arith.index_cast %scan3A_123 : i32 to index
        %get3A_124 = arith.constant 0 : index
        %get3A_125 = tpu.vector_load %arg14[%get3A, %get3A_124] {strides = array<i32>} : memref<80x128xf32, #tpu.memory_space<vmem>>, vector<1x16xf32>,
        %get3A_126 = vector.shape_cast %get3A_125 : vector<1x16xf32> to vector<16xf32>
        %get3A_127 = arith.index_cast %scan3A_123 : i32 to index
        %get3A_128 = arith.constant 0 : index
        %get3A_129 = tpu.vector_load %arg15[%get3A_127, %get3A_128] {strides = array<i32>} : memref<80x128xf32, #tpu.memory_space<vmem>>, vector<1x16xf32>,
        %get3A_130 = vector.shape_cast %get3A_129 : vector<1x16xf32> to vector<16xf32>
        %mul3A_131 = arith.mulf %get3A_126, %get3A_130 : vector<16xf32>
        %swap3A = arith.index_cast %scan3A_123 : i32 to index
        %swap3A_132 = arith.constant 0 : index
        %swap3A_133 = tpu.vector_load %arg14[%swap3A, %swap3A_132] {strides = array<i32>} : memref<80x128xf32, #tpu.memory_space<vmem>>, vector<1x16xf32>,
        %swap3A_134 = vector.shape_cast %swap3A_133 : vector<1x16xf32> to vector<16xf32>
        %swap3A_135 = vector.shape_cast %mul3A_131 : vector<16xf32> to vector<1x16xf32>
        tpu.vector_store %arg14[%swap3A, %swap3A_132], %swap3A_135 {strides = array<i32>} : memref<80x128xf32, #tpu.memory_space<vmem>>, vector<1x16xf32>,
        %get3A_136 = arith.index_cast %scan3A_123 : i32 to index
        %get3A_137 = arith.constant 16 : index
        %get3A_138 = tpu.vector_load %arg14[%get3A_136, %get3A_137] {strides = array<i32>} : memref<80x128xf32, #tpu.memory_space<vmem>>, vector<1x16xf32>,
        %get3A_139 = vector.shape_cast %get3A_138 : vector<1x16xf32> to vector<16xf32>
        %get3A_140 = arith.index_cast %scan3A_123 : i32 to index
        %get3A_141 = arith.constant 16 : index
        %get3A_142 = tpu.vector_load %arg15[%get3A_140, %get3A_141] {strides = array<i32>} : memref<80x128xf32, #tpu.memory_space<vmem>>, vector<1x16xf32>,
        %get3A_143 = vector.shape_cast %get3A_142 : vector<1x16xf32> to vector<16xf32>
        %mul3A_144 = arith.mulf %get3A_139, %get3A_143 : vector<16xf32>
        %swap3A_145 = arith.index_cast %scan3A_123 : i32 to index
        %swap3A_146 = arith.constant 16 : index
        %swap3A_147 = tpu.vector_load %arg14[%swap3A_145, %swap3A_146] {strides = array<i32>} : memref<80x128xf32, #tpu.memory_space<vmem>>, vector<1x16xf32>,
        %swap3A_148 = vector.shape_cast %swap3A_147 : vector<1x16xf32> to vector<16xf32>
        %swap3A_149 = vector.shape_cast %mul3A_144 : vector<16xf32> to vector<1x16xf32>
        tpu.vector_store %arg14[%swap3A_145, %swap3A_146], %swap3A_149 {strides = array<i32>} : memref<80x128xf32, #tpu.memory_space<vmem>>, vector<1x16xf32>,
        %get3A_150 = arith.index_cast %scan3A_123 : i32 to index
        %get3A_151 = arith.constant 32 : index
        %get3A_152 = tpu.vector_load %arg14[%get3A_150, %get3A_151] {strides = array<i32>} : memref<80x128xf32, #tpu.memory_space<vmem>>, vector<1x16xf32>,
        %get3A_153 = vector.shape_cast %get3A_152 : vector<1x16xf32> to vector<16xf32>
        %get3A_154 = arith.index_cast %scan3A_123 : i32 to index
        %get3A_155 = arith.constant 32 : index
        %get3A_156 = tpu.vector_load %arg15[%get3A_154, %get3A_155] {strides = array<i32>} : memref<80x128xf32, #tpu.memory_space<vmem>>, vector<1x16xf32>,
        %get3A_157 = vector.shape_cast %get3A_156 : vector<1x16xf32> to vector<16xf32>
        %mul3A_158 = arith.mulf %get3A_153, %get3A_157 : vector<16xf32>
        %swap3A_159 = arith.index_cast %scan3A_123 : i32 to index
        %swap3A_160 = arith.constant 32 : index
        %swap3A_161 = tpu.vector_load %arg14[%swap3A_159, %swap3A_160] {strides = array<i32>} : memref<80x128xf32, #tpu.memory_space<vmem>>, vector<1x16xf32>,
        %swap3A_162 = vector.shape_cast %swap3A_161 : vector<1x16xf32> to vector<16xf32>
        %swap3A_163 = vector.shape_cast %mul3A_158 : vector<16xf32> to vector<1x16xf32>
        tpu.vector_store %arg14[%swap3A_159, %swap3A_160], %swap3A_163 {strides = array<i32>} : memref<80x128xf32, #tpu.memory_space<vmem>>, vector<1x16xf32>,
        %get3A_164 = arith.index_cast %scan3A_123 : i32 to index
        %get3A_165 = arith.constant 48 : index
        %get3A_166 = tpu.vector_load %arg14[%get3A_164, %get3A_165] {strides = array<i32>} : memref<80x128xf32, #tpu.memory_space<vmem>>, vector<1x16xf32>,
        %get3A_167 = vector.shape_cast %get3A_166 : vector<1x16xf32> to vector<16xf32>
        %get3A_168 = arith.index_cast %scan3A_123 : i32 to index
        %get3A_169 = arith.constant 48 : index
        %get3A_170 = tpu.vector_load %arg15[%get3A_168, %get3A_169] {strides = array<i32>} : memref<80x128xf32, #tpu.memory_space<vmem>>, vector<1x16xf32>,
        %get3A_171 = vector.shape_cast %get3A_170 : vector<1x16xf32> to vector<16xf32>
        %mul3A_172 = arith.mulf %get3A_167, %get3A_171 : vector<16xf32>
        %swap3A_173 = arith.index_cast %scan3A_123 : i32 to index
        %swap3A_174 = arith.constant 48 : index
        %swap3A_175 = tpu.vector_load %arg14[%swap3A_173, %swap3A_174] {strides = array<i32>} : memref<80x128xf32, #tpu.memory_space<vmem>>, vector<1x16xf32>,
        %swap3A_176 = vector.shape_cast %swap3A_175 : vector<1x16xf32> to vector<16xf32>
        %swap3A_177 = vector.shape_cast %mul3A_172 : vector<16xf32> to vector<1x16xf32>
        tpu.vector_store %arg14[%swap3A_173, %swap3A_174], %swap3A_177 {strides = array<i32>} : memref<80x128xf32, #tpu.memory_space<vmem>>, vector<1x16xf32>,
        %get3A_178 = arith.index_cast %scan3A_123 : i32 to index
        %get3A_179 = arith.constant 64 : index
        %get3A_180 = tpu.vector_load %arg14[%get3A_178, %get3A_179] {strides = array<i32>} : memref<80x128xf32, #tpu.memory_space<vmem>>, vector<1x16xf32>,
        %get3A_181 = vector.shape_cast %get3A_180 : vector<1x16xf32> to vector<16xf32>
        %get3A_182 = arith.index_cast %scan3A_123 : i32 to index
        %get3A_183 = arith.constant 64 : index
        %get3A_184 = tpu.vector_load %arg15[%get3A_182, %get3A_183] {strides = array<i32>} : memref<80x128xf32, #tpu.memory_space<vmem>>, vector<1x16xf32>,
        %get3A_185 = vector.shape_cast %get3A_184 : vector<1x16xf32> to vector<16xf32>
        %mul3A_186 = arith.mulf %get3A_181, %get3A_185 : vector<16xf32>
        %swap3A_187 = arith.index_cast %scan3A_123 : i32 to index
        %swap3A_188 = arith.constant 64 : index
        %swap3A_189 = tpu.vector_load %arg14[%swap3A_187, %swap3A_188] {strides = array<i32>} : memref<80x128xf32, #tpu.memory_space<vmem>>, vector<1x16xf32>,
        %swap3A_190 = vector.shape_cast %swap3A_189 : vector<1x16xf32> to vector<16xf32>
        %swap3A_191 = vector.shape_cast %mul3A_186 : vector<16xf32> to vector<1x16xf32>
        tpu.vector_store %arg14[%swap3A_187, %swap3A_188], %swap3A_191 {strides = array<i32>} : memref<80x128xf32, #tpu.memory_space<vmem>>, vector<1x16xf32>,
        %get3A_192 = arith.index_cast %scan3A_123 : i32 to index
        %get3A_193 = arith.constant 80 : index
        %get3A_194 = tpu.vector_load %arg14[%get3A_192, %get3A_193] {strides = array<i32>} : memref<80x128xf32, #tpu.memory_space<vmem>>, vector<1x16xf32>,
        %get3A_195 = vector.shape_cast %get3A_194 : vector<1x16xf32> to vector<16xf32>
        %get3A_196 = arith.index_cast %scan3A_123 : i32 to index
        %get3A_197 = arith.constant 80 : index
        %get3A_198 = tpu.vector_load %arg15[%get3A_196, %get3A_197] {strides = array<i32>} : memref<80x128xf32, #tpu.memory_space<vmem>>, vector<1x16xf32>,
        %get3A_199 = vector.shape_cast %get3A_198 : vector<1x16xf32> to vector<16xf32>
        %mul3A_200 = arith.mulf %get3A_195, %get3A_199 : vector<16xf32>
        %swap3A_201 = arith.index_cast %scan3A_123 : i32 to index
        %swap3A_202 = arith.constant 80 : index
        %swap3A_203 = tpu.vector_load %arg14[%swap3A_201, %swap3A_202] {strides = array<i32>} : memref<80x128xf32, #tpu.memory_space<vmem>>, vector<1x16xf32>,
        %swap3A_204 = vector.shape_cast %swap3A_203 : vector<1x16xf32> to vector<16xf32>
        %swap3A_205 = vector.shape_cast %mul3A_200 : vector<16xf32> to vector<1x16xf32>
        tpu.vector_store %arg14[%swap3A_201, %swap3A_202], %swap3A_205 {strides = array<i32>} : memref<80x128xf32, #tpu.memory_space<vmem>>, vector<1x16xf32>,
        %get3A_206 = arith.index_cast %scan3A_123 : i32 to index
        %get3A_207 = arith.constant 96 : index
        %get3A_208 = tpu.vector_load %arg14[%get3A_206, %get3A_207] {strides = array<i32>} : memref<80x128xf32, #tpu.memory_space<vmem>>, vector<1x16xf32>,
        %get3A_209 = vector.shape_cast %get3A_208 : vector<1x16xf32> to vector<16xf32>
        %get3A_210 = arith.index_cast %scan3A_123 : i32 to index
        %get3A_211 = arith.constant 96 : index
        %get3A_212 = tpu.vector_load %arg15[%get3A_210, %get3A_211] {strides = array<i32>} : memref<80x128xf32, #tpu.memory_space<vmem>>, vector<1x16xf32>,
        %get3A_213 = vector.shape_cast %get3A_212 : vector<1x16xf32> to vector<16xf32>
        %mul3A_214 = arith.mulf %get3A_209, %get3A_213 : vector<16xf32>
        %swap3A_215 = arith.index_cast %scan3A_123 : i32 to index
        %swap3A_216 = arith.constant 96 : index
        %swap3A_217 = tpu.vector_load %arg14[%swap3A_215, %swap3A_216] {strides = array<i32>} : memref<80x128xf32, #tpu.memory_space<vmem>>, vector<1x16xf32>,
        %swap3A_218 = vector.shape_cast %swap3A_217 : vector<1x16xf32> to vector<16xf32>
        %swap3A_219 = vector.shape_cast %mul3A_214 : vector<16xf32> to vector<1x16xf32>
        tpu.vector_store %arg14[%swap3A_215, %swap3A_216], %swap3A_219 {strides = array<i32>} : memref<80x128xf32, #tpu.memory_space<vmem>>, vector<1x16xf32>,
        %get3A_220 = arith.index_cast %scan3A_123 : i32 to index
        %get3A_221 = arith.constant 112 : index
        %get3A_222 = tpu.vector_load %arg14[%get3A_220, %get3A_221] {strides = array<i32>} : memref<80x128xf32, #tpu.memory_space<vmem>>, vector<1x16xf32>,
        %get3A_223 = vector.shape_cast %get3A_222 : vector<1x16xf32> to vector<16xf32>
        %get3A_224 = arith.index_cast %scan3A_123 : i32 to index
        %get3A_225 = arith.constant 112 : index
        %get3A_226 = tpu.vector_load %arg15[%get3A_224, %get3A_225] {strides = array<i32>} : memref<80x128xf32, #tpu.memory_space<vmem>>, vector<1x16xf32>,
        %get3A_227 = vector.shape_cast %get3A_226 : vector<1x16xf32> to vector<16xf32>
        %mul3A_228 = arith.mulf %get3A_223, %get3A_227 : vector<16xf32>
        %swap3A_229 = arith.index_cast %scan3A_123 : i32 to index
        %swap3A_230 = arith.constant 112 : index
        %swap3A_231 = tpu.vector_load %arg14[%swap3A_229, %swap3A_230] {strides = array<i32>} : memref<80x128xf32, #tpu.memory_space<vmem>>, vector<1x16xf32>,
        %swap3A_232 = vector.shape_cast %swap3A_231 : vector<1x16xf32> to vector<16xf32>
        %swap3A_233 = vector.shape_cast %mul3A_228 : vector<16xf32> to vector<1x16xf32>
        tpu.vector_store %arg14[%swap3A_229, %swap3A_230], %swap3A_233 {strides = array<i32>} : memref<80x128xf32, #tpu.memory_space<vmem>>, vector<1x16xf32>,
      }
      %scan3A_92 = arith.constant 80 : i32
      "tpu.region"() ({
        %run_scoped3A = tpu.sem_alloc : memref<!tpu.dma_semaphore, #tpu.memory_space<semaphore_mem>>
        %dma_start3A_123 = arith.constant 0 : i32
        %dma_start3A_124 = arith.constant 0 : i32
        %dma_start3A_125 = tpu.memref_slice %arg19[%dma_start3A_123, %dma_start3A_124] : memref<10000x128xf32, #tpu.memory_space<vmem_shared>> -> memref<10000x128xf32, #tpu.memory_space<vmem_shared>>
        tpu.enqueue_indirect_dma source(%arg14 : memref<80x128xf32, #tpu.memory_space<vmem>>) target(%dma_start3A_125 : memref<10000x128xf32, #tpu.memory_space<vmem_shared>>) offsets(%arg8 : memref<80xi32, #tpu.memory_space<vmem>>) semaphore(%run_scoped3A : memref<!tpu.dma_semaphore, #tpu.memory_space<semaphore_mem>>) {add = true}
        %dma_wait3A_126 = arith.constant 0 : i32
        %dma_wait3A_127 = arith.constant 0 : i32
        %dma_wait3A_128 = tpu.memref_slice %arg19[%dma_wait3A_126, %dma_wait3A_127] : memref<10000x128xf32, #tpu.memory_space<vmem_shared>> -> memref<10000x128xf32, #tpu.memory_space<vmem_shared>>
        tpu.wait_indirect_dma semaphore(%run_scoped3A : memref<!tpu.dma_semaphore, #tpu.memory_space<semaphore_mem>>) src(%arg14 : memref<80x128xf32, #tpu.memory_space<vmem>>) dst(%dma_wait3A_128 : memref<10000x128xf32, #tpu.memory_space<vmem_shared>>)
        tpu.yield
      }) : () -> ()
      %add3A_93 = arith.constant 2 : i32
      %add3A_94 = arith.addi %mul3A_57, %add3A_93 : i32
      %lt3A = arith.constant 125 : i32
      %lt3A_95 = arith.cmpi slt, %add3A_94, %lt3A : i32
      %convert_element_type3A = arith.extui %lt3A_95 : i1 to i32
      %cond3A = arith.constant 0 : i32
      %cond3A_96 = arith.cmpi ne, %convert_element_type3A, %cond3A : i32
      scf.if %cond3A_96 {
        %add3A_123 = arith.constant 2 : i32
        %add3A_124 = arith.addi %mul3A_57, %add3A_123 : i32
        %mul3A_125 = arith.constant 80 : i32
        %mul3A_126 = arith.muli %add3A_124, %mul3A_125 : i32
        %add3A_127 = arith.addi %add3A, %mul3A_126 : i32
        %dma_start3A_128 = tpu.memref_slice %arg2[%add3A_127] : memref<320000xi32, #tpu.memory_space<hbm>> -> memref<80xi32, #tpu.memory_space<hbm>>
        %dma_start3A_129 = tpu.memref_slice %arg2[%add3A_127] : memref<320000xi32, #tpu.memory_space<hbm>> -> memref<80xi32, #tpu.memory_space<hbm>>
        tpu.enqueue_dma source(%dma_start3A_129 : memref<80xi32, #tpu.memory_space<hbm>>) target(%arg8 : memref<80xi32, #tpu.memory_space<vmem>>) target_semaphore(%arg24 : memref<!tpu.dma_semaphore, #tpu.memory_space<semaphore_mem>>)
        %mul3A_130 = arith.constant 80 : i32
        %mul3A_131 = arith.muli %add3A_124, %mul3A_130 : i32
        %add3A_132 = arith.addi %add3A, %mul3A_131 : i32
        %dma_start3A_133 = tpu.memref_slice %arg3[%add3A_132] : memref<320000xi32, #tpu.memory_space<hbm>> -> memref<80xi32, #tpu.memory_space<hbm>>
        %dma_start3A_134 = tpu.memref_slice %arg3[%add3A_132] : memref<320000xi32, #tpu.memory_space<hbm>> -> memref<80xi32, #tpu.memory_space<hbm>>
        tpu.enqueue_dma source(%dma_start3A_134 : memref<80xi32, #tpu.memory_space<hbm>>) target(%arg9 : memref<80xi32, #tpu.memory_space<vmem>>) target_semaphore(%arg24 : memref<!tpu.dma_semaphore, #tpu.memory_space<semaphore_mem>>)
        %mul3A_135 = arith.constant 80 : i32
        %mul3A_136 = arith.muli %add3A_124, %mul3A_135 : i32
        %add3A_137 = arith.addi %add3A, %mul3A_136 : i32
        %dma_start3A_138 = tpu.memref_slice %arg4[%add3A_137] : memref<320000xi32, #tpu.memory_space<hbm>> -> memref<80xi32, #tpu.memory_space<hbm>>
        %dma_start3A_139 = tpu.memref_slice %arg4[%add3A_137] : memref<320000xi32, #tpu.memory_space<hbm>> -> memref<80xi32, #tpu.memory_space<hbm>>
        tpu.enqueue_dma source(%dma_start3A_139 : memref<80xi32, #tpu.memory_space<hbm>>) target(%arg10 : memref<80xi32, #tpu.memory_space<vmem>>) target_semaphore(%arg24 : memref<!tpu.dma_semaphore, #tpu.memory_space<semaphore_mem>>)
      } else {
      }
      %dma_wait3A_97 = arith.constant 0 : i32
      %dma_wait3A_98 = arith.constant 0 : i32
      %dma_wait3A_99 = tpu.memref_slice %arg5[%dma_wait3A_97, %dma_wait3A_98] : memref<20000x128xf32, #tpu.memory_space<hbm>> -> memref<20000x128xf32, #tpu.memory_space<hbm>>
      tpu.wait_indirect_dma semaphore(%arg22 : memref<!tpu.dma_semaphore, #tpu.memory_space<semaphore_mem>>) src(%dma_wait3A_99 : memref<20000x128xf32, #tpu.memory_space<hbm>>) dst(%arg16 : memref<80x128xf32, #tpu.memory_space<vmem>>)
      %dma_wait3A_100 = arith.constant 0 : i32
      %dma_wait3A_101 = arith.constant 0 : i32
      %dma_wait3A_102 = tpu.memref_slice %arg6[%dma_wait3A_100, %dma_wait3A_101] : memref<201x128xf32, #tpu.memory_space<hbm>> -> memref<201x128xf32, #tpu.memory_space<hbm>>
      tpu.wait_indirect_dma semaphore(%arg23 : memref<!tpu.dma_semaphore, #tpu.memory_space<semaphore_mem>>) src(%dma_wait3A_102 : memref<201x128xf32, #tpu.memory_space<hbm>>) dst(%arg17 : memref<80x128xf32, #tpu.memory_space<vmem>>)
      %scan3A_103 = arith.constant 0 : i32
      %scan3A_104 = arith.constant 0 : i32
      %scan3A_105 = arith.constant 80 : i32
      %scan3A_106 = arith.addi %scan3A_104, %scan3A_105 : i32
      %scan3A_107 = arith.constant 1 : i32
      scf.for %scan3A_123 = %scan3A_104 to %scan3A_106 step %scan3A_107  : i32 {
        %get3A = arith.index_cast %scan3A_123 : i32 to index
        %get3A_124 = arith.constant 0 : index
        %get3A_125 = tpu.vector_load %arg16[%get3A, %get3A_124] {strides = array<i32>} : memref<80x128xf32, #tpu.memory_space<vmem>>, vector<1x16xf32>,
        %get3A_126 = vector.shape_cast %get3A_125 : vector<1x16xf32> to vector<16xf32>
        %get3A_127 = arith.index_cast %scan3A_123 : i32 to index
        %get3A_128 = arith.constant 0 : index
        %get3A_129 = tpu.vector_load %arg17[%get3A_127, %get3A_128] {strides = array<i32>} : memref<80x128xf32, #tpu.memory_space<vmem>>, vector<1x16xf32>,
        %get3A_130 = vector.shape_cast %get3A_129 : vector<1x16xf32> to vector<16xf32>
        %mul3A_131 = arith.mulf %get3A_126, %get3A_130 : vector<16xf32>
        %swap3A = arith.index_cast %scan3A_123 : i32 to index
        %swap3A_132 = arith.constant 0 : index
        %swap3A_133 = tpu.vector_load %arg16[%swap3A, %swap3A_132] {strides = array<i32>} : memref<80x128xf32, #tpu.memory_space<vmem>>, vector<1x16xf32>,
        %swap3A_134 = vector.shape_cast %swap3A_133 : vector<1x16xf32> to vector<16xf32>
        %swap3A_135 = vector.shape_cast %mul3A_131 : vector<16xf32> to vector<1x16xf32>
        tpu.vector_store %arg16[%swap3A, %swap3A_132], %swap3A_135 {strides = array<i32>} : memref<80x128xf32, #tpu.memory_space<vmem>>, vector<1x16xf32>,
        %get3A_136 = arith.index_cast %scan3A_123 : i32 to index
        %get3A_137 = arith.constant 16 : index
        %get3A_138 = tpu.vector_load %arg16[%get3A_136, %get3A_137] {strides = array<i32>} : memref<80x128xf32, #tpu.memory_space<vmem>>, vector<1x16xf32>,
        %get3A_139 = vector.shape_cast %get3A_138 : vector<1x16xf32> to vector<16xf32>
        %get3A_140 = arith.index_cast %scan3A_123 : i32 to index
        %get3A_141 = arith.constant 16 : index
        %get3A_142 = tpu.vector_load %arg17[%get3A_140, %get3A_141] {strides = array<i32>} : memref<80x128xf32, #tpu.memory_space<vmem>>, vector<1x16xf32>,
        %get3A_143 = vector.shape_cast %get3A_142 : vector<1x16xf32> to vector<16xf32>
        %mul3A_144 = arith.mulf %get3A_139, %get3A_143 : vector<16xf32>
        %swap3A_145 = arith.index_cast %scan3A_123 : i32 to index
        %swap3A_146 = arith.constant 16 : index
        %swap3A_147 = tpu.vector_load %arg16[%swap3A_145, %swap3A_146] {strides = array<i32>} : memref<80x128xf32, #tpu.memory_space<vmem>>, vector<1x16xf32>,
        %swap3A_148 = vector.shape_cast %swap3A_147 : vector<1x16xf32> to vector<16xf32>
        %swap3A_149 = vector.shape_cast %mul3A_144 : vector<16xf32> to vector<1x16xf32>
        tpu.vector_store %arg16[%swap3A_145, %swap3A_146], %swap3A_149 {strides = array<i32>} : memref<80x128xf32, #tpu.memory_space<vmem>>, vector<1x16xf32>,
        %get3A_150 = arith.index_cast %scan3A_123 : i32 to index
        %get3A_151 = arith.constant 32 : index
        %get3A_152 = tpu.vector_load %arg16[%get3A_150, %get3A_151] {strides = array<i32>} : memref<80x128xf32, #tpu.memory_space<vmem>>, vector<1x16xf32>,
        %get3A_153 = vector.shape_cast %get3A_152 : vector<1x16xf32> to vector<16xf32>
        %get3A_154 = arith.index_cast %scan3A_123 : i32 to index
        %get3A_155 = arith.constant 32 : index
        %get3A_156 = tpu.vector_load %arg17[%get3A_154, %get3A_155] {strides = array<i32>} : memref<80x128xf32, #tpu.memory_space<vmem>>, vector<1x16xf32>,
        %get3A_157 = vector.shape_cast %get3A_156 : vector<1x16xf32> to vector<16xf32>
        %mul3A_158 = arith.mulf %get3A_153, %get3A_157 : vector<16xf32>
        %swap3A_159 = arith.index_cast %scan3A_123 : i32 to index
        %swap3A_160 = arith.constant 32 : index
        %swap3A_161 = tpu.vector_load %arg16[%swap3A_159, %swap3A_160] {strides = array<i32>} : memref<80x128xf32, #tpu.memory_space<vmem>>, vector<1x16xf32>,
        %swap3A_162 = vector.shape_cast %swap3A_161 : vector<1x16xf32> to vector<16xf32>
        %swap3A_163 = vector.shape_cast %mul3A_158 : vector<16xf32> to vector<1x16xf32>
        tpu.vector_store %arg16[%swap3A_159, %swap3A_160], %swap3A_163 {strides = array<i32>} : memref<80x128xf32, #tpu.memory_space<vmem>>, vector<1x16xf32>,
        %get3A_164 = arith.index_cast %scan3A_123 : i32 to index
        %get3A_165 = arith.constant 48 : index
        %get3A_166 = tpu.vector_load %arg16[%get3A_164, %get3A_165] {strides = array<i32>} : memref<80x128xf32, #tpu.memory_space<vmem>>, vector<1x16xf32>,
        %get3A_167 = vector.shape_cast %get3A_166 : vector<1x16xf32> to vector<16xf32>
        %get3A_168 = arith.index_cast %scan3A_123 : i32 to index
        %get3A_169 = arith.constant 48 : index
        %get3A_170 = tpu.vector_load %arg17[%get3A_168, %get3A_169] {strides = array<i32>} : memref<80x128xf32, #tpu.memory_space<vmem>>, vector<1x16xf32>,
        %get3A_171 = vector.shape_cast %get3A_170 : vector<1x16xf32> to vector<16xf32>
        %mul3A_172 = arith.mulf %get3A_167, %get3A_171 : vector<16xf32>
        %swap3A_173 = arith.index_cast %scan3A_123 : i32 to index
        %swap3A_174 = arith.constant 48 : index
        %swap3A_175 = tpu.vector_load %arg16[%swap3A_173, %swap3A_174] {strides = array<i32>} : memref<80x128xf32, #tpu.memory_space<vmem>>, vector<1x16xf32>,
        %swap3A_176 = vector.shape_cast %swap3A_175 : vector<1x16xf32> to vector<16xf32>
        %swap3A_177 = vector.shape_cast %mul3A_172 : vector<16xf32> to vector<1x16xf32>
        tpu.vector_store %arg16[%swap3A_173, %swap3A_174], %swap3A_177 {strides = array<i32>} : memref<80x128xf32, #tpu.memory_space<vmem>>, vector<1x16xf32>,
        %get3A_178 = arith.index_cast %scan3A_123 : i32 to index
        %get3A_179 = arith.constant 64 : index
        %get3A_180 = tpu.vector_load %arg16[%get3A_178, %get3A_179] {strides = array<i32>} : memref<80x128xf32, #tpu.memory_space<vmem>>, vector<1x16xf32>,
        %get3A_181 = vector.shape_cast %get3A_180 : vector<1x16xf32> to vector<16xf32>
        %get3A_182 = arith.index_cast %scan3A_123 : i32 to index
        %get3A_183 = arith.constant 64 : index
        %get3A_184 = tpu.vector_load %arg17[%get3A_182, %get3A_183] {strides = array<i32>} : memref<80x128xf32, #tpu.memory_space<vmem>>, vector<1x16xf32>,
        %get3A_185 = vector.shape_cast %get3A_184 : vector<1x16xf32> to vector<16xf32>
        %mul3A_186 = arith.mulf %get3A_181, %get3A_185 : vector<16xf32>
        %swap3A_187 = arith.index_cast %scan3A_123 : i32 to index
        %swap3A_188 = arith.constant 64 : index
        %swap3A_189 = tpu.vector_load %arg16[%swap3A_187, %swap3A_188] {strides = array<i32>} : memref<80x128xf32, #tpu.memory_space<vmem>>, vector<1x16xf32>,
        %swap3A_190 = vector.shape_cast %swap3A_189 : vector<1x16xf32> to vector<16xf32>
        %swap3A_191 = vector.shape_cast %mul3A_186 : vector<16xf32> to vector<1x16xf32>
        tpu.vector_store %arg16[%swap3A_187, %swap3A_188], %swap3A_191 {strides = array<i32>} : memref<80x128xf32, #tpu.memory_space<vmem>>, vector<1x16xf32>,
        %get3A_192 = arith.index_cast %scan3A_123 : i32 to index
        %get3A_193 = arith.constant 80 : index
        %get3A_194 = tpu.vector_load %arg16[%get3A_192, %get3A_193] {strides = array<i32>} : memref<80x128xf32, #tpu.memory_space<vmem>>, vector<1x16xf32>,
        %get3A_195 = vector.shape_cast %get3A_194 : vector<1x16xf32> to vector<16xf32>
        %get3A_196 = arith.index_cast %scan3A_123 : i32 to index
        %get3A_197 = arith.constant 80 : index
        %get3A_198 = tpu.vector_load %arg17[%get3A_196, %get3A_197] {strides = array<i32>} : memref<80x128xf32, #tpu.memory_space<vmem>>, vector<1x16xf32>,
        %get3A_199 = vector.shape_cast %get3A_198 : vector<1x16xf32> to vector<16xf32>
        %mul3A_200 = arith.mulf %get3A_195, %get3A_199 : vector<16xf32>
        %swap3A_201 = arith.index_cast %scan3A_123 : i32 to index
        %swap3A_202 = arith.constant 80 : index
        %swap3A_203 = tpu.vector_load %arg16[%swap3A_201, %swap3A_202] {strides = array<i32>} : memref<80x128xf32, #tpu.memory_space<vmem>>, vector<1x16xf32>,
        %swap3A_204 = vector.shape_cast %swap3A_203 : vector<1x16xf32> to vector<16xf32>
        %swap3A_205 = vector.shape_cast %mul3A_200 : vector<16xf32> to vector<1x16xf32>
        tpu.vector_store %arg16[%swap3A_201, %swap3A_202], %swap3A_205 {strides = array<i32>} : memref<80x128xf32, #tpu.memory_space<vmem>>, vector<1x16xf32>,
        %get3A_206 = arith.index_cast %scan3A_123 : i32 to index
        %get3A_207 = arith.constant 96 : index
        %get3A_208 = tpu.vector_load %arg16[%get3A_206, %get3A_207] {strides = array<i32>} : memref<80x128xf32, #tpu.memory_space<vmem>>, vector<1x16xf32>,
        %get3A_209 = vector.shape_cast %get3A_208 : vector<1x16xf32> to vector<16xf32>
        %get3A_210 = arith.index_cast %scan3A_123 : i32 to index
        %get3A_211 = arith.constant 96 : index
        %get3A_212 = tpu.vector_load %arg17[%get3A_210, %get3A_211] {strides = array<i32>} : memref<80x128xf32, #tpu.memory_space<vmem>>, vector<1x16xf32>,
        %get3A_213 = vector.shape_cast %get3A_212 : vector<1x16xf32> to vector<16xf32>
        %mul3A_214 = arith.mulf %get3A_209, %get3A_213 : vector<16xf32>
        %swap3A_215 = arith.index_cast %scan3A_123 : i32 to index
        %swap3A_216 = arith.constant 96 : index
        %swap3A_217 = tpu.vector_load %arg16[%swap3A_215, %swap3A_216] {strides = array<i32>} : memref<80x128xf32, #tpu.memory_space<vmem>>, vector<1x16xf32>,
        %swap3A_218 = vector.shape_cast %swap3A_217 : vector<1x16xf32> to vector<16xf32>
        %swap3A_219 = vector.shape_cast %mul3A_214 : vector<16xf32> to vector<1x16xf32>
        tpu.vector_store %arg16[%swap3A_215, %swap3A_216], %swap3A_219 {strides = array<i32>} : memref<80x128xf32, #tpu.memory_space<vmem>>, vector<1x16xf32>,
        %get3A_220 = arith.index_cast %scan3A_123 : i32 to index
        %get3A_221 = arith.constant 112 : index
        %get3A_222 = tpu.vector_load %arg16[%get3A_220, %get3A_221] {strides = array<i32>} : memref<80x128xf32, #tpu.memory_space<vmem>>, vector<1x16xf32>,
        %get3A_223 = vector.shape_cast %get3A_222 : vector<1x16xf32> to vector<16xf32>
        %get3A_224 = arith.index_cast %scan3A_123 : i32 to index
        %get3A_225 = arith.constant 112 : index
        %get3A_226 = tpu.vector_load %arg17[%get3A_224, %get3A_225] {strides = array<i32>} : memref<80x128xf32, #tpu.memory_space<vmem>>, vector<1x16xf32>,
        %get3A_227 = vector.shape_cast %get3A_226 : vector<1x16xf32> to vector<16xf32>
        %mul3A_228 = arith.mulf %get3A_223, %get3A_227 : vector<16xf32>
        %swap3A_229 = arith.index_cast %scan3A_123 : i32 to index
        %swap3A_230 = arith.constant 112 : index
        %swap3A_231 = tpu.vector_load %arg16[%swap3A_229, %swap3A_230] {strides = array<i32>} : memref<80x128xf32, #tpu.memory_space<vmem>>, vector<1x16xf32>,
        %swap3A_232 = vector.shape_cast %swap3A_231 : vector<1x16xf32> to vector<16xf32>
        %swap3A_233 = vector.shape_cast %mul3A_228 : vector<16xf32> to vector<1x16xf32>
        tpu.vector_store %arg16[%swap3A_229, %swap3A_230], %swap3A_233 {strides = array<i32>} : memref<80x128xf32, #tpu.memory_space<vmem>>, vector<1x16xf32>,
      }
      %scan3A_108 = arith.constant 80 : i32
      "tpu.region"() ({
        %run_scoped3A = tpu.sem_alloc : memref<!tpu.dma_semaphore, #tpu.memory_space<semaphore_mem>>
        %dma_start3A_123 = arith.constant 0 : i32
        %dma_start3A_124 = arith.constant 0 : i32
        %dma_start3A_125 = tpu.memref_slice %arg19[%dma_start3A_123, %dma_start3A_124] : memref<10000x128xf32, #tpu.memory_space<vmem_shared>> -> memref<10000x128xf32, #tpu.memory_space<vmem_shared>>
        tpu.enqueue_indirect_dma source(%arg16 : memref<80x128xf32, #tpu.memory_space<vmem>>) target(%dma_start3A_125 : memref<10000x128xf32, #tpu.memory_space<vmem_shared>>) offsets(%arg11 : memref<80xi32, #tpu.memory_space<vmem>>) semaphore(%run_scoped3A : memref<!tpu.dma_semaphore, #tpu.memory_space<semaphore_mem>>) {add = true}
        %dma_wait3A_126 = arith.constant 0 : i32
        %dma_wait3A_127 = arith.constant 0 : i32
        %dma_wait3A_128 = tpu.memref_slice %arg19[%dma_wait3A_126, %dma_wait3A_127] : memref<10000x128xf32, #tpu.memory_space<vmem_shared>> -> memref<10000x128xf32, #tpu.memory_space<vmem_shared>>
        tpu.wait_indirect_dma semaphore(%run_scoped3A : memref<!tpu.dma_semaphore, #tpu.memory_space<semaphore_mem>>) src(%arg16 : memref<80x128xf32, #tpu.memory_space<vmem>>) dst(%dma_wait3A_128 : memref<10000x128xf32, #tpu.memory_space<vmem_shared>>)
        tpu.yield
      }) : () -> ()
      %add3A_109 = arith.constant 2 : i32
      %add3A_110 = arith.addi %mul3A_57, %add3A_109 : i32
      %lt3A_111 = arith.constant 125 : i32
      %lt3A_112 = arith.cmpi slt, %add3A_110, %lt3A_111 : i32
      %convert_element_type3A_113 = arith.extui %lt3A_112 : i1 to i32
      %cond3A_114 = arith.constant 0 : i32
      %cond3A_115 = arith.cmpi ne, %convert_element_type3A_113, %cond3A_114 : i32
      scf.if %cond3A_115 {
        %add3A_123 = arith.constant 2 : i32
        %add3A_124 = arith.addi %mul3A_57, %add3A_123 : i32
        %mul3A_125 = arith.constant 80 : i32
        %mul3A_126 = arith.muli %add3A_124, %mul3A_125 : i32
        %add3A_127 = arith.addi %add3A, %mul3A_126 : i32
        %dma_wait3A_128 = tpu.memref_slice %arg2[%add3A_127] : memref<320000xi32, #tpu.memory_space<hbm>> -> memref<80xi32, #tpu.memory_space<hbm>>
        %dma_wait3A_129 = tpu.memref_slice %arg2[%add3A_127] : memref<320000xi32, #tpu.memory_space<hbm>> -> memref<80xi32, #tpu.memory_space<hbm>>
        tpu.wait_dma2 semaphore(%arg24 : memref<!tpu.dma_semaphore, #tpu.memory_space<semaphore_mem>>) src(%dma_wait3A_129 : memref<80xi32, #tpu.memory_space<hbm>>) dst(%arg8 : memref<80xi32, #tpu.memory_space<vmem>>)
        %mul3A_130 = arith.constant 80 : i32
        %mul3A_131 = arith.muli %add3A_124, %mul3A_130 : i32
        %add3A_132 = arith.addi %add3A, %mul3A_131 : i32
        %dma_wait3A_133 = tpu.memref_slice %arg3[%add3A_132] : memref<320000xi32, #tpu.memory_space<hbm>> -> memref<80xi32, #tpu.memory_space<hbm>>
        %dma_wait3A_134 = tpu.memref_slice %arg3[%add3A_132] : memref<320000xi32, #tpu.memory_space<hbm>> -> memref<80xi32, #tpu.memory_space<hbm>>
        tpu.wait_dma2 semaphore(%arg24 : memref<!tpu.dma_semaphore, #tpu.memory_space<semaphore_mem>>) src(%dma_wait3A_134 : memref<80xi32, #tpu.memory_space<hbm>>) dst(%arg9 : memref<80xi32, #tpu.memory_space<vmem>>)
        %mul3A_135 = arith.constant 80 : i32
        %mul3A_136 = arith.muli %add3A_124, %mul3A_135 : i32
        %add3A_137 = arith.addi %add3A, %mul3A_136 : i32
        %dma_wait3A_138 = tpu.memref_slice %arg4[%add3A_137] : memref<320000xi32, #tpu.memory_space<hbm>> -> memref<80xi32, #tpu.memory_space<hbm>>
        %dma_wait3A_139 = tpu.memref_slice %arg4[%add3A_137] : memref<320000xi32, #tpu.memory_space<hbm>> -> memref<80xi32, #tpu.memory_space<hbm>>
        tpu.wait_dma2 semaphore(%arg24 : memref<!tpu.dma_semaphore, #tpu.memory_space<semaphore_mem>>) src(%dma_wait3A_139 : memref<80xi32, #tpu.memory_space<hbm>>) dst(%arg10 : memref<80xi32, #tpu.memory_space<vmem>>)
        %dma_start3A_140 = arith.constant 0 : i32
        %dma_start3A_141 = arith.constant 0 : i32
        %dma_start3A_142 = tpu.memref_slice %arg5[%dma_start3A_140, %dma_start3A_141] : memref<20000x128xf32, #tpu.memory_space<hbm>> -> memref<20000x128xf32, #tpu.memory_space<hbm>>
        tpu.enqueue_indirect_dma source(%dma_start3A_142 : memref<20000x128xf32, #tpu.memory_space<hbm>>) target(%arg14 : memref<80x128xf32, #tpu.memory_space<vmem>>) offsets(%arg9 : memref<80xi32, #tpu.memory_space<vmem>>) semaphore(%arg20 : memref<!tpu.dma_semaphore, #tpu.memory_space<semaphore_mem>>)
        %dma_start3A_143 = arith.constant 0 : i32
        %dma_start3A_144 = arith.constant 0 : i32
        %dma_start3A_145 = tpu.memref_slice %arg6[%dma_start3A_143, %dma_start3A_144] : memref<201x128xf32, #tpu.memory_space<hbm>> -> memref<201x128xf32, #tpu.memory_space<hbm>>
        tpu.enqueue_indirect_dma source(%dma_start3A_145 : memref<201x128xf32, #tpu.memory_space<hbm>>) target(%arg15 : memref<80x128xf32, #tpu.memory_space<vmem>>) offsets(%arg10 : memref<80xi32, #tpu.memory_space<vmem>>) semaphore(%arg21 : memref<!tpu.dma_semaphore, #tpu.memory_space<semaphore_mem>>)
      } else {
      }
      %add3A_116 = arith.constant 3 : i32
      %add3A_117 = arith.addi %mul3A_57, %add3A_116 : i32
      %lt3A_118 = arith.constant 125 : i32
      %lt3A_119 = arith.cmpi slt, %add3A_117, %lt3A_118 : i32
      %convert_element_type3A_120 = arith.extui %lt3A_119 : i1 to i32
      %cond3A_121 = arith.constant 0 : i32
      %cond3A_122 = arith.cmpi ne, %convert_element_type3A_120, %cond3A_121 : i32
      scf.if %cond3A_122 {
        %add3A_123 = arith.constant 3 : i32
        %add3A_124 = arith.addi %mul3A_57, %add3A_123 : i32
        %mul3A_125 = arith.constant 80 : i32
        %mul3A_126 = arith.muli %add3A_124, %mul3A_125 : i32
        %add3A_127 = arith.addi %add3A, %mul3A_126 : i32
        %dma_start3A_128 = tpu.memref_slice %arg2[%add3A_127] : memref<320000xi32, #tpu.memory_space<hbm>> -> memref<80xi32, #tpu.memory_space<hbm>>
        %dma_start3A_129 = tpu.memref_slice %arg2[%add3A_127] : memref<320000xi32, #tpu.memory_space<hbm>> -> memref<80xi32, #tpu.memory_space<hbm>>
        tpu.enqueue_dma source(%dma_start3A_129 : memref<80xi32, #tpu.memory_space<hbm>>) target(%arg11 : memref<80xi32, #tpu.memory_space<vmem>>) target_semaphore(%arg25 : memref<!tpu.dma_semaphore, #tpu.memory_space<semaphore_mem>>)
        %mul3A_130 = arith.constant 80 : i32
        %mul3A_131 = arith.muli %add3A_124, %mul3A_130 : i32
        %add3A_132 = arith.addi %add3A, %mul3A_131 : i32
        %dma_start3A_133 = tpu.memref_slice %arg3[%add3A_132] : memref<320000xi32, #tpu.memory_space<hbm>> -> memref<80xi32, #tpu.memory_space<hbm>>
        %dma_start3A_134 = tpu.memref_slice %arg3[%add3A_132] : memref<320000xi32, #tpu.memory_space<hbm>> -> memref<80xi32, #tpu.memory_space<hbm>>
        tpu.enqueue_dma source(%dma_start3A_134 : memref<80xi32, #tpu.memory_space<hbm>>) target(%arg12 : memref<80xi32, #tpu.memory_space<vmem>>) target_semaphore(%arg25 : memref<!tpu.dma_semaphore, #tpu.memory_space<semaphore_mem>>)
        %mul3A_135 = arith.constant 80 : i32
        %mul3A_136 = arith.muli %add3A_124, %mul3A_135 : i32
        %add3A_137 = arith.addi %add3A, %mul3A_136 : i32
        %dma_start3A_138 = tpu.memref_slice %arg4[%add3A_137] : memref<320000xi32, #tpu.memory_space<hbm>> -> memref<80xi32, #tpu.memory_space<hbm>>
        %dma_start3A_139 = tpu.memref_slice %arg4[%add3A_137] : memref<320000xi32, #tpu.memory_space<hbm>> -> memref<80xi32, #tpu.memory_space<hbm>>
        tpu.enqueue_dma source(%dma_start3A_139 : memref<80xi32, #tpu.memory_space<hbm>>) target(%arg13 : memref<80xi32, #tpu.memory_space<vmem>>) target_semaphore(%arg25 : memref<!tpu.dma_semaphore, #tpu.memory_space<semaphore_mem>>)
      } else {
      }
    }
    %scan3A_36 = arith.constant 62 : i32
    %dma_wait3A = arith.constant 0 : i32
    %dma_wait3A_37 = arith.constant 0 : i32
    %dma_wait3A_38 = tpu.memref_slice %arg5[%dma_wait3A, %dma_wait3A_37] : memref<20000x128xf32, #tpu.memory_space<hbm>> -> memref<20000x128xf32, #tpu.memory_space<hbm>>
    tpu.wait_indirect_dma semaphore(%arg20 : memref<!tpu.dma_semaphore, #tpu.memory_space<semaphore_mem>>) src(%dma_wait3A_38 : memref<20000x128xf32, #tpu.memory_space<hbm>>) dst(%arg14 : memref<80x128xf32, #tpu.memory_space<vmem>>)
    %dma_wait3A_39 = arith.constant 0 : i32
    %dma_wait3A_40 = arith.constant 0 : i32
    %dma_wait3A_41 = tpu.memref_slice %arg6[%dma_wait3A_39, %dma_wait3A_40] : memref<201x128xf32, #tpu.memory_space<hbm>> -> memref<201x128xf32, #tpu.memory_space<hbm>>
    tpu.wait_indirect_dma semaphore(%arg21 : memref<!tpu.dma_semaphore, #tpu.memory_space<semaphore_mem>>) src(%dma_wait3A_41 : memref<201x128xf32, #tpu.memory_space<hbm>>) dst(%arg15 : memref<80x128xf32, #tpu.memory_space<vmem>>)
    %scan3A_42 = arith.constant 0 : i32
    %scan3A_43 = arith.constant 0 : i32
    %scan3A_44 = arith.constant 80 : i32
    %scan3A_45 = arith.addi %scan3A_43, %scan3A_44 : i32
    %scan3A_46 = arith.constant 1 : i32
    scf.for %scan3A_55 = %scan3A_43 to %scan3A_45 step %scan3A_46  : i32 {
      %get3A = arith.index_cast %scan3A_55 : i32 to index
      %get3A_56 = arith.constant 0 : index
      %get3A_57 = tpu.vector_load %arg14[%get3A, %get3A_56] {strides = array<i32>} : memref<80x128xf32, #tpu.memory_space<vmem>>, vector<1x16xf32>,
      %get3A_58 = vector.shape_cast %get3A_57 : vector<1x16xf32> to vector<16xf32>
      %get3A_59 = arith.index_cast %scan3A_55 : i32 to index
      %get3A_60 = arith.constant 0 : index
      %get3A_61 = tpu.vector_load %arg15[%get3A_59, %get3A_60] {strides = array<i32>} : memref<80x128xf32, #tpu.memory_space<vmem>>, vector<1x16xf32>,
      %get3A_62 = vector.shape_cast %get3A_61 : vector<1x16xf32> to vector<16xf32>
      %mul3A_63 = arith.mulf %get3A_58, %get3A_62 : vector<16xf32>
      %swap3A = arith.index_cast %scan3A_55 : i32 to index
      %swap3A_64 = arith.constant 0 : index
      %swap3A_65 = tpu.vector_load %arg14[%swap3A, %swap3A_64] {strides = array<i32>} : memref<80x128xf32, #tpu.memory_space<vmem>>, vector<1x16xf32>,
      %swap3A_66 = vector.shape_cast %swap3A_65 : vector<1x16xf32> to vector<16xf32>
      %swap3A_67 = vector.shape_cast %mul3A_63 : vector<16xf32> to vector<1x16xf32>
      tpu.vector_store %arg14[%swap3A, %swap3A_64], %swap3A_67 {strides = array<i32>} : memref<80x128xf32, #tpu.memory_space<vmem>>, vector<1x16xf32>,
      %get3A_68 = arith.index_cast %scan3A_55 : i32 to index
      %get3A_69 = arith.constant 16 : index
      %get3A_70 = tpu.vector_load %arg14[%get3A_68, %get3A_69] {strides = array<i32>} : memref<80x128xf32, #tpu.memory_space<vmem>>, vector<1x16xf32>,
      %get3A_71 = vector.shape_cast %get3A_70 : vector<1x16xf32> to vector<16xf32>
      %get3A_72 = arith.index_cast %scan3A_55 : i32 to index
      %get3A_73 = arith.constant 16 : index
      %get3A_74 = tpu.vector_load %arg15[%get3A_72, %get3A_73] {strides = array<i32>} : memref<80x128xf32, #tpu.memory_space<vmem>>, vector<1x16xf32>,
      %get3A_75 = vector.shape_cast %get3A_74 : vector<1x16xf32> to vector<16xf32>
      %mul3A_76 = arith.mulf %get3A_71, %get3A_75 : vector<16xf32>
      %swap3A_77 = arith.index_cast %scan3A_55 : i32 to index
      %swap3A_78 = arith.constant 16 : index
      %swap3A_79 = tpu.vector_load %arg14[%swap3A_77, %swap3A_78] {strides = array<i32>} : memref<80x128xf32, #tpu.memory_space<vmem>>, vector<1x16xf32>,
      %swap3A_80 = vector.shape_cast %swap3A_79 : vector<1x16xf32> to vector<16xf32>
      %swap3A_81 = vector.shape_cast %mul3A_76 : vector<16xf32> to vector<1x16xf32>
      tpu.vector_store %arg14[%swap3A_77, %swap3A_78], %swap3A_81 {strides = array<i32>} : memref<80x128xf32, #tpu.memory_space<vmem>>, vector<1x16xf32>,
      %get3A_82 = arith.index_cast %scan3A_55 : i32 to index
      %get3A_83 = arith.constant 32 : index
      %get3A_84 = tpu.vector_load %arg14[%get3A_82, %get3A_83] {strides = array<i32>} : memref<80x128xf32, #tpu.memory_space<vmem>>, vector<1x16xf32>,
      %get3A_85 = vector.shape_cast %get3A_84 : vector<1x16xf32> to vector<16xf32>
      %get3A_86 = arith.index_cast %scan3A_55 : i32 to index
      %get3A_87 = arith.constant 32 : index
      %get3A_88 = tpu.vector_load %arg15[%get3A_86, %get3A_87] {strides = array<i32>} : memref<80x128xf32, #tpu.memory_space<vmem>>, vector<1x16xf32>,
      %get3A_89 = vector.shape_cast %get3A_88 : vector<1x16xf32> to vector<16xf32>
      %mul3A_90 = arith.mulf %get3A_85, %get3A_89 : vector<16xf32>
      %swap3A_91 = arith.index_cast %scan3A_55 : i32 to index
      %swap3A_92 = arith.constant 32 : index
      %swap3A_93 = tpu.vector_load %arg14[%swap3A_91, %swap3A_92] {strides = array<i32>} : memref<80x128xf32, #tpu.memory_space<vmem>>, vector<1x16xf32>,
      %swap3A_94 = vector.shape_cast %swap3A_93 : vector<1x16xf32> to vector<16xf32>
      %swap3A_95 = vector.shape_cast %mul3A_90 : vector<16xf32> to vector<1x16xf32>
      tpu.vector_store %arg14[%swap3A_91, %swap3A_92], %swap3A_95 {strides = array<i32>} : memref<80x128xf32, #tpu.memory_space<vmem>>, vector<1x16xf32>,
      %get3A_96 = arith.index_cast %scan3A_55 : i32 to index
      %get3A_97 = arith.constant 48 : index
      %get3A_98 = tpu.vector_load %arg14[%get3A_96, %get3A_97] {strides = array<i32>} : memref<80x128xf32, #tpu.memory_space<vmem>>, vector<1x16xf32>,
      %get3A_99 = vector.shape_cast %get3A_98 : vector<1x16xf32> to vector<16xf32>
      %get3A_100 = arith.index_cast %scan3A_55 : i32 to index
      %get3A_101 = arith.constant 48 : index
      %get3A_102 = tpu.vector_load %arg15[%get3A_100, %get3A_101] {strides = array<i32>} : memref<80x128xf32, #tpu.memory_space<vmem>>, vector<1x16xf32>,
      %get3A_103 = vector.shape_cast %get3A_102 : vector<1x16xf32> to vector<16xf32>
      %mul3A_104 = arith.mulf %get3A_99, %get3A_103 : vector<16xf32>
      %swap3A_105 = arith.index_cast %scan3A_55 : i32 to index
      %swap3A_106 = arith.constant 48 : index
      %swap3A_107 = tpu.vector_load %arg14[%swap3A_105, %swap3A_106] {strides = array<i32>} : memref<80x128xf32, #tpu.memory_space<vmem>>, vector<1x16xf32>,
      %swap3A_108 = vector.shape_cast %swap3A_107 : vector<1x16xf32> to vector<16xf32>
      %swap3A_109 = vector.shape_cast %mul3A_104 : vector<16xf32> to vector<1x16xf32>
      tpu.vector_store %arg14[%swap3A_105, %swap3A_106], %swap3A_109 {strides = array<i32>} : memref<80x128xf32, #tpu.memory_space<vmem>>, vector<1x16xf32>,
      %get3A_110 = arith.index_cast %scan3A_55 : i32 to index
      %get3A_111 = arith.constant 64 : index
      %get3A_112 = tpu.vector_load %arg14[%get3A_110, %get3A_111] {strides = array<i32>} : memref<80x128xf32, #tpu.memory_space<vmem>>, vector<1x16xf32>,
      %get3A_113 = vector.shape_cast %get3A_112 : vector<1x16xf32> to vector<16xf32>
      %get3A_114 = arith.index_cast %scan3A_55 : i32 to index
      %get3A_115 = arith.constant 64 : index
      %get3A_116 = tpu.vector_load %arg15[%get3A_114, %get3A_115] {strides = array<i32>} : memref<80x128xf32, #tpu.memory_space<vmem>>, vector<1x16xf32>,
      %get3A_117 = vector.shape_cast %get3A_116 : vector<1x16xf32> to vector<16xf32>
      %mul3A_118 = arith.mulf %get3A_113, %get3A_117 : vector<16xf32>
      %swap3A_119 = arith.index_cast %scan3A_55 : i32 to index
      %swap3A_120 = arith.constant 64 : index
      %swap3A_121 = tpu.vector_load %arg14[%swap3A_119, %swap3A_120] {strides = array<i32>} : memref<80x128xf32, #tpu.memory_space<vmem>>, vector<1x16xf32>,
      %swap3A_122 = vector.shape_cast %swap3A_121 : vector<1x16xf32> to vector<16xf32>
      %swap3A_123 = vector.shape_cast %mul3A_118 : vector<16xf32> to vector<1x16xf32>
      tpu.vector_store %arg14[%swap3A_119, %swap3A_120], %swap3A_123 {strides = array<i32>} : memref<80x128xf32, #tpu.memory_space<vmem>>, vector<1x16xf32>,
      %get3A_124 = arith.index_cast %scan3A_55 : i32 to index
      %get3A_125 = arith.constant 80 : index
      %get3A_126 = tpu.vector_load %arg14[%get3A_124, %get3A_125] {strides = array<i32>} : memref<80x128xf32, #tpu.memory_space<vmem>>, vector<1x16xf32>,
      %get3A_127 = vector.shape_cast %get3A_126 : vector<1x16xf32> to vector<16xf32>
      %get3A_128 = arith.index_cast %scan3A_55 : i32 to index
      %get3A_129 = arith.constant 80 : index
      %get3A_130 = tpu.vector_load %arg15[%get3A_128, %get3A_129] {strides = array<i32>} : memref<80x128xf32, #tpu.memory_space<vmem>>, vector<1x16xf32>,
      %get3A_131 = vector.shape_cast %get3A_130 : vector<1x16xf32> to vector<16xf32>
      %mul3A_132 = arith.mulf %get3A_127, %get3A_131 : vector<16xf32>
      %swap3A_133 = arith.index_cast %scan3A_55 : i32 to index
      %swap3A_134 = arith.constant 80 : index
      %swap3A_135 = tpu.vector_load %arg14[%swap3A_133, %swap3A_134] {strides = array<i32>} : memref<80x128xf32, #tpu.memory_space<vmem>>, vector<1x16xf32>,
      %swap3A_136 = vector.shape_cast %swap3A_135 : vector<1x16xf32> to vector<16xf32>
      %swap3A_137 = vector.shape_cast %mul3A_132 : vector<16xf32> to vector<1x16xf32>
      tpu.vector_store %arg14[%swap3A_133, %swap3A_134], %swap3A_137 {strides = array<i32>} : memref<80x128xf32, #tpu.memory_space<vmem>>, vector<1x16xf32>,
      %get3A_138 = arith.index_cast %scan3A_55 : i32 to index
      %get3A_139 = arith.constant 96 : index
      %get3A_140 = tpu.vector_load %arg14[%get3A_138, %get3A_139] {strides = array<i32>} : memref<80x128xf32, #tpu.memory_space<vmem>>, vector<1x16xf32>,
      %get3A_141 = vector.shape_cast %get3A_140 : vector<1x16xf32> to vector<16xf32>
      %get3A_142 = arith.index_cast %scan3A_55 : i32 to index
      %get3A_143 = arith.constant 96 : index
      %get3A_144 = tpu.vector_load %arg15[%get3A_142, %get3A_143] {strides = array<i32>} : memref<80x128xf32, #tpu.memory_space<vmem>>, vector<1x16xf32>,
      %get3A_145 = vector.shape_cast %get3A_144 : vector<1x16xf32> to vector<16xf32>
      %mul3A_146 = arith.mulf %get3A_141, %get3A_145 : vector<16xf32>
      %swap3A_147 = arith.index_cast %scan3A_55 : i32 to index
      %swap3A_148 = arith.constant 96 : index
      %swap3A_149 = tpu.vector_load %arg14[%swap3A_147, %swap3A_148] {strides = array<i32>} : memref<80x128xf32, #tpu.memory_space<vmem>>, vector<1x16xf32>,
      %swap3A_150 = vector.shape_cast %swap3A_149 : vector<1x16xf32> to vector<16xf32>
      %swap3A_151 = vector.shape_cast %mul3A_146 : vector<16xf32> to vector<1x16xf32>
      tpu.vector_store %arg14[%swap3A_147, %swap3A_148], %swap3A_151 {strides = array<i32>} : memref<80x128xf32, #tpu.memory_space<vmem>>, vector<1x16xf32>,
      %get3A_152 = arith.index_cast %scan3A_55 : i32 to index
      %get3A_153 = arith.constant 112 : index
      %get3A_154 = tpu.vector_load %arg14[%get3A_152, %get3A_153] {strides = array<i32>} : memref<80x128xf32, #tpu.memory_space<vmem>>, vector<1x16xf32>,
      %get3A_155 = vector.shape_cast %get3A_154 : vector<1x16xf32> to vector<16xf32>
      %get3A_156 = arith.index_cast %scan3A_55 : i32 to index
      %get3A_157 = arith.constant 112 : index
      %get3A_158 = tpu.vector_load %arg15[%get3A_156, %get3A_157] {strides = array<i32>} : memref<80x128xf32, #tpu.memory_space<vmem>>, vector<1x16xf32>,
      %get3A_159 = vector.shape_cast %get3A_158 : vector<1x16xf32> to vector<16xf32>
      %mul3A_160 = arith.mulf %get3A_155, %get3A_159 : vector<16xf32>
      %swap3A_161 = arith.index_cast %scan3A_55 : i32 to index
      %swap3A_162 = arith.constant 112 : index
      %swap3A_163 = tpu.vector_load %arg14[%swap3A_161, %swap3A_162] {strides = array<i32>} : memref<80x128xf32, #tpu.memory_space<vmem>>, vector<1x16xf32>,
      %swap3A_164 = vector.shape_cast %swap3A_163 : vector<1x16xf32> to vector<16xf32>
      %swap3A_165 = vector.shape_cast %mul3A_160 : vector<16xf32> to vector<1x16xf32>
      tpu.vector_store %arg14[%swap3A_161, %swap3A_162], %swap3A_165 {strides = array<i32>} : memref<80x128xf32, #tpu.memory_space<vmem>>, vector<1x16xf32>,
    }
    %scan3A_47 = arith.constant 80 : i32
    "tpu.region"() ({
      %run_scoped3A = tpu.sem_alloc : memref<!tpu.dma_semaphore, #tpu.memory_space<semaphore_mem>>
      %dma_start3A_55 = arith.constant 0 : i32
      %dma_start3A_56 = arith.constant 0 : i32
      %dma_start3A_57 = tpu.memref_slice %arg19[%dma_start3A_55, %dma_start3A_56] : memref<10000x128xf32, #tpu.memory_space<vmem_shared>> -> memref<10000x128xf32, #tpu.memory_space<vmem_shared>>
      tpu.enqueue_indirect_dma source(%arg14 : memref<80x128xf32, #tpu.memory_space<vmem>>) target(%dma_start3A_57 : memref<10000x128xf32, #tpu.memory_space<vmem_shared>>) offsets(%arg8 : memref<80xi32, #tpu.memory_space<vmem>>) semaphore(%run_scoped3A : memref<!tpu.dma_semaphore, #tpu.memory_space<semaphore_mem>>) {add = true}
      %dma_wait3A_58 = arith.constant 0 : i32
      %dma_wait3A_59 = arith.constant 0 : i32
      %dma_wait3A_60 = tpu.memref_slice %arg19[%dma_wait3A_58, %dma_wait3A_59] : memref<10000x128xf32, #tpu.memory_space<vmem_shared>> -> memref<10000x128xf32, #tpu.memory_space<vmem_shared>>
      tpu.wait_indirect_dma semaphore(%run_scoped3A : memref<!tpu.dma_semaphore, #tpu.memory_space<semaphore_mem>>) src(%arg14 : memref<80x128xf32, #tpu.memory_space<vmem>>) dst(%dma_wait3A_60 : memref<10000x128xf32, #tpu.memory_space<vmem_shared>>)
      tpu.yield
    }) : () -> ()
    %barrier3A_48 = arith.constant 0 : index
    tpu.barrier barrier_id(%barrier3A_48)
    %scan3A_49 = arith.constant 0 : i32
    %scan3A_50 = arith.constant 0 : i32
    %scan3A_51 = arith.constant 40 : i32
    %scan3A_52 = arith.addi %scan3A_50, %scan3A_51 : i32
    %scan3A_53 = arith.constant 1 : i32
    scf.for %scan3A_55 = %scan3A_50 to %scan3A_52 step %scan3A_53  : i32 {
      %mul3A_56 = arith.constant 16 : i32
      %mul3A_57 = arith.muli %scan3A_55, %mul3A_56 : i32
      %add3A_58 = arith.addi %mul3A_57, %arg1 : i32
      %lt3A = arith.constant 625 : i32
      %lt3A_59 = arith.cmpi slt, %add3A_58, %lt3A : i32
      %convert_element_type3A = arith.extui %lt3A_59 : i1 to i32
      %cond3A = arith.constant 0 : i32
      %cond3A_60 = arith.cmpi ne, %convert_element_type3A, %cond3A : i32
      scf.if %cond3A_60 {
        %mul3A_61 = arith.constant 16 : i32
        %mul3A_62 = arith.muli %add3A_58, %mul3A_61 : i32
        "tpu.region"() ({
          %run_scoped3A = tpu.sem_alloc : memref<!tpu.dma_semaphore, #tpu.memory_space<semaphore_mem>>
          %dma_start3A_68 = arith.constant 0 : i32
          %dma_start3A_69 = tpu.memref_slice %arg19[%mul3A_62, %dma_start3A_68] : memref<10000x128xf32, #tpu.memory_space<vmem_shared>> -> memref<16x128xf32, #tpu.memory_space<vmem_shared>>
          %dma_start3A_70 = arith.constant 0 : i32
          %dma_start3A_71 = tpu.memref_slice %arg19[%mul3A_62, %dma_start3A_70] : memref<10000x128xf32, #tpu.memory_space<vmem_shared>> -> memref<16x128xf32, #tpu.memory_space<vmem_shared>>
          tpu.enqueue_dma source(%dma_start3A_71 : memref<16x128xf32, #tpu.memory_space<vmem_shared>>) target(%arg18 : memref<16x128xf32, #tpu.memory_space<vmem>>) target_semaphore(%run_scoped3A : memref<!tpu.dma_semaphore, #tpu.memory_space<semaphore_mem>>)
          %dma_wait3A_72 = arith.constant 0 : i32
          %dma_wait3A_73 = tpu.memref_slice %arg19[%mul3A_62, %dma_wait3A_72] : memref<10000x128xf32, #tpu.memory_space<vmem_shared>> -> memref<16x128xf32, #tpu.memory_space<vmem_shared>>
          %dma_wait3A_74 = arith.constant 0 : i32
          %dma_wait3A_75 = tpu.memref_slice %arg19[%mul3A_62, %dma_wait3A_74] : memref<10000x128xf32, #tpu.memory_space<vmem_shared>> -> memref<16x128xf32, #tpu.memory_space<vmem_shared>>
          tpu.wait_dma2 semaphore(%run_scoped3A : memref<!tpu.dma_semaphore, #tpu.memory_space<semaphore_mem>>) src(%dma_wait3A_75 : memref<16x128xf32, #tpu.memory_space<vmem_shared>>) dst(%arg18 : memref<16x128xf32, #tpu.memory_space<vmem>>)
          tpu.yield
        }) : () -> ()
        %mul3A_63 = arith.constant 10000 : i32
        %mul3A_64 = arith.muli %arg0, %mul3A_63 : i32
        %mul3A_65 = arith.constant 16 : i32
        %mul3A_66 = arith.muli %add3A_58, %mul3A_65 : i32
        %add3A_67 = arith.addi %mul3A_64, %mul3A_66 : i32
        "tpu.region"() ({
          %run_scoped3A = tpu.sem_alloc : memref<!tpu.dma_semaphore, #tpu.memory_space<semaphore_mem>>
          %dma_start3A_68 = arith.constant 0 : i32
          %dma_start3A_69 = tpu.memref_slice %arg7[%add3A_67, %dma_start3A_68] : memref<20000x128xf32, #tpu.memory_space<hbm>> -> memref<16x128xf32, #tpu.memory_space<hbm>>
          %dma_start3A_70 = arith.constant 0 : i32
          %dma_start3A_71 = tpu.memref_slice %arg7[%add3A_67, %dma_start3A_70] : memref<20000x128xf32, #tpu.memory_space<hbm>> -> memref<16x128xf32, #tpu.memory_space<hbm>>
          tpu.enqueue_dma source(%arg18 : memref<16x128xf32, #tpu.memory_space<vmem>>) target(%dma_start3A_71 : memref<16x128xf32, #tpu.memory_space<hbm>>) target_semaphore(%run_scoped3A : memref<!tpu.dma_semaphore, #tpu.memory_space<semaphore_mem>>)
          %dma_wait3A_72 = arith.constant 0 : i32
          %dma_wait3A_73 = tpu.memref_slice %arg7[%add3A_67, %dma_wait3A_72] : memref<20000x128xf32, #tpu.memory_space<hbm>> -> memref<16x128xf32, #tpu.memory_space<hbm>>
          %dma_wait3A_74 = arith.constant 0 : i32
          %dma_wait3A_75 = tpu.memref_slice %arg7[%add3A_67, %dma_wait3A_74] : memref<20000x128xf32, #tpu.memory_space<hbm>> -> memref<16x128xf32, #tpu.memory_space<hbm>>
          tpu.wait_dma2 semaphore(%run_scoped3A : memref<!tpu.dma_semaphore, #tpu.memory_space<semaphore_mem>>) src(%arg18 : memref<16x128xf32, #tpu.memory_space<vmem>>) dst(%dma_wait3A_75 : memref<16x128xf32, #tpu.memory_space<hbm>>)
          tpu.yield
        }) : () -> ()
      } else {
      }
    }
    %scan3A_54 = arith.constant 40 : i32
    return
  }
}

module attributes {stable_mosaic.version = 14 : i64} {
  func.func @body(%arg0: memref<10000x128xf32, #tpu.memory_space<vmem>>, %arg1: memref<20000x1xf32, #tpu.memory_space<vmem>>, %arg2: memref<20000x128xf32, #tpu.memory_space<vmem>>, %arg3: memref<20000x1xf32, #tpu.memory_space<vmem>>) attributes {dimension_semantics = [], scalar_prefetch = 0 : i64, scratch_operands = 0 : i64, tpu.core_type = #tpu.core_type<tc>} {
    %get3A = arith.constant 0 : index
    %get3A_0 = arith.constant 0 : index
    %get3A_1 = vector.load %arg1[%get3A, %get3A_0] : memref<20000x1xf32, #tpu.memory_space<vmem>>, vector<20000x1xf32>
    %gt3A = arith.constant 0.000000e+00 : f32
    %gt3A_2 = vector.broadcast %gt3A : f32 to vector<20000x1xf32>
    %gt3A_3 = arith.cmpf ogt, %get3A_1, %gt3A_2 : vector<20000x1xf32>
    %rsqrt3A = math.rsqrt %get3A_1 : vector<20000x1xf32>
    %jit3A = arith.constant 0.000000e+00 : f32
    %broadcast_in_dim3A = vector.broadcast %jit3A : f32 to vector<20000x1xf32>
    %select_n3A = arith.select %gt3A_3, %rsqrt3A, %broadcast_in_dim3A : vector<20000x1xi1>, vector<20000x1xf32>
    %swap3A = arith.constant 0 : index
    %swap3A_4 = arith.constant 0 : index
    %swap3A_5 = vector.load %arg3[%swap3A, %swap3A_4] : memref<20000x1xf32, #tpu.memory_space<vmem>>, vector<20000x1xf32>
    tpu.vector_store %arg3[%swap3A, %swap3A_4], %select_n3A {strides = array<i32>} : memref<20000x1xf32, #tpu.memory_space<vmem>>, vector<20000x1xf32>,
    %get3A_6 = arith.constant 0 : index
    %get3A_7 = arith.constant 0 : index
    %get3A_8 = vector.load %arg0[%get3A_6, %get3A_7] : memref<10000x128xf32, #tpu.memory_space<vmem>>, vector<10000x128xf32>
    %slice3A = vector.extract_strided_slice %select_n3A {offsets = [0, 0], sizes = [10000, 1], strides = [1, 1]} : vector<20000x1xf32> to vector<10000x1xf32>
    %mul3A = vector.broadcast %slice3A : vector<10000x1xf32> to vector<10000x128xf32>
    %mul3A_9 = arith.mulf %get3A_8, %mul3A : vector<10000x128xf32>
    %swap3A_10 = arith.constant 0 : index
    %swap3A_11 = arith.constant 0 : index
    %swap3A_12 = vector.load %arg2[%swap3A_10, %swap3A_11] : memref<20000x128xf32, #tpu.memory_space<vmem>>, vector<10000x128xf32>
    tpu.vector_store %arg2[%swap3A_10, %swap3A_11], %mul3A_9 {strides = array<i32>} : memref<20000x128xf32, #tpu.memory_space<vmem>>, vector<10000x128xf32>,
    %slice3A_13 = vector.extract_strided_slice %select_n3A {offsets = [10000, 0], sizes = [10000, 1], strides = [1, 1]} : vector<20000x1xf32> to vector<10000x1xf32>
    %mul3A_14 = vector.broadcast %slice3A_13 : vector<10000x1xf32> to vector<10000x128xf32>
    %mul3A_15 = arith.mulf %get3A_8, %mul3A_14 : vector<10000x128xf32>
    %swap3A_16 = arith.constant 10000 : index
    %swap3A_17 = arith.constant 0 : index
    %swap3A_18 = vector.load %arg2[%swap3A_16, %swap3A_17] : memref<20000x128xf32, #tpu.memory_space<vmem>>, vector<10000x128xf32>
    tpu.vector_store %arg2[%swap3A_16, %swap3A_17], %mul3A_15 {strides = array<i32>} : memref<20000x128xf32, #tpu.memory_space<vmem>>, vector<10000x128xf32>,
    return
  }
}

module attributes {stable_mosaic.version = 14 : i64} {
  func.func @body(%arg0: memref<20000x128xf32, #tpu.memory_space<vmem>>, %arg1: memref<20000x1xf32, #tpu.memory_space<vmem>>, %arg2: memref<10000x128xf32, #tpu.memory_space<vmem>>, %arg3: memref<1x128xf32, #tpu.memory_space<vmem>>, %arg4: memref<200x128xf32, #tpu.memory_space<vmem>>, %arg5: memref<128x128xf32, #tpu.memory_space<vmem>>, %arg6: memref<128x128xf32, #tpu.memory_space<vmem>>, %arg7: memref<128x128xf32, #tpu.memory_space<vmem>>, %arg8: memref<128x128xf32, #tpu.memory_space<vmem>>, %arg9: memref<1x128xf32, #tpu.memory_space<vmem>>, %arg10: memref<1x128xf32, #tpu.memory_space<vmem>>, %arg11: memref<10000x128xf32, #tpu.memory_space<vmem>>, %arg12: memref<200x128xf32, #tpu.memory_space<vmem>>) attributes {dimension_semantics = [], scalar_prefetch = 0 : i64, scratch_operands = 0 : i64, tpu.core_type = #tpu.core_type<tc>} {
    %get3A = arith.constant 0 : index
    %get3A_0 = arith.constant 0 : index
    %get3A_1 = vector.load %arg1[%get3A, %get3A_0] : memref<20000x1xf32, #tpu.memory_space<vmem>>, vector<20000x1xf32>
    %get3A_2 = arith.constant 0 : index
    %get3A_3 = arith.constant 0 : index
    %get3A_4 = vector.load %arg0[%get3A_2, %get3A_3] : memref<20000x128xf32, #tpu.memory_space<vmem>>, vector<10000x128xf32>
    %slice3A = vector.extract_strided_slice %get3A_1 {offsets = [0, 0], sizes = [10000, 1], strides = [1, 1]} : vector<20000x1xf32> to vector<10000x1xf32>
    %mul3A = vector.broadcast %slice3A : vector<10000x1xf32> to vector<10000x128xf32>
    %mul3A_5 = arith.mulf %get3A_4, %mul3A : vector<10000x128xf32>
    %get3A_6 = arith.constant 10000 : index
    %get3A_7 = arith.constant 0 : index
    %get3A_8 = vector.load %arg0[%get3A_6, %get3A_7] : memref<20000x128xf32, #tpu.memory_space<vmem>>, vector<10000x128xf32>
    %slice3A_9 = vector.extract_strided_slice %get3A_1 {offsets = [10000, 0], sizes = [10000, 1], strides = [1, 1]} : vector<20000x1xf32> to vector<10000x1xf32>
    %mul3A_10 = vector.broadcast %slice3A_9 : vector<10000x1xf32> to vector<10000x128xf32>
    %mul3A_11 = arith.mulf %get3A_8, %mul3A_10 : vector<10000x128xf32>
    %get3A_12 = arith.constant 0 : index
    %get3A_13 = arith.constant 0 : index
    %get3A_14 = vector.load %arg6[%get3A_12, %get3A_13] : memref<128x128xf32, #tpu.memory_space<vmem>>, vector<128x128xf32>
    %dot_general3A = arith.constant dense<0.000000e+00> : vector<10000x128xf32>
    %dot_general3A_15 = tpu.matmul %mul3A_5, %get3A_14, %dot_general3A {dimension_numbers = #tpu.dot_dimension_numbers<[1], [0], [0], [1], [0, 0, 1, 1], [], []>, transpose_lhs_hint = false} : vector<10000x128xf32>, vector<128x128xf32>, vector<10000x128xf32> -> vector<10000x128xf32>
    %get3A_16 = arith.constant 0 : index
    %get3A_17 = arith.constant 0 : index
    %get3A_18 = vector.load %arg7[%get3A_16, %get3A_17] : memref<128x128xf32, #tpu.memory_space<vmem>>, vector<128x128xf32>
    %dot_general3A_19 = arith.constant dense<0.000000e+00> : vector<10000x128xf32>
    %dot_general3A_20 = tpu.matmul %mul3A_11, %get3A_18, %dot_general3A_19 {dimension_numbers = #tpu.dot_dimension_numbers<[1], [0], [0], [1], [0, 0, 1, 1], [], []>, transpose_lhs_hint = false} : vector<10000x128xf32>, vector<128x128xf32>, vector<10000x128xf32> -> vector<10000x128xf32>
    %add3A = arith.addf %dot_general3A_15, %dot_general3A_20 : vector<10000x128xf32>
    %get3A_21 = arith.constant 0 : index
    %get3A_22 = arith.constant 0 : index
    %get3A_23 = vector.load %arg2[%get3A_21, %get3A_22] : memref<10000x128xf32, #tpu.memory_space<vmem>>, vector<10000x128xf32>
    %get3A_24 = arith.constant 0 : index
    %get3A_25 = arith.constant 0 : index
    %get3A_26 = vector.load %arg3[%get3A_24, %get3A_25] : memref<1x128xf32, #tpu.memory_space<vmem>>, vector<1x128xf32>
    %mul3A_27 = vector.broadcast %get3A_26 : vector<1x128xf32> to vector<10000x128xf32>
    %mul3A_28 = arith.mulf %get3A_23, %mul3A_27 : vector<10000x128xf32>
    %get3A_29 = arith.constant 0 : index
    %get3A_30 = arith.constant 0 : index
    %get3A_31 = vector.load %arg5[%get3A_29, %get3A_30] : memref<128x128xf32, #tpu.memory_space<vmem>>, vector<128x128xf32>
    %dot_general3A_32 = arith.constant dense<0.000000e+00> : vector<10000x128xf32>
    %dot_general3A_33 = tpu.matmul %mul3A_28, %get3A_31, %dot_general3A_32 {dimension_numbers = #tpu.dot_dimension_numbers<[1], [0], [0], [1], [0, 0, 1, 1], [], []>, transpose_lhs_hint = false} : vector<10000x128xf32>, vector<128x128xf32>, vector<10000x128xf32> -> vector<10000x128xf32>
    %add3A_34 = arith.addf %add3A, %dot_general3A_33 : vector<10000x128xf32>
    %mul3A_35 = arith.constant 0.333333343 : f32
    %mul3A_36 = vector.broadcast %mul3A_35 : f32 to vector<10000x128xf32>
    %mul3A_37 = arith.mulf %add3A_34, %mul3A_36 : vector<10000x128xf32>
    %reduce_sum3A = arith.constant dense<0.000000e+00> : vector<128xf32>
    %reduce_sum3A_38 = vector.multi_reduction <add>, %mul3A_37, %reduce_sum3A [0] : vector<10000x128xf32> to vector<128xf32>
    %broadcast_in_dim3A = vector.shape_cast %reduce_sum3A_38 : vector<128xf32> to vector<1x128xf32>
    %div3A = arith.constant 1.000000e+04 : f32
    %div3A_39 = vector.broadcast %div3A : f32 to vector<1x128xf32>
    %div3A_40 = arith.divf %broadcast_in_dim3A, %div3A_39 : vector<1x128xf32>
    %sub3A = vector.broadcast %div3A_40 : vector<1x128xf32> to vector<10000x128xf32>
    %sub3A_41 = arith.subf %mul3A_37, %sub3A : vector<10000x128xf32>
    %mul3A_42 = arith.mulf %sub3A_41, %sub3A_41 : vector<10000x128xf32>
    %reduce_sum3A_43 = arith.constant dense<0.000000e+00> : vector<128xf32>
    %reduce_sum3A_44 = vector.multi_reduction <add>, %mul3A_42, %reduce_sum3A_43 [0] : vector<10000x128xf32> to vector<128xf32>
    %broadcast_in_dim3A_45 = vector.shape_cast %reduce_sum3A_44 : vector<128xf32> to vector<1x128xf32>
    %div3A_46 = arith.constant 1.000000e+04 : f32
    %div3A_47 = vector.broadcast %div3A_46 : f32 to vector<1x128xf32>
    %div3A_48 = arith.divf %broadcast_in_dim3A_45, %div3A_47 : vector<1x128xf32>
    %get3A_49 = arith.constant 0 : index
    %get3A_50 = arith.constant 0 : index
    %get3A_51 = vector.load %arg9[%get3A_49, %get3A_50] : memref<1x128xf32, #tpu.memory_space<vmem>>, vector<1x128xf32>
    %mul3A_52 = vector.broadcast %get3A_51 : vector<1x128xf32> to vector<10000x128xf32>
    %mul3A_53 = arith.mulf %mul3A_52, %sub3A_41 : vector<10000x128xf32>
    %add3A_54 = arith.constant 9.99999974E-6 : f32
    %add3A_55 = vector.broadcast %add3A_54 : f32 to vector<1x128xf32>
    %add3A_56 = arith.addf %div3A_48, %add3A_55 : vector<1x128xf32>
    %rsqrt3A = math.rsqrt %add3A_56 : vector<1x128xf32>
    %mul3A_57 = vector.broadcast %rsqrt3A : vector<1x128xf32> to vector<10000x128xf32>
    %mul3A_58 = arith.mulf %mul3A_53, %mul3A_57 : vector<10000x128xf32>
    %get3A_59 = arith.constant 0 : index
    %get3A_60 = arith.constant 0 : index
    %get3A_61 = vector.load %arg10[%get3A_59, %get3A_60] : memref<1x128xf32, #tpu.memory_space<vmem>>, vector<1x128xf32>
    %add3A_62 = vector.broadcast %get3A_61 : vector<1x128xf32> to vector<10000x128xf32>
    %add3A_63 = arith.addf %mul3A_58, %add3A_62 : vector<10000x128xf32>
    %swap3A = arith.constant 0 : index
    %swap3A_64 = arith.constant 0 : index
    %swap3A_65 = vector.load %arg11[%swap3A, %swap3A_64] : memref<10000x128xf32, #tpu.memory_space<vmem>>, vector<10000x128xf32>
    tpu.vector_store %arg11[%swap3A, %swap3A_64], %add3A_63 {strides = array<i32>} : memref<10000x128xf32, #tpu.memory_space<vmem>>, vector<10000x128xf32>,
    %get3A_66 = arith.constant 0 : index
    %get3A_67 = arith.constant 0 : index
    %get3A_68 = vector.load %arg4[%get3A_66, %get3A_67] : memref<200x128xf32, #tpu.memory_space<vmem>>, vector<200x128xf32>
    %get3A_69 = arith.constant 0 : index
    %get3A_70 = arith.constant 0 : index
    %get3A_71 = vector.load %arg8[%get3A_69, %get3A_70] : memref<128x128xf32, #tpu.memory_space<vmem>>, vector<128x128xf32>
    %dot_general3A_72 = arith.constant dense<0.000000e+00> : vector<200x128xf32>
    %dot_general3A_73 = tpu.matmul %get3A_68, %get3A_71, %dot_general3A_72 {dimension_numbers = #tpu.dot_dimension_numbers<[1], [0], [0], [1], [0, 0, 1, 1], [], []>, transpose_lhs_hint = false} : vector<200x128xf32>, vector<128x128xf32>, vector<200x128xf32> -> vector<200x128xf32>
    %swap3A_74 = arith.constant 0 : index
    %swap3A_75 = arith.constant 0 : index
    %swap3A_76 = vector.load %arg12[%swap3A_74, %swap3A_75] : memref<200x128xf32, #tpu.memory_space<vmem>>, vector<200x128xf32>
    tpu.vector_store %arg12[%swap3A_74, %swap3A_75], %dot_general3A_73 {strides = array<i32>} : memref<200x128xf32, #tpu.memory_space<vmem>>, vector<200x128xf32>,
    return
  }
}

</mosaic_0001>

<sc_bundles>
// kernel: kernel.6.cloned.1.call-start
scs
__scs_entry_jumppad:
0x0: {  	(pc) =	sbr.rel $0x88, $3  }
0x1: {  	(tag) =	ssettag $0x0;
	lr =	simm.s32 $0x1  }
0x2: {  	[smem:$0x3F96] =	sst lr;
	_ =	strace $0xD0000000  }
0x3: {  	_ = 	snop  }
0x4: {  	_ = 	snop  }
0x5: {  	_ = 	snop  }
0x6: {  	_ = 	snop  }
0x7: {  	_ = 	snop  }
__scs_overlays_trampoline_lowered:
0x8: {  	[smem:$0x3FA5] =	sst s0  }
0x9: {  	[smem:$0x3FA6] =	sst s1  }
0xa: {  	[smem:$0x3FA7] =	sst s2  }
0xb: {  	[smem:$0x3FA8] =	sst s3  }
0xc: {  	[smem:$0x3FA9] =	sst s4  }
0xd: {  	[smem:$0x3FAA] =	sst s5  }
0xe: {  	[smem:$0x3FAB] =	sst s6  }
0xf: {  	[smem:$0x3FAC] =	sst s7  }
0x10: {  	[smem:$0x3FAD] =	sst s8  }
0x11: {  	[smem:$0x3FAE] =	sst s9;
	s0 =	simm.s32 @!p0 $0x0  }
0x12: {  	s1 =	sld [smem:$0x3F94];
	s0 =	simm.s32 @p0 $0x1  }
0x13: {  	[smem:$0x3FAF] =	sst s0;
	s0 =	simm.s32 @!p1 $0x0  }
0x14: {  	s2 =	sld [smem:$0x3F93];
	s0 =	simm.s32 @p1 $0x1  }
0x15: {  	[smem:$0x3FB0] =	sst s0;
	s0 =	simm.s32 @!p2 $0x0  }
0x16: {  	s3 =	sld [smem:$0x3FDB];
	s0 =	simm.s32 @p2 $0x1  }
0x17: {  	s4 =	simm.s32 $0x1BF5;
	[smem:$0x3FB2] =	sst s0  }
0x18: {  	s0 =	sld [smem:$0x3F95];
	_ =	swait.ge [sflag:s4], $0x0  }
0x19: {  	s7 =	sld [smem:$0x3F96]  }
0x1a: {  	s8 =	sadd.s32 $0xFFFFE003, lr  }
0x1b: {  	s9 =	sadd.s32 $0xFFFFFEF7, lr;
	s5 =	simm.s32 $0xFFFFFFFF;
	p2 =	slt.u32 s8, $0xFFFFF086  }
0x1c: {  	p1 =	slt.u32 s9, $0xF7A;
	s5 =	simm.s32 @!p2 $0x0  }
0x1d: {  	s5 =	simm.s32 @p1 $0x1;
	p0 =	seq.s32 s7, s2  }
0x1e: {  	s7 =	smul.u32 @!p0 $0xF7A, s2;
	p2 =	seq.s32 @!p0 s5, $0x0  }
0x1f: {  	s9 =	smul.u32 $0xF7A, s1;
	s8 =	simm.s32 @!p0 $0x1BF5;
	p2 =	por !p2, p0  }
0x20: {  	[sflag:s8] =	ssyncset.s32 @!p0 $0xFFFFF086;
	s6 =	sadd.s32 @!p0 s3, s7;
	s7 =	simm.s32 @!p0 $0x108  }
0x21: {  	s3 =	sadd.s32 s3, s9;
	s6 =	sadd.s32 @!p0 $0x88, s6;
	s7 =	simm.s32 @p2 $0x1082  }
0x22: {  	[simem:s7], [sflag:s8] =	dma.local @!p0 [hbm:s6], $0xF7A  }
0x23: {  	s9 =	sor.u32 $0xD0000000, s2;
	s6 =	simm.s32 $0x108;
	_ =	swait.ge @!p0 [sflag:s8], $0x0  }
0x24: {  	s3 =	sadd.s32 $0x88, s3;
	s6 =	simm.s32 @!p1 $0x1082;
	[sflag:s4] =	ssyncset.s32 $0xFFFFF086  }
0x25: {  	[simem:s6], [sflag:s4] =	dma.local [hbm:s3], $0xF7A  }
0x26: {  	[smem:$0x3F96] =	sst s1;
	(tag) =	ssettag s2;
	_ =	strace s9  }
0x27: {  	s1 =	sld [smem:$0x3FA6]  }
0x28: {  	s2 =	sld [smem:$0x3FA7]  }
0x29: {  	s4 =	sld [smem:$0x3FA9]  }
0x2a: {  	p0 =	seq.s32 s5, $0x0;
	s5 =	sld [smem:$0x3FAA]  }
0x2b: {  	s6 =	sld [smem:$0x3FAB]  }
0x2c: {  	s7 =	sld [smem:$0x3FAC]  }
0x2d: {  	s3 =	simm.s32 $0x108;
	s8 =	sld [smem:$0x3FAD]  }
0x2e: {  	s3 =	simm.s32 @!p0 $0x1082;
	s9 =	sld [smem:$0x3FAE]  }
0x2f: {  	lr =	sadd.s32 s0, s3;
	s0 =	sld [smem:$0x3FA5]  }
0x30: {  	s3 =	sld [smem:$0x3FA8]  }
0x31: {  	[smem:$0x3FB1] =	sst s10  }
0x32: {  	s10 =	sld [smem:$0x3FAF];
	_ =	sdelay $0x3  }
0x33: {  	p0 =	seq.s32 s10, $0x1;
	s10 =	sld [smem:$0x3FB1];
	_ =	sdelay $0x3  }
0x34: {  	[smem:$0x3FB1] =	sst s10  }
0x35: {  	s10 =	sld [smem:$0x3FB0];
	_ =	sdelay $0x3  }
0x36: {  	p1 =	seq.s32 s10, $0x1;
	s10 =	sld [smem:$0x3FB1];
	_ =	sdelay $0x3  }
0x37: {  	[smem:$0x3FB1] =	sst s10  }
0x38: {  	s10 =	sld [smem:$0x3FB2]  }
0x39: {  	_ = 	snop;
	(pc) =	sbr.ind lr, $3  }
0x3a: {  	_ = 	snop  }
0x3b: {  	_ = 	snop  }
0x3c: {  	p2 =	seq.s32 s10, $0x1;
	s10 =	sld [smem:$0x3FB1]  }
0x3d: {  	_ =	shalt  }
0x3e: {  	_ =	shalt  }
0x3f: {  	_ =	shalt  }
0x40: {  	_ =	shalt  }
0x41: {  	_ =	shalt  }
0x42: {  	_ =	shalt  }
0x43: {  	_ =	shalt  }
0x44: {  	_ =	shalt  }
0x45: {  	_ =	shalt  }
0x46: {  	_ =	shalt  }
0x47: {  	_ =	shalt  }
0x48: {  	_ =	shalt  }
0x49: {  	_ =	shalt  }
0x4a: {  	_ =	shalt  }
0x4b: {  	_ =	shalt  }
0x4c: {  	_ =	shalt  }
0x4d: {  	_ =	shalt  }
0x4e: {  	_ =	shalt  }
0x4f: {  	_ =	shalt  }
0x50: {  	_ =	shalt  }
0x51: {  	_ =	shalt  }
0x52: {  	_ =	shalt  }
0x53: {  	_ =	shalt  }
0x54: {  	_ =	shalt  }
0x55: {  	_ =	shalt  }
0x56: {  	_ =	shalt  }
0x57: {  	_ =	shalt  }
0x58: {  	_ =	shalt  }
0x59: {  	_ =	shalt  }
0x5a: {  	_ =	shalt  }
0x5b: {  	_ =	shalt  }
0x5c: {  	_ =	shalt  }
0x5d: {  	_ =	shalt  }
0x5e: {  	_ =	shalt  }
0x5f: {  	_ =	shalt  }
0x60: {  	_ =	shalt  }
0x61: {  	_ =	shalt  }
0x62: {  	_ =	shalt  }
0x63: {  	_ =	shalt  }
0x64: {  	_ =	shalt  }
0x65: {  	_ =	shalt  }
0x66: {  	_ =	shalt  }
0x67: {  	_ =	shalt  }
0x68: {  	_ =	shalt  }
0x69: {  	_ =	shalt  }
0x6a: {  	_ =	shalt  }
0x6b: {  	_ =	shalt  }
0x6c: {  	_ =	shalt  }
0x6d: {  	_ =	shalt  }
0x6e: {  	_ =	shalt  }
0x6f: {  	_ =	shalt  }
0x70: {  	_ =	shalt  }
0x71: {  	_ =	shalt  }
0x72: {  	_ =	shalt  }
0x73: {  	_ =	shalt  }
0x74: {  	_ =	shalt  }
0x75: {  	_ =	shalt  }
0x76: {  	_ =	shalt  }
0x77: {  	_ =	shalt  }
0x78: {  	_ =	shalt  }
0x79: {  	_ =	shalt  }
0x7a: {  	_ =	shalt  }
0x7b: {  	_ =	shalt  }
0x7c: {  	_ =	shalt  }
0x7d: {  	_ =	shalt  }
0x7e: {  	_ =	shalt  }
0x7f: {  	_ =	shalt  }
0x80: {  	_ =	shalt  }
0x81: {  	_ =	shalt  }
0x82: {  	_ =	shalt  }
0x83: {  	_ =	shalt  }
0x84: {  	_ =	shalt  }
0x85: {  	_ =	shalt  }
0x86: {  	_ =	shalt  }
0x87: {  	_ =	shalt  }
.Lfunc_end0:
.L_simem_size_0:
called_computation_lowered:
.L_overlay_start_0:
0x88: {  	s2 =	sld [smem:$0x3FD9]  }
0x89: {  	s3 =	sld [smem:$0x3FFE];
	_ =	sdelay $0x1  }
0x8a: {  	s1 =	srdreg.scid  }
0x8b: {  	s0 =	sand.u32 $0x1, s1  }
0x8c: {  	s15 =	sshll.u32 s0, $0xA;
	s2 =	sadd.s32 s3, s2  }
0x8d: {  	s2 =	sadd.s32 s2, s15  }
0x8e: {  	[smem:$0x3FBD] =	sst s2  }
0x8f: {  	_ = 	snop  }
0x90: {  	s2 =	sld [smem:$0x3FD0];
	_ =	sdelay $0x2  }
0x91: {  	s16 =	simm.s32 $0xA;
	s4 =	simm.s32 $0x10  }
0x92: {  	[smem:s4], [sflag:s16] =	dma.local [hbm:s2], $0x1  }
0x93: {  	_ =	swait.eq [sflag:s16], $0x1  }
0x94: {  	[sflag:s16] =	ssyncset.done $0x0  }
0x95: {  	s17 =	sld [smem:$0x10];
	[sflag:s16] =	ssyncadd.s32 $0xFFFFFFFF  }
0x96: {  	s18 =	sld [smem:$0x11];
	(tm) =	ssettm $0x1  }
0x97: {  	s19 =	sld [smem:$0x3FFB];
	_ =	sdelay $0x3  }
0x98: {  	_ =	strace s19  }
0x99: {  	s4 =	sld [smem:$0x3FFC];
	_ =	sdelay $0x3  }
0x9a: {  	_ =	strace s4  }
0x9b: {  	s4 =	sld [smem:$0x3FFD];
	_ =	sdelay $0x3  }
0x9c: {  	_ =	strace s4  }
0x9d: {  	_ =	strace $0x8FFFFFFF  }
0x9e: {  	s20 =	sld [smem:$0x3FDB];
	_ =	sdelay $0x1  }
0x9f: {  	s5 =	simm.s32 $_scs_section_size  }
0xa0: {  	s6 =	simm.s32 $_size__tile_overlayer_lowered;
	s7 =	simm.s32 $_tile_overlayer_lowered  }
0xa1: {  	s23 =	simm.s32 $0x1BFF;
	s22 =	sshll.u32 s7, $0x1;
	s4 =	sadd.s32 s5, s20  }
0xa2: {  	s8 =	simm.s32 $0x0;
	s21 =	sshll.u32 s6, $0x1;
	s6 =	sadd.s32 s22, s4  }
0xa3: {  	[timem:s8], [sflag:s23] =	dma.local [hbm:s6], s21  }
0xa4: {  	_ =	swait.ge [sflag:s23], s21  }
0xa5: {  	s5 =	ssub.s32 $0x0, s21;
	[sflag:s23] =	ssyncset.done $0x0  }
0xa6: {  	[sflag:s23] =	ssyncadd.s32 s5;
	_ =	sdelay $0x1  }
0xa7: {  	s24 =	simm.s32 $0x1B8B  }
0xa8: {  	_ =	swait.ge [sflag:s24], $0x1  }
0xa9: {  	[sflag:s24] =	ssyncset.done $0x0  }
0xaa: {  	s25 =	simm.s32 $0x1B8E;
	[sflag:s24] =	ssyncadd.s32 $0xFFFFFFFF  }
0xab: {  	s26 =	simm.s32 $execute0_lowered;
	[smem:$0x3FD2] =	sst s25  }
0xac: {  	s5 =	sshll.u32 s26, $0x1;
	_ =	strace $0x80000046;
	[dreg:$0x1] =	wrdreg $0xFFFFFFFF  }
0xad: {  	s28 =	simm.s32 $_size_execute0_lowered;
	s4 =	sadd.s32 s4, s5;
	[dreg:$0x0] =	wrdreg $0x0  }
0xae: {  	s5 =	sshll.u32 s28, $0x1;
	[dreg:$0x2] =	wrdreg s4  }
0xaf: {  	[dreg:$0x3] =	wrdreg s5  }
0xb0: {  	[dreg:$0x4] =	wrdreg $0xC0  }
0xb1: {  	_ =	task [dreg:s8], $0x5FFFF  }
0xb2: {  	[dreg:$0x1] =	wrdreg $0xFFFFFFFF  }
0xb3: {  	[dreg:$0x0] =	wrdreg $0x60  }
0xb4: {  	[dreg:$0x2] =	wrdreg s17  }
0xb5: {  	[dreg:$0x3] =	wrdreg s18  }
0xb6: {  	[dreg:$0x4] =	wrdreg $0x44800  }
0xb7: {  	[dreg:$0x5] =	wrdreg $0x9  }
0xb8: {  	_ =	task.clear_ibuf [dreg:s8], $0x6FFFF;
	_ =	strace $0x90000046  }
0xb9: {  	s29 =	simm.s32 $0x9;
	_ =	strace $0x80000048  }
0xba: {  	_ =	swait.ge [sflag:s29], $0x1  }
0xbb: {  	[sflag:s29] =	ssyncadd.s32 $0xFFFFFFFF  }
0xbc: {  	_ =	strace $0x90000048  }
0xbd: {  	_ =	sfence  }
0xbe: {  	s30 =	sld [smem:$0x0];
	_ =	sdelay $0x2  }
0xbf: {  	s31 =	sshll.u32 s1, $0xD;
	s1 =	sshrl.u32 s1, $0x2  }
0xc0: {  	s3 =	sand.u32 $0x4000, s31;
	s1 =	sadd.s32 s1, s30  }
0xc1: {  	s0 =	sor.u32 s3, s0;
	s1 =	sshll.u32 s1, $0x11  }
0xc2: {  	s0 =	sor.u32 s1, s0  }
0xc3: {  	s0 =	sadd.s32 $0x8F2B, s0  }
0xc4: {  	[sflag:s0] =	ssyncadd.remote.s32 $0x1  }
0xc5: {  	_ =	sfence.sel $0xFFFF  }
0xc6: {  	[dreg:$0x0] =	wrdreg $0xFFFFFFFF;
	(pc) =	sbr.abs _section_cstart, $3  }
0xc7: {  	[dreg:$0x1] =	wrdreg $0xFFFFFFFF  }
0xc8: {  	_ =	task.clear_ibuf [dreg:s8], $0x2FFFF;
	_ =	strace $0x9FFFFFFF  }
0xc9: {  	(tm) =	ssettm $0x7FFFFFFF  }
tec
execute0_lowered:
.L_overlay_start_1:
0x0: {  	(tag) =	ssettag $0x1  }
0x1: {  	s4 =	rddreg [dreg:$0x0]  }
0x2: {  	s7 =	rddreg [dreg:$0x1]  }
0x3: {  	s2 =	rddreg [dreg:$0x2]  }
0x4: {  	s0 =	rddreg [dreg:$0x3]  }
0x5: {  	s5 =	srdreg.scid;
	s1 =	stileid.u32  }
0x6: {  	s3 =	simm.s32 $0x0;
	s12 =	simm.s32 $0x1;
	s13 =	simm.s32 $0x0  }
0x7: {  	s5 =	sand.u32 $0x1, s5;
	s6 =	smul.u32 $0xFA0, s1;
	[smem:$0x7FF] =	sst s3  }
0x8: {  	s9 =	smul.u32 $0x3E8, s1;
	s30 =	sshll.u32 s1, $0xB;
	p0 =	sgt.u32 s1, $0x9  }
0x9: {  	s8 =	ssub.s32 $0x2, s5;
	_ =	strace $0x80000047;
	s11 =	smul.u32 $0x2710, s5  }
0xa: {  	s5 =	sshll.u32 s5, $0xF;
	s4 =	sadd.s32 s4, s30;
	s10 =	sshrl.u32 s8, $0x1  }
0xb: {  	s6 =	sshrl.u32 s6, $0x2;
	s4 =	sadd.s32 s5, s4;
	s8 =	ssub.s32 s8, s10  }
0xc: {  	s31 =	sadd.s32 s9, s11;
	s5 =	sadd.s32 s6, s2;
	s6 =	sadd.s32 s9, s2  }
0xd: {  	s9 =	simm.s32 $0x80;
	s11 =	simm.s32 $0x50;
	s10 =	sshrl.u32 s31, $0x3  }
0xe: {  	v0 =	vimm.f32 $1.000000000e+00;
	v1 =	vimm.f32 $0.0e+00;
	s8 =	smax.u32 s8, $0x1;
	s7 =	sadd.s32 s7, s10;
	s10 =	simm.s32 $0x2  }
.LBB2_1:
0xf: {  	[tilespmem:$0x0] =	vst v0  }
0x10: {  	[tilespmem:$0x10] =	vst v0  }
0x11: {  	[tilespmem:$0x20] =	vst v0  }
0x12: {  	[tilespmem:$0x30] =	vst v0  }
0x13: {  	[tilespmem:$0x40] =	vst v0  }
0x14: {  	[tilespmem:$0x4080] =	vst v1  }
0x15: {  	[tilespmem:$0x4090] =	vst v1  }
0x16: {  	[tilespmem:$0x40A0] =	vst v1  }
0x17: {  	[tilespmem:$0x40B0] =	vst v1  }
0x18: {  	[tilespmem:$0x40C0] =	vst v1  }
0x19: {  	[tilespmem:$0x40D0] =	vst v1  }
0x1a: {  	[tilespmem:$0x40E0] =	vst v1  }
0x1b: {  	[tilespmem:$0x40F0] =	vst v1  }
0x1c: {  	[tilespmem:$0x4100] =	vst v1  }
0x1d: {  	[tilespmem:$0x4110] =	vst v1  }
0x1e: {  	[tilespmem:$0x4120] =	vst v1  }
0x1f: {  	[tilespmem:$0x4130] =	vst v1  }
0x20: {  	[tilespmem:$0x4140] =	vst v1  }
0x21: {  	[tilespmem:$0x4150] =	vst v1  }
0x22: {  	[tilespmem:$0x4160] =	vst v1  }
0x23: {  	[tilespmem:$0x4170] =	vst v1  }
0x24: {  	[tilespmem:$0x4180] =	vst v1  }
0x25: {  	[tilespmem:$0x4190] =	vst v1  }
0x26: {  	[tilespmem:$0x41A0] =	vst v1  }
0x27: {  	[tilespmem:$0x41B0] =	vst v1  }
0x28: {  	[tilespmem:$0x41C0] =	vst v1  }
0x29: {  	[tilespmem:$0x41D0] =	vst v1  }
0x2a: {  	[tilespmem:$0x41E0] =	vst v1  }
0x2b: {  	[tilespmem:$0x41F0] =	vst v1  }
0x2c: {  	[tilespmem:$0x4200] =	vst v1  }
0x2d: {  	[tilespmem:$0x4210] =	vst v1  }
0x2e: {  	[tilespmem:$0x4220] =	vst v1  }
0x2f: {  	[tilespmem:$0x4230] =	vst v1  }
0x30: {  	[tilespmem:$0x4240] =	vst v1  }
0x31: {  	[tilespmem:$0x4250] =	vst v1  }
0x32: {  	[tilespmem:$0x4260] =	vst v1  }
0x33: {  	[tilespmem:$0x4270] =	vst v1  }
0x34: {  	[tilespmem:$0x4280] =	vst v1  }
0x35: {  	[tilespmem:$0x4290] =	vst v1  }
0x36: {  	[tilespmem:$0x42A0] =	vst v1  }
0x37: {  	[tilespmem:$0x42B0] =	vst v1  }
0x38: {  	[tilespmem:$0x42C0] =	vst v1  }
0x39: {  	[tilespmem:$0x42D0] =	vst v1  }
0x3a: {  	[tilespmem:$0x42E0] =	vst v1  }
0x3b: {  	[tilespmem:$0x42F0] =	vst v1  }
0x3c: {  	[tilespmem:$0x4300] =	vst v1  }
0x3d: {  	[tilespmem:$0x4310] =	vst v1  }
0x3e: {  	[tilespmem:$0x4320] =	vst v1  }
0x3f: {  	[tilespmem:$0x4330] =	vst v1  }
0x40: {  	[tilespmem:$0x4340] =	vst v1  }
0x41: {  	[tilespmem:$0x4350] =	vst v1  }
0x42: {  	[tilespmem:$0x4360] =	vst v1  }
0x43: {  	[tilespmem:$0x4370] =	vst v1  }
0x44: {  	[tilespmem:$0x4380] =	vst v1  }
0x45: {  	[tilespmem:$0x4390] =	vst v1  }
0x46: {  	[tilespmem:$0x43A0] =	vst v1  }
0x47: {  	[tilespmem:$0x43B0] =	vst v1  }
0x48: {  	[tilespmem:$0x43C0] =	vst v1  }
0x49: {  	[tilespmem:$0x43D0] =	vst v1  }
0x4a: {  	[tilespmem:$0x43E0] =	vst v1  }
0x4b: {  	[tilespmem:$0x43F0] =	vst v1  }
0x4c: {  	[tilespmem:$0x4400] =	vst v1  }
0x4d: {  	[tilespmem:$0x4410] =	vst v1  }
0x4e: {  	[tilespmem:$0x4420] =	vst v1  }
0x4f: {  	[tilespmem:$0x4430] =	vst v1  }
0x50: {  	[tilespmem:$0x4440] =	vst v1  }
0x51: {  	[tilespmem:$0x4450] =	vst v1  }
0x52: {  	[tilespmem:$0x4460] =	vst v1  }
0x53: {  	[tilespmem:$0x4470] =	vst v1  }
0x54: {  	[tilespmem:s9], [sflag:$0x2] =	stream.linear.gather [hbm4b:s4+s3], $0x3E80, $0x38;
	[tilespmem:$0x46F8] =	vst v63  }
0x55: {  	_ =	swait.ge [sflag:s10], $0x3E80  }
0x56: {  	[sflag:s10] =	ssyncset.done $0x0  }
0x57: {  	s14 =	simm.s32 @!p0 $0x4080;
	[sflag:s10] =	ssyncadd.s32 $0xFFFFC180  }
0x58: {  	[spmem:s5] =	stream.linear.scatter @!p0 [tilespmem:s14], [sflag:$0x2], $0x3E8, $0x38;
	[tilespmem:$0x46F8] =	vst v63  }
0x59: {  	s14 =	simm.s32 @!p0 $0x2  }
0x5a: {  	_ =	swait.ge @!p0 [sflag:s14], $0x3E8  }
0x5b: {  	[sflag:s14] =	ssyncset.done @!p0 $0x0  }
0x5c: {  	p1 =	por $0x1, $0x1;
	[sflag:s14] =	ssyncadd.s32 @!p0 $0xFFFFFC18  }
0x5d: {  	s16 =	simm.s32 @!p1 $0x1;
	[bflag:$0x0] =	sbarrier.arrive $0xFFFF  }
0x5e: {  	[spmem:s2] =	stream.indirect.scatter.add.f32 [tilespmem:s3], [sflag:$0x1], $0x1, s9, s11, $0xb8;
	[tilespmem:$0x46F8] =	vst v63  }
0x5f: {  	_ =	swait.ge @!p1 [sflag:s16], $0x50  }
0x60: {  	s15 =	simm.s32 $0x80;
	s14 =	simm.s32 $0x1;
	[sflag:s16] =	ssyncset.done @!p1 $0x0  }
.LBB2_2:
0x61: {  	[sflag:s16] =	ssyncadd.s32 @!p1 $0xFFFFFFB0  }
0x62: {  	s15 =	sadd.s32 $0x80, s15;
	s16 =	smov.u32 s14;
	s14 =	sadd.s32 $0x1, s14  }
0x63: {  	p2 =	sne.s32 s14, $0x7D  }
0x64: {  	[spmem:s2] =	stream.indirect.scatter.add.f32 [tilespmem:s3], [sflag:$0x1], $0x1, s15, s11, $0xb8;
	[tilespmem:$0x46F8] =	vst v63  }
.Ltmp0:
0x65: {  	_ = 	snop;
	(pc) =	sbr.rel @p2 .LBB2_2-.Ltmp0, $4  }
0x66: {  	p1 =	slt.u32 s16, $0x8  }
0x67: {  	s16 =	simm.s32 @!p1 $0x1  }
0x68: {  	_ =	swait.ge @!p1 [sflag:s16], $0x50  }
0x69: {  	[sflag:s16] =	ssyncset.done @!p1 $0x0  }
0x6a: {  	[sflag:s16] =	ssyncadd.s32 @!p1 $0xFFFFFFB0  }
0x6b: {  	_ =	swait.ge [sflag:s12], $0x50  }
0x6c: {  	[sflag:s12] =	ssyncset.done $0x0  }
0x6d: {  	[sflag:s12] =	ssyncadd.s32 $0xFFFFFFB0  }
0x6e: {  	_ =	swait.ge [sflag:s12], $0x50  }
0x6f: {  	[sflag:s12] =	ssyncset.done $0x0  }
0x70: {  	[sflag:s12] =	ssyncadd.s32 $0xFFFFFFB0  }
0x71: {  	_ =	swait.ge [sflag:s12], $0x50  }
0x72: {  	[sflag:s12] =	ssyncset.done $0x0  }
0x73: {  	[sflag:s12] =	ssyncadd.s32 $0xFFFFFFB0  }
0x74: {  	_ =	swait.ge [sflag:s12], $0x50  }
0x75: {  	[sflag:s12] =	ssyncset.done $0x0  }
0x76: {  	[sflag:s12] =	ssyncadd.s32 $0xFFFFFFB0  }
0x77: {  	_ =	swait.ge [sflag:s12], $0x50  }
0x78: {  	[sflag:s12] =	ssyncset.done $0x0  }
0x79: {  	[sflag:s12] =	ssyncadd.s32 $0xFFFFFFB0  }
0x7a: {  	_ =	swait.ge [sflag:s12], $0x50  }
0x7b: {  	[sflag:s12] =	ssyncset.done $0x0  }
0x7c: {  	[sflag:s12] =	ssyncadd.s32 $0xFFFFFFB0  }
0x7d: {  	_ =	swait.ge [sflag:s12], $0x50  }
0x7e: {  	[sflag:s12] =	ssyncset.done $0x0  }
0x7f: {  	[sflag:s12] =	ssyncadd.s32 $0xFFFFFFB0  }
0x80: {  	_ =	swait.ge [sflag:s12], $0x50  }
0x81: {  	[sflag:s12] =	ssyncset.done $0x0  }
0x82: {  	[sflag:s12] =	ssyncadd.s32 $0xFFFFFFB0  }
0x83: {  	s14 =	simm.s32 @!p0 $0x4080;
	s15 =	simm.s32 @!p0 $0x2;
	[bflag:$0x0] =	sbarrier.arrive $0xFFFF  }
0x84: {  	[tilespmem:s14], [sflag:$0x2] =	stream.linear.gather @!p0 [spmem:s6], $0x3E8, $0x38;
	[tilespmem:$0x46F8] =	vst v63  }
0x85: {  	s13 =	sadd.s32 $0x1, s13;
	_ =	swait.ge @!p0 [sflag:s15], $0x3E8  }
0x86: {  	p1 =	sne.s32 s13, s8;
	[sflag:s15] =	ssyncset.done @!p0 $0x0  }
.Ltmp1:
0x87: {  	s16 =	simm.s32 @!p0 $0x0;
	[sflag:s15] =	ssyncadd.s32 @!p0 $0xFFFFFC18;
	(pc) =	sbr.rel @p1 .LBB2_1-.Ltmp1, $4  }
0x88: {  	[hbm4b:s7+s16] =	stream.linear.scatter @!p0 [tilespmem:s14], [sflag:$0x2], $0x3E8, $0x38;
	[tilespmem:$0x46F8] =	vst v63  }
0x89: {  	_ =	swait.ge @!p0 [sflag:s15], $0x3E8  }
0x8a: {  	[sflag:s15] =	ssyncset.done @!p0 $0x0  }
0x8b: {  	[sflag:s15] =	ssyncadd.s32 @!p0 $0xFFFFFC18  }
0x8c: {  	_ =	sfence.sel $0x180000  }
0x8d: {  	[bflag:$0x0] =	sbarrier.arrive $0xFFFF  }
0x8e: {  	p0 =	sne.s32 s1, $0x0;
	_ =	strace $0x90000047  }
0x8f: {  	s0 =	sadd.s32 @!p0 $0x100000, s0;
	[bflag:$0x2] =	sbarrier.arrive $0xFFFF  }
0x90: {  	[sflag:s0] =	ssyncadd.tile.s32 @!p0 $0x1;
	_ =	shalt  }
.Lfunc_end2:
_tile_overlayer_lowered:
.L_overlay_start_2:
0x91: {  	(tag) =	ssettag $0x2  }
0x92: {  	s0 =	rddreg [dreg:$0x0];
	s2 =	stileid.u32  }
0x93: {  	s1 =	rddreg [dreg:$0x1];
	p0 =	sne.s32 s2, $0x0  }
0x94: {  	s3 =	rddreg [dreg:$0x2];
	[bflag:$0x3] =	sbarrier.arrive $0xFFFF;
	s2 =	simm.s32 @!p0 $0x1C02  }
0x95: {  	[timem:s3], [sflag:s2] =	dma.local @!p0 [hbm:s0], s1  }
0x96: {  	s0 =	simm.s32 @!p0 $0x2  }
0x97: {  	_ =	swait.ge @!p0 [sflag:s0], s1  }
0x98: {  	s1 =	ssub.s32 @!p0 $0x0, s1;
	[sflag:s0] =	ssyncset.done @!p0 $0x0  }
0x99: {  	[sflag:s0] =	ssyncadd.s32 @!p0 s1  }
0x9a: {  	[bflag:$0x3] =	sbarrier.arrive $0xFFFF  }
0x9b: {  	_ =	shalt  }

// kernel: kernel.9.cloned.1.call-start
scs
__scs_entry_jumppad:
0x0: {  	(pc) =	sbr.rel $0x88, $3  }
0x1: {  	(tag) =	ssettag $0x0;
	lr =	simm.s32 $0x1  }
0x2: {  	[smem:$0x3F96] =	sst lr;
	_ =	strace $0xD0000000  }
0x3: {  	_ = 	snop  }
0x4: {  	_ = 	snop  }
0x5: {  	_ = 	snop  }
0x6: {  	_ = 	snop  }
0x7: {  	_ = 	snop  }
__scs_overlays_trampoline_lowered:
0x8: {  	[smem:$0x3FA5] =	sst s0  }
0x9: {  	[smem:$0x3FA6] =	sst s1  }
0xa: {  	[smem:$0x3FA7] =	sst s2  }
0xb: {  	[smem:$0x3FA8] =	sst s3  }
0xc: {  	[smem:$0x3FA9] =	sst s4  }
0xd: {  	[smem:$0x3FAA] =	sst s5  }
0xe: {  	[smem:$0x3FAB] =	sst s6  }
0xf: {  	[smem:$0x3FAC] =	sst s7  }
0x10: {  	[smem:$0x3FAD] =	sst s8  }
0x11: {  	[smem:$0x3FAE] =	sst s9;
	s0 =	simm.s32 @!p0 $0x0  }
0x12: {  	s1 =	sld [smem:$0x3F94];
	s0 =	simm.s32 @p0 $0x1  }
0x13: {  	[smem:$0x3FAF] =	sst s0;
	s0 =	simm.s32 @!p1 $0x0  }
0x14: {  	s2 =	sld [smem:$0x3F93];
	s0 =	simm.s32 @p1 $0x1  }
0x15: {  	[smem:$0x3FB0] =	sst s0;
	s0 =	simm.s32 @!p2 $0x0  }
0x16: {  	s3 =	sld [smem:$0x3FDB];
	s0 =	simm.s32 @p2 $0x1  }
0x17: {  	s4 =	simm.s32 $0x1BF5;
	[smem:$0x3FB2] =	sst s0  }
0x18: {  	s0 =	sld [smem:$0x3F95];
	_ =	swait.ge [sflag:s4], $0x0  }
0x19: {  	s7 =	sld [smem:$0x3F96]  }
0x1a: {  	s8 =	sadd.s32 $0xFFFFE003, lr  }
0x1b: {  	s9 =	sadd.s32 $0xFFFFFEF7, lr;
	s5 =	simm.s32 $0xFFFFFFFF;
	p2 =	slt.u32 s8, $0xFFFFF086  }
0x1c: {  	p1 =	slt.u32 s9, $0xF7A;
	s5 =	simm.s32 @!p2 $0x0  }
0x1d: {  	s5 =	simm.s32 @p1 $0x1;
	p0 =	seq.s32 s7, s2  }
0x1e: {  	s7 =	smul.u32 @!p0 $0xF7A, s2;
	p2 =	seq.s32 @!p0 s5, $0x0  }
0x1f: {  	s9 =	smul.u32 $0xF7A, s1;
	s8 =	simm.s32 @!p0 $0x1BF5;
	p2 =	por !p2, p0  }
0x20: {  	[sflag:s8] =	ssyncset.s32 @!p0 $0xFFFFF086;
	s6 =	sadd.s32 @!p0 s3, s7;
	s7 =	simm.s32 @!p0 $0x108  }
0x21: {  	s3 =	sadd.s32 s3, s9;
	s6 =	sadd.s32 @!p0 $0x88, s6;
	s7 =	simm.s32 @p2 $0x1082  }
0x22: {  	[simem:s7], [sflag:s8] =	dma.local @!p0 [hbm:s6], $0xF7A  }
0x23: {  	s9 =	sor.u32 $0xD0000000, s2;
	s6 =	simm.s32 $0x108;
	_ =	swait.ge @!p0 [sflag:s8], $0x0  }
0x24: {  	s3 =	sadd.s32 $0x88, s3;
	s6 =	simm.s32 @!p1 $0x1082;
	[sflag:s4] =	ssyncset.s32 $0xFFFFF086  }
0x25: {  	[simem:s6], [sflag:s4] =	dma.local [hbm:s3], $0xF7A  }
0x26: {  	[smem:$0x3F96] =	sst s1;
	(tag) =	ssettag s2;
	_ =	strace s9  }
0x27: {  	s1 =	sld [smem:$0x3FA6]  }
0x28: {  	s2 =	sld [smem:$0x3FA7]  }
0x29: {  	s4 =	sld [smem:$0x3FA9]  }
0x2a: {  	p0 =	seq.s32 s5, $0x0;
	s5 =	sld [smem:$0x3FAA]  }
0x2b: {  	s6 =	sld [smem:$0x3FAB]  }
0x2c: {  	s7 =	sld [smem:$0x3FAC]  }
0x2d: {  	s3 =	simm.s32 $0x108;
	s8 =	sld [smem:$0x3FAD]  }
0x2e: {  	s3 =	simm.s32 @!p0 $0x1082;
	s9 =	sld [smem:$0x3FAE]  }
0x2f: {  	lr =	sadd.s32 s0, s3;
	s0 =	sld [smem:$0x3FA5]  }
0x30: {  	s3 =	sld [smem:$0x3FA8]  }
0x31: {  	[smem:$0x3FB1] =	sst s10  }
0x32: {  	s10 =	sld [smem:$0x3FAF];
	_ =	sdelay $0x3  }
0x33: {  	p0 =	seq.s32 s10, $0x1;
	s10 =	sld [smem:$0x3FB1];
	_ =	sdelay $0x3  }
0x34: {  	[smem:$0x3FB1] =	sst s10  }
0x35: {  	s10 =	sld [smem:$0x3FB0];
	_ =	sdelay $0x3  }
0x36: {  	p1 =	seq.s32 s10, $0x1;
	s10 =	sld [smem:$0x3FB1];
	_ =	sdelay $0x3  }
0x37: {  	[smem:$0x3FB1] =	sst s10  }
0x38: {  	s10 =	sld [smem:$0x3FB2]  }
0x39: {  	_ = 	snop;
	(pc) =	sbr.ind lr, $3  }
0x3a: {  	_ = 	snop  }
0x3b: {  	_ = 	snop  }
0x3c: {  	p2 =	seq.s32 s10, $0x1;
	s10 =	sld [smem:$0x3FB1]  }
0x3d: {  	_ =	shalt  }
0x3e: {  	_ =	shalt  }
0x3f: {  	_ =	shalt  }
0x40: {  	_ =	shalt  }
0x41: {  	_ =	shalt  }
0x42: {  	_ =	shalt  }
0x43: {  	_ =	shalt  }
0x44: {  	_ =	shalt  }
0x45: {  	_ =	shalt  }
0x46: {  	_ =	shalt  }
0x47: {  	_ =	shalt  }
0x48: {  	_ =	shalt  }
0x49: {  	_ =	shalt  }
0x4a: {  	_ =	shalt  }
0x4b: {  	_ =	shalt  }
0x4c: {  	_ =	shalt  }
0x4d: {  	_ =	shalt  }
0x4e: {  	_ =	shalt  }
0x4f: {  	_ =	shalt  }
0x50: {  	_ =	shalt  }
0x51: {  	_ =	shalt  }
0x52: {  	_ =	shalt  }
0x53: {  	_ =	shalt  }
0x54: {  	_ =	shalt  }
0x55: {  	_ =	shalt  }
0x56: {  	_ =	shalt  }
0x57: {  	_ =	shalt  }
0x58: {  	_ =	shalt  }
0x59: {  	_ =	shalt  }
0x5a: {  	_ =	shalt  }
0x5b: {  	_ =	shalt  }
0x5c: {  	_ =	shalt  }
0x5d: {  	_ =	shalt  }
0x5e: {  	_ =	shalt  }
0x5f: {  	_ =	shalt  }
0x60: {  	_ =	shalt  }
0x61: {  	_ =	shalt  }
0x62: {  	_ =	shalt  }
0x63: {  	_ =	shalt  }
0x64: {  	_ =	shalt  }
0x65: {  	_ =	shalt  }
0x66: {  	_ =	shalt  }
0x67: {  	_ =	shalt  }
0x68: {  	_ =	shalt  }
0x69: {  	_ =	shalt  }
0x6a: {  	_ =	shalt  }
0x6b: {  	_ =	shalt  }
0x6c: {  	_ =	shalt  }
0x6d: {  	_ =	shalt  }
0x6e: {  	_ =	shalt  }
0x6f: {  	_ =	shalt  }
0x70: {  	_ =	shalt  }
0x71: {  	_ =	shalt  }
0x72: {  	_ =	shalt  }
0x73: {  	_ =	shalt  }
0x74: {  	_ =	shalt  }
0x75: {  	_ =	shalt  }
0x76: {  	_ =	shalt  }
0x77: {  	_ =	shalt  }
0x78: {  	_ =	shalt  }
0x79: {  	_ =	shalt  }
0x7a: {  	_ =	shalt  }
0x7b: {  	_ =	shalt  }
0x7c: {  	_ =	shalt  }
0x7d: {  	_ =	shalt  }
0x7e: {  	_ =	shalt  }
0x7f: {  	_ =	shalt  }
0x80: {  	_ =	shalt  }
0x81: {  	_ =	shalt  }
0x82: {  	_ =	shalt  }
0x83: {  	_ =	shalt  }
0x84: {  	_ =	shalt  }
0x85: {  	_ =	shalt  }
0x86: {  	_ =	shalt  }
0x87: {  	_ =	shalt  }
.Lfunc_end0:
.L_simem_size_0:
called_computation.1_lowered:
.L_overlay_start_0:
0x88: {  	s2 =	sld [smem:$0x3FD9]  }
0x89: {  	s3 =	sld [smem:$0x3FFE];
	_ =	sdelay $0x1  }
0x8a: {  	s1 =	srdreg.scid  }
0x8b: {  	s0 =	sand.u32 $0x1, s1  }
0x8c: {  	s17 =	sshll.u32 s0, $0xA;
	s2 =	sadd.s32 s3, s2  }
0x8d: {  	s2 =	sadd.s32 s2, s17  }
0x8e: {  	[smem:$0x3FBD] =	sst s2  }
0x8f: {  	_ = 	snop  }
0x90: {  	s2 =	sld [smem:$0x3FC7];
	(tm) =	ssettm $0x1  }
0x91: {  	s18 =	sld [smem:$0x3FFB];
	_ =	sdelay $0x3  }
0x92: {  	_ =	strace s18  }
0x93: {  	s3 =	sld [smem:$0x3FFC];
	_ =	sdelay $0x3  }
0x94: {  	_ =	strace s3  }
0x95: {  	s3 =	sld [smem:$0x3FFD];
	_ =	sdelay $0x3  }
0x96: {  	_ =	strace s3  }
0x97: {  	_ =	strace $0x8FFFFFFF  }
0x98: {  	s19 =	sld [smem:$0x3FDB];
	_ =	sdelay $0x1  }
0x99: {  	s4 =	simm.s32 $_scs_section_size  }
0x9a: {  	s5 =	simm.s32 $_size__tile_overlayer_lowered;
	s6 =	simm.s32 $_tile_overlayer_lowered  }
0x9b: {  	s22 =	simm.s32 $0x1BFF;
	s21 =	sshll.u32 s6, $0x1;
	s3 =	sadd.s32 s4, s19  }
0x9c: {  	s7 =	simm.s32 $0x0;
	s20 =	sshll.u32 s5, $0x1;
	s5 =	sadd.s32 s21, s3  }
0x9d: {  	[timem:s7], [sflag:s22] =	dma.local [hbm:s5], s20  }
0x9e: {  	_ =	swait.ge [sflag:s22], s20  }
0x9f: {  	s4 =	ssub.s32 $0x0, s20;
	[sflag:s22] =	ssyncset.done $0x0  }
0xa0: {  	[sflag:s22] =	ssyncadd.s32 s4;
	_ =	sdelay $0x1  }
0xa1: {  	s23 =	simm.s32 $0x1B8B  }
0xa2: {  	_ =	swait.ge [sflag:s23], $0x1  }
0xa3: {  	[sflag:s23] =	ssyncset.done $0x0  }
0xa4: {  	s25 =	simm.s32 $0x1B8E;
	s24 =	sld [smem:$0x3FFE];
	[sflag:s23] =	ssyncadd.s32 $0xFFFFFFFF  }
0xa5: {  	s26 =	simm.s32 $execute0_lowered;
	[smem:$0x3FD2] =	sst s25  }
0xa6: {  	s5 =	sshll.u32 s26, $0x1;
	_ =	strace $0x80000049;
	[dreg:$0x1] =	wrdreg $0xFFFFFFFF  }
0xa7: {  	s28 =	simm.s32 $_size_execute0_lowered;
	s3 =	sadd.s32 s3, s5;
	[dreg:$0x0] =	wrdreg $0x0  }
0xa8: {  	s5 =	sshll.u32 s28, $0x1;
	[dreg:$0x2] =	wrdreg s3  }
0xa9: {  	[dreg:$0x3] =	wrdreg s5  }
0xaa: {  	[dreg:$0x4] =	wrdreg $0xC0  }
0xab: {  	_ =	task [dreg:s7], $0x5FFFF  }
0xac: {  	[dreg:$0x1] =	wrdreg $0xFFFFFFFF  }
0xad: {  	[dreg:$0x0] =	wrdreg $0x60  }
0xae: {  	[dreg:$0x2] =	wrdreg s24  }
0xaf: {  	[dreg:$0x3] =	wrdreg s2  }
0xb0: {  	[dreg:$0x4] =	wrdreg $0xAB000  }
0xb1: {  	[dreg:$0x5] =	wrdreg $0x9  }
0xb2: {  	_ =	task.clear_ibuf [dreg:s7], $0x6FFFF;
	_ =	strace $0x90000049  }
0xb3: {  	s29 =	simm.s32 $0x9;
	_ =	strace $0x8000004B  }
0xb4: {  	_ =	swait.ge [sflag:s29], $0x1  }
0xb5: {  	[sflag:s29] =	ssyncadd.s32 $0xFFFFFFFF  }
0xb6: {  	_ =	strace $0x9000004B  }
0xb7: {  	_ =	sfence  }
0xb8: {  	s30 =	sld [smem:$0x0];
	_ =	sdelay $0x2  }
0xb9: {  	s31 =	sshll.u32 s1, $0xD;
	s1 =	sshrl.u32 s1, $0x2  }
0xba: {  	s3 =	sand.u32 $0x4000, s31;
	s1 =	sadd.s32 s1, s30  }
0xbb: {  	s0 =	sor.u32 s3, s0;
	s1 =	sshll.u32 s1, $0x11  }
0xbc: {  	s0 =	sor.u32 s1, s0  }
0xbd: {  	s0 =	sadd.s32 $0x8F2B, s0  }
0xbe: {  	[sflag:s0] =	ssyncadd.remote.s32 $0x1  }
0xbf: {  	_ =	sfence.sel $0xFFFF  }
0xc0: {  	[dreg:$0x0] =	wrdreg $0xFFFFFFFF;
	(pc) =	sbr.abs _section_cstart, $3  }
0xc1: {  	[dreg:$0x1] =	wrdreg $0xFFFFFFFF  }
0xc2: {  	_ =	task.clear_ibuf [dreg:s7], $0x2FFFF;
	_ =	strace $0x9FFFFFFF  }
0xc3: {  	(tm) =	ssettm $0x7FFFFFFF  }
tec
execute0_lowered:
.L_overlay_start_1:
0x0: {  	(tag) =	ssettag $0x1  }
0x1: {  	s0 =	rddreg [dreg:$0x0]  }
0x2: {  	s1 =	rddreg [dreg:$0x1]  }
0x3: {  	s2 =	rddreg [dreg:$0x2];
	s3 =	simm.s32 $0x0;
	s4 =	srdreg.scid  }
0x4: {  	s28 =	simm.s32 $0x200;
	s29 =	simm.s32 $0x280;
	s30 =	simm.s32 $0x6  }
0x5: {  	s31 =	simm.s32 $0x5300;
	[smem:$0x7FF] =	sst s3;
	s9 =	sand.u32 $0x1, s4  }
0x6: {  	s5 =	sadd.s32 $0x1A00, s0;
	s6 =	sadd.s32 $0xC600, s0;
	s10 =	smul.u32 $0x138800, s9  }
0x7: {  	s4 =	stileid.u32;
	s7 =	sadd.s32 $0x16400, s0;
	s11 =	smul.u32 $0x27100, s9  }
0x8: {  	s8 =	sadd.s32 $0xB800, s0;
	s13 =	smul.u32 $0x2710, s4;
	s9 =	ssub.s32 $0x2, s9  }
0x9: {  	_ =	strace $0x8000004A;
	s12 =	sshll.u32 s4, $0xB;
	s14 =	sshrl.u32 s9, $0x1  }
0xa: {  	s10 =	sadd.s32 s12, s10;
	s11 =	sadd.s32 s13, s11;
	s9 =	ssub.s32 s9, s14  }
0xb: {  	s13 =	simm.s32 $0x5;
	s14 =	simm.s32 $0x0;
	s10 =	sshrl.u32 s10, $0x3  }
0xc: {  	s20 =	sshrl.u32 s11, $0x3;
	s15 =	sadd.s32 $0xA0, s11;
	s16 =	sadd.s32 $0xF0, s11  }
0xd: {  	s9 =	smax.u32 s9, $0x1;
	s11 =	simm.s32 $0x3;
	s0 =	sadd.s32 s10, s0  }
0xe: {  	s21 =	sadd.s32 s5, s20;
	s22 =	sadd.s32 s6, s20;
	[dreg:$0xa] =	wrdreg s9  }
0xf: {  	s23 =	sadd.s32 $0xA, s20;
	s10 =	sadd.s32 s1, s20;
	[dreg:$0x4] =	wrdreg s21  }
0x10: {  	s20 =	simm.s32 $0x7;
	s9 =	simm.s32 $0x1;
	[dreg:$0x5] =	wrdreg s22  }
0x11: {  	[dreg:$0x6] =	wrdreg s10;
	s24 =	sadd.s32 s5, s23;
	s25 =	sadd.s32 s6, s23  }
0x12: {  	s26 =	sadd.s32 s1, s23;
	s0 =	sadd.s32 $0xB2800, s0;
	[dreg:$0x7] =	wrdreg s24  }
0x13: {  	s21 =	simm.s32 $0x80;
	s22 =	simm.s32 $0x100;
	[dreg:$0x8] =	wrdreg s25  }
0x14: {  	s23 =	simm.s32 $0x50;
	s10 =	simm.s32 $0x2;
	[dreg:$0x9] =	wrdreg s26  }
0x15: {  	s25 =	sadd.s32 s12, s2;
	[dreg:$0xc] =	wrdreg s0;
	s24 =	simm.s32 $0x300  }
0x16: {  	v0 =	vimm.f32 $0.0e+00;
	s26 =	simm.s32 $0x180;
	s12 =	simm.s32 $0x4;
	[dreg:$0xb] =	wrdreg s25  }
.LBB2_1:
0x17: {  	[dreg:$0xd] =	wrdreg s14;
	s14 =	simm.s32 $0x0;
	s17 =	simm.s32 $0x200  }
.LBB2_2:
0x18: {  	p0 =	sne.s32 s17, $0x1E00;
	[tilespmem:s14+$0xA370] =	vst v0  }
0x19: {  	[tilespmem:s14+$0xA300] =	vst v0  }
0x1a: {  	[tilespmem:s14+$0xA310] =	vst v0  }
.Ltmp0:
0x1b: {  	[tilespmem:s14+$0xA320] =	vst v0;
	(pc) =	sbr.rel @p0 .LBB2_2-.Ltmp0, $4  }
0x1c: {  	[tilespmem:s14+$0xA330] =	vst v0  }
0x1d: {  	[tilespmem:s14+$0xA340] =	vst v0  }
0x1e: {  	[tilespmem:s14+$0xA350] =	vst v0  }
0x1f: {  	[tilespmem:s14+$0xA360] =	vst v0;
	s14 =	sshra.s32 s17, $0x2;
	s17 =	sadd.s32 $0x200, s17  }
0x20: {  	[tilespmem:s14+$0xA370] =	vst v0  }
0x21: {  	[tilespmem:s14+$0xA300] =	vst v0  }
0x22: {  	[tilespmem:s14+$0xA310] =	vst v0  }
0x23: {  	[tilespmem:s14+$0xA320] =	vst v0  }
0x24: {  	[tilespmem:s14+$0xA330] =	vst v0  }
0x25: {  	[tilespmem:s14+$0xA340] =	vst v0;
	s17 =	sadd.s32 $0x0, s4  }
0x26: {  	[tilespmem:s14+$0xA350] =	vst v0;
	p0 =	sgt.u32 s17, $0x270  }
0x27: {  	[tilespmem:s14+$0xA360] =	vst v0;
	s14 =	simm.s32 @!p0 $0xA300;
	s19 =	simm.s32 @!p0 $0x7  }
0x28: {  	[spmem:s25] =	stream.linear.scatter @!p0 [tilespmem:s14], [sflag:$0x7], $0x800, $0x38;
	[tilespmem:$0x1E380] =	vst v63  }
0x29: {  	s18 =	simm.s32 $0x20;
	_ =	swait.ge @!p0 [sflag:s19], $0x800  }
0x2a: {  	s17 =	simm.s32 $0x10;
	s14 =	sadd.s32 $0x8000, s25;
	[sflag:s19] =	ssyncset.done @!p0 $0x0  }
.LBB2_4:
0x2b: {  	s0 =	sadd.s32 s17, s4;
	s17 =	smov.u32 s18;
	s18 =	sadd.s32 $0x10, s18  }
0x2c: {  	[sflag:s19] =	ssyncadd.s32 @!p0 $0xFFFFF800;
	p1 =	sne.s32 s18, $0x280  }
.Ltmp1:
0x2d: {  	p0 =	sgt.u32 s0, $0x270;
	(pc) =	sbr.rel @p1 .LBB2_4-.Ltmp1, $4  }
0x2e: {  	s0 =	simm.s32 @!p0 $0xA300;
	s19 =	simm.s32 @!p0 $0x7  }
0x2f: {  	[spmem:s14] =	stream.linear.scatter @!p0 [tilespmem:s0], [sflag:$0x7], $0x800, $0x38;
	[tilespmem:$0x1E380] =	vst v63  }
0x30: {  	_ =	swait.ge @!p0 [sflag:s19], $0x800  }
0x31: {  	s14 =	sadd.s32 $0x8000, s14;
	[sflag:s19] =	ssyncset.done @!p0 $0x0  }
0x32: {  	s0 =	sadd.s32 s17, s4  }
0x33: {  	p1 =	sgt.u32 s0, $0x270  }
0x34: {  	[sflag:s19] =	ssyncadd.s32 @!p0 $0xFFFFF800;
	s0 =	simm.s32 @!p1 $0xA300;
	s17 =	simm.s32 @!p1 $0x7  }
0x35: {  	[spmem:s14] =	stream.linear.scatter @!p1 [tilespmem:s0], [sflag:$0x7], $0x800, $0x38;
	[tilespmem:$0x1E380] =	vst v63  }
0x36: {  	_ =	swait.ge @!p1 [sflag:s17], $0x800  }
0x37: {  	[sflag:s17] =	ssyncset.done @!p1 $0x0  }
0x38: {  	[sflag:s17] =	ssyncadd.s32 @!p1 $0xFFFFF800  }
0x39: {  	[bflag:$0x0] =	sbarrier.arrive $0xFFFF  }
0x3a: {  	s17 =	simm.s32 $0x0;
	s19 =	rddreg [dreg:$0x4]  }
0x3b: {  	[tilespmem:s17], [sflag:$0x7] =	stream.linear.gather [hbm4b:s19+s17], $0x50, $0x38;
	[tilespmem:$0x1E380] =	vst v63  }
0x3c: {  	_ =	swait.ge [sflag:s20], $0x50  }
0x3d: {  	[sflag:s20] =	ssyncset.done $0x0  }
0x3e: {  	s14 =	rddreg [dreg:$0x5];
	[sflag:s20] =	ssyncadd.s32 $0xFFFFFFB0  }
0x3f: {  	[tilespmem:s21], [sflag:$0x7] =	stream.linear.gather [hbm4b:s14+s17], $0x50, $0x38;
	[tilespmem:$0x1E380] =	vst v63  }
0x40: {  	_ =	swait.ge [sflag:s20], $0x50  }
0x41: {  	[sflag:s20] =	ssyncset.done $0x0  }
0x42: {  	s18 =	rddreg [dreg:$0x6];
	[sflag:s20] =	ssyncadd.s32 $0xFFFFFFB0  }
0x43: {  	[tilespmem:s22], [sflag:$0x7] =	stream.linear.gather [hbm4b:s18+s17], $0x50, $0x38;
	[tilespmem:$0x1E380] =	vst v63  }
0x44: {  	_ =	swait.ge [sflag:s20], $0x50  }
0x45: {  	[sflag:s20] =	ssyncset.done $0x0  }
0x46: {  	[sflag:s20] =	ssyncadd.s32 $0xFFFFFFB0  }
0x47: {  	[tilespmem:s24], [sflag:$0x1] =	stream.indirect.gather [hbm4b:s7+s23], $0x80, s21, s23, $0xb8;
	[tilespmem:$0x1E380] =	vst v63  }
0x48: {  	s19 =	simm.s32 $0x2B00  }
0x49: {  	[tilespmem:s19], [sflag:$0x2] =	stream.indirect.gather [hbm4b:s8+s23], $0x80, s22, s23, $0xb8;
	[tilespmem:$0x1E380] =	vst v63  }
0x4a: {  	s14 =	rddreg [dreg:$0x7]  }
0x4b: {  	[tilespmem:s26], [sflag:$0x6] =	stream.linear.gather [hbm4b:s14+s17], $0x50, $0x38;
	[tilespmem:$0x1E380] =	vst v63  }
0x4c: {  	s18 =	rddreg [dreg:$0x8]  }
0x4d: {  	[tilespmem:s28], [sflag:$0x6] =	stream.linear.gather [hbm4b:s18+s17], $0x50, $0x38;
	[tilespmem:$0x1E380] =	vst v63  }
0x4e: {  	s19 =	rddreg [dreg:$0x9]  }
0x4f: {  	[tilespmem:s29], [sflag:$0x6] =	stream.linear.gather [hbm4b:s19+s17], $0x50, $0x38;
	[tilespmem:$0x1E380] =	vst v63  }
.LBB2_6:
0x50: {  	_ =	swait.ge [sflag:s30], $0x50  }
0x51: {  	[sflag:s30] =	ssyncset.done $0x0  }
0x52: {  	[sflag:s30] =	ssyncadd.s32 $0xFFFFFFB0  }
0x53: {  	_ =	swait.ge [sflag:s30], $0x50  }
0x54: {  	[sflag:s30] =	ssyncset.done $0x0  }
0x55: {  	[sflag:s30] =	ssyncadd.s32 $0xFFFFFFB0  }
0x56: {  	_ =	swait.ge [sflag:s30], $0x50  }
0x57: {  	[sflag:s30] =	ssyncset.done $0x0  }
0x58: {  	[sflag:s30] =	ssyncadd.s32 $0xFFFFFFB0  }
0x59: {  	[tilespmem:s31], [sflag:$0x3] =	stream.indirect.gather [hbm4b:s7+s23], $0x80, s28, s23, $0xb8;
	[tilespmem:$0x1E380] =	vst v63  }
0x5a: {  	s0 =	simm.s32 $0x7B00  }
0x5b: {  	[tilespmem:s0], [sflag:$0x4] =	stream.indirect.gather [hbm4b:s8+s23], $0x80, s29, s23, $0xb8;
	[tilespmem:$0x1E380] =	vst v63  }
0x5c: {  	_ =	swait.ge [sflag:s9], $0x2800  }
0x5d: {  	[sflag:s9] =	ssyncset.done $0x0  }
0x5e: {  	[sflag:s9] =	ssyncadd.s32 $0xFFFFD800  }
0x5f: {  	_ =	swait.ge [sflag:s10], $0x2800  }
0x60: {  	[sflag:s10] =	ssyncset.done $0x0  }
0x61: {  	s19 =	simm.s32 $0x0;
	[sflag:s10] =	ssyncadd.s32 $0xFFFFD800  }
0x62: {  	v8 =	vld [tilespmem:s19+$0x2B00]  }
0x63: {  	v12 =	vld [tilespmem:s19+$0x2B10]  }
0x64: {  	v6 =	vld [tilespmem:s19+$0x2B20]  }
0x65: {  	v5 =	vld [tilespmem:s19+$0x2B30]  }
0x66: {  	v4 =	vld [tilespmem:s19+$0x2B40]  }
0x67: {  	v3 =	vld [tilespmem:s19+$0x2B50]  }
0x68: {  	v2 =	vld [tilespmem:s19+$0x2B60]  }
0x69: {  	v1 =	vld [tilespmem:s19+$0x2B70]  }
0x6a: {  	v13 =	vld [tilespmem:s19+$0x300]  }
0x6b: {  	v14 =	vld [tilespmem:s19+$0x310]  }
0x6c: {  	v11 =	vld [tilespmem:s19+$0x320]  }
0x6d: {  	v10 =	vld [tilespmem:s19+$0x330]  }
0x6e: {  	v9 =	vld [tilespmem:s19+$0x340]  }
0x6f: {  	v7 =	vld [tilespmem:s19+$0x350];
	v13 =	vmul.f32 v8, v13  }
0x70: {  	s18 =	simm.s32 $0x200;
	v12 =	vmul.f32 v12, v14;
	v8 =	vld [tilespmem:s19+$0x360]  }
.LBB2_7:
0x71: {  	s0 =	sshra.s32 s18, $0x2;
	p0 =	sne.s32 s18, $0x9E00;
	[tilespmem:s19+$0x300] =	vst v13;
	v6 =	vmul.f32 v6, v11;
	v11 =	vld [tilespmem:s19+$0x370]  }
0x72: {  	v13 =	vld [tilespmem:s0+$0x2B00];
	[tilespmem:s19+$0x310] =	vst v12;
	v5 =	vmul.f32 v5, v10  }
0x73: {  	v12 =	vld [tilespmem:s0+$0x2B10];
	[tilespmem:s19+$0x320] =	vst v6;
	v4 =	vmul.f32 v4, v9  }
0x74: {  	v6 =	vld [tilespmem:s0+$0x2B20];
	[tilespmem:s19+$0x330] =	vst v5;
	v3 =	vmul.f32 v3, v7  }
0x75: {  	v5 =	vld [tilespmem:s0+$0x2B30];
	[tilespmem:s19+$0x340] =	vst v4;
	v2 =	vmul.f32 v2, v8  }
0x76: {  	v4 =	vld [tilespmem:s0+$0x2B40];
	[tilespmem:s19+$0x350] =	vst v3;
	v1 =	vmul.f32 v1, v11  }
0x77: {  	v3 =	vld [tilespmem:s0+$0x2B50];
	[tilespmem:s19+$0x360] =	vst v2  }
0x78: {  	v2 =	vld [tilespmem:s0+$0x2B60];
	[tilespmem:s19+$0x370] =	vst v1;
	s19 =	smov.u32 s0  }
0x79: {  	v1 =	vld [tilespmem:s19+$0x2B70]  }
0x7a: {  	v7 =	vld [tilespmem:s19+$0x300]  }
0x7b: {  	v8 =	vld [tilespmem:s19+$0x310]  }
.Ltmp2:
0x7c: {  	v11 =	vld [tilespmem:s19+$0x320];
	(pc) =	sbr.rel @p0 .LBB2_7-.Ltmp2, $4  }
0x7d: {  	v10 =	vld [tilespmem:s19+$0x330]  }
0x7e: {  	v9 =	vld [tilespmem:s19+$0x340]  }
0x7f: {  	v13 =	vmul.f32 v13, v7;
	v7 =	vld [tilespmem:s19+$0x350]  }
0x80: {  	s18 =	sadd.s32 $0x200, s18;
	v12 =	vmul.f32 v12, v8;
	v8 =	vld [tilespmem:s19+$0x360]  }
0x81: {  	[tilespmem:s19+$0x300] =	vst v13;
	v6 =	vmul.f32 v6, v11;
	v11 =	vld [tilespmem:s19+$0x370]  }
0x82: {  	[tilespmem:s19+$0x310] =	vst v12;
	v5 =	vmul.f32 v5, v10  }
0x83: {  	[tilespmem:s19+$0x320] =	vst v6;
	v4 =	vmul.f32 v4, v9  }
0x84: {  	[tilespmem:s19+$0x330] =	vst v5;
	v3 =	vmul.f32 v3, v7  }
0x85: {  	[tilespmem:s19+$0x340] =	vst v4;
	v2 =	vmul.f32 v2, v8  }
0x86: {  	[tilespmem:s19+$0x350] =	vst v3;
	v1 =	vmul.f32 v1, v11  }
0x87: {  	[tilespmem:s19+$0x360] =	vst v2  }
0x88: {  	s0 =	simm.s32 $0x0;
	[tilespmem:s19+$0x370] =	vst v1;
	s19 =	smul.u32 $0xA0, s17  }
0x89: {  	[spmem:s2] =	stream.indirect.scatter.add.f32 [tilespmem:s24], [sflag:$0x7], $0x80, s0, s23, $0xb8;
	[tilespmem:$0x1E380] =	vst v63  }
0x8a: {  	_ =	swait.ge [sflag:s20], $0x2800;
	s14 =	sadd.s32 s19, s15  }
0x8b: {  	[sflag:s20] =	ssyncset.done $0x0;
	s14 =	sshrl.u32 s14, $0x3  }
0x8c: {  	[sflag:s20] =	ssyncadd.s32 $0xFFFFD800;
	s18 =	sadd.s32 s5, s14  }
0x8d: {  	[tilespmem:s0], [sflag:$0x5] =	stream.linear.gather [hbm4b:s18+s0], $0x50, $0x38;
	[tilespmem:$0x1E380] =	vst v63  }
0x8e: {  	s18 =	sadd.s32 s6, s14  }
0x8f: {  	[tilespmem:s21], [sflag:$0x5] =	stream.linear.gather [hbm4b:s18+s0], $0x50, $0x38;
	[tilespmem:$0x1E380] =	vst v63  }
0x90: {  	s14 =	sadd.s32 s1, s14  }
0x91: {  	[tilespmem:s22], [sflag:$0x5] =	stream.linear.gather [hbm4b:s14+s0], $0x50, $0x38;
	[tilespmem:$0x1E380] =	vst v63  }
0x92: {  	_ =	swait.ge [sflag:s11], $0x2800  }
0x93: {  	[sflag:s11] =	ssyncset.done $0x0  }
0x94: {  	[sflag:s11] =	ssyncadd.s32 $0xFFFFD800  }
0x95: {  	_ =	swait.ge [sflag:s12], $0x2800  }
0x96: {  	[sflag:s12] =	ssyncset.done $0x0  }
0x97: {  	s18 =	simm.s32 $0x0;
	[sflag:s12] =	ssyncadd.s32 $0xFFFFD800  }
0x98: {  	v8 =	vld [tilespmem:s18+$0x7B00]  }
0x99: {  	v12 =	vld [tilespmem:s18+$0x7B10]  }
0x9a: {  	v6 =	vld [tilespmem:s18+$0x7B20]  }
0x9b: {  	v5 =	vld [tilespmem:s18+$0x7B30]  }
0x9c: {  	v4 =	vld [tilespmem:s18+$0x7B40]  }
0x9d: {  	v3 =	vld [tilespmem:s18+$0x7B50]  }
0x9e: {  	v2 =	vld [tilespmem:s18+$0x7B60]  }
0x9f: {  	v1 =	vld [tilespmem:s18+$0x7B70]  }
0xa0: {  	v13 =	vld [tilespmem:s18+$0x5300]  }
0xa1: {  	v14 =	vld [tilespmem:s18+$0x5310]  }
0xa2: {  	v11 =	vld [tilespmem:s18+$0x5320]  }
0xa3: {  	v10 =	vld [tilespmem:s18+$0x5330]  }
0xa4: {  	v9 =	vld [tilespmem:s18+$0x5340]  }
0xa5: {  	v7 =	vld [tilespmem:s18+$0x5350];
	v13 =	vmul.f32 v8, v13  }
0xa6: {  	s14 =	simm.s32 $0x200;
	v12 =	vmul.f32 v12, v14;
	v8 =	vld [tilespmem:s18+$0x5360]  }
.LBB2_9:
0xa7: {  	s0 =	sshra.s32 s14, $0x2;
	p0 =	sne.s32 s14, $0x9E00;
	[tilespmem:s18+$0x5300] =	vst v13;
	v6 =	vmul.f32 v6, v11;
	v11 =	vld [tilespmem:s18+$0x5370]  }
0xa8: {  	v13 =	vld [tilespmem:s0+$0x7B00];
	[tilespmem:s18+$0x5310] =	vst v12;
	v5 =	vmul.f32 v5, v10  }
0xa9: {  	v12 =	vld [tilespmem:s0+$0x7B10];
	[tilespmem:s18+$0x5320] =	vst v6;
	v4 =	vmul.f32 v4, v9  }
0xaa: {  	v6 =	vld [tilespmem:s0+$0x7B20];
	[tilespmem:s18+$0x5330] =	vst v5;
	v3 =	vmul.f32 v3, v7  }
0xab: {  	v5 =	vld [tilespmem:s0+$0x7B30];
	[tilespmem:s18+$0x5340] =	vst v4;
	v2 =	vmul.f32 v2, v8  }
0xac: {  	v4 =	vld [tilespmem:s0+$0x7B40];
	[tilespmem:s18+$0x5350] =	vst v3;
	v1 =	vmul.f32 v1, v11  }
0xad: {  	v3 =	vld [tilespmem:s0+$0x7B50];
	[tilespmem:s18+$0x5360] =	vst v2  }
0xae: {  	v2 =	vld [tilespmem:s0+$0x7B60];
	[tilespmem:s18+$0x5370] =	vst v1;
	s18 =	smov.u32 s0  }
0xaf: {  	v1 =	vld [tilespmem:s18+$0x7B70]  }
0xb0: {  	v7 =	vld [tilespmem:s18+$0x5300]  }
0xb1: {  	v8 =	vld [tilespmem:s18+$0x5310]  }
.Ltmp3:
0xb2: {  	v11 =	vld [tilespmem:s18+$0x5320];
	(pc) =	sbr.rel @p0 .LBB2_9-.Ltmp3, $4  }
0xb3: {  	v10 =	vld [tilespmem:s18+$0x5330]  }
0xb4: {  	v9 =	vld [tilespmem:s18+$0x5340]  }
0xb5: {  	v13 =	vmul.f32 v13, v7;
	v7 =	vld [tilespmem:s18+$0x5350]  }
0xb6: {  	s14 =	sadd.s32 $0x200, s14;
	v12 =	vmul.f32 v12, v8;
	v8 =	vld [tilespmem:s18+$0x5360]  }
0xb7: {  	[tilespmem:s18+$0x5300] =	vst v13;
	v6 =	vmul.f32 v6, v11;
	v63 =	vld [tilespmem:s18+$0x5370]  }
0xb8: {  	[tilespmem:s18+$0x5310] =	vst v12;
	v5 =	vmul.f32 v5, v10  }
0xb9: {  	[tilespmem:s18+$0x5320] =	vst v6;
	v4 =	vmul.f32 v4, v9  }
0xba: {  	[tilespmem:s18+$0x5330] =	vst v5;
	v3 =	vmul.f32 v3, v7  }
0xbb: {  	[tilespmem:s18+$0x5340] =	vst v4;
	v2 =	vmul.f32 v2, v8  }
0xbc: {  	[tilespmem:s18+$0x5350] =	vst v3;
	v1 =	vmul.f32 v1, v63  }
0xbd: {  	[tilespmem:s18+$0x5360] =	vst v2  }
0xbe: {  	[tilespmem:s18+$0x5370] =	vst v1  }
0xbf: {  	[spmem:s2] =	stream.indirect.scatter.add.f32 [tilespmem:s31], [sflag:$0x7], $0x80, s26, s23, $0xb8;
	[tilespmem:$0x1E380] =	vst v63  }
0xc0: {  	_ =	swait.ge [sflag:s20], $0x2800  }
0xc1: {  	[sflag:s20] =	ssyncset.done $0x0  }
0xc2: {  	[sflag:s20] =	ssyncadd.s32 $0xFFFFD800  }
0xc3: {  	_ =	swait.ge [sflag:s13], $0x50  }
0xc4: {  	[sflag:s13] =	ssyncset.done $0x0  }
0xc5: {  	[sflag:s13] =	ssyncadd.s32 $0xFFFFFFB0  }
0xc6: {  	_ =	swait.ge [sflag:s13], $0x50  }
0xc7: {  	[sflag:s13] =	ssyncset.done $0x0  }
0xc8: {  	[sflag:s13] =	ssyncadd.s32 $0xFFFFFFB0  }
0xc9: {  	p0 =	seq.s32 s17, $0x3D;
	_ =	swait.ge [sflag:s13], $0x50  }
.Ltmp4:
0xca: {  	[sflag:s13] =	ssyncset.done $0x0;
	(pc) =	sbr.rel @p0 .LBB2_12-.Ltmp4, $4  }
0xcb: {  	[sflag:s13] =	ssyncadd.s32 $0xFFFFFFB0  }
0xcc: {  	[tilespmem:s24], [sflag:$0x1] =	stream.indirect.gather [hbm4b:s7+s23], $0x80, s21, s23, $0xb8;
	[tilespmem:$0x1E380] =	vst v63  }
0xcd: {  	s0 =	simm.s32 $0x2B00  }
0xce: {  	[tilespmem:s0], [sflag:$0x2] =	stream.indirect.gather [hbm4b:s8+s23], $0x80, s22, s23, $0xb8;
	[tilespmem:$0x1E380] =	vst v63  }
0xcf: {  	s0 =	sadd.s32 s19, s16  }
0xd0: {  	s0 =	sshrl.u32 s0, $0x3  }
0xd1: {  	s14 =	sadd.s32 s5, s0  }
0xd2: {  	[tilespmem:s26], [sflag:$0x6] =	stream.linear.gather [hbm4b:s14+s3], $0x50, $0x38;
	[tilespmem:$0x1E380] =	vst v63  }
.Ltmp5:
0xd3: {  	_ = 	snop;
	(pc) =	sbr.rel .LBB2_6-.Ltmp5, $4  }
0xd4: {  	s19 =	sadd.s32 s6, s0  }
0xd5: {  	[tilespmem:s28], [sflag:$0x6] =	stream.linear.gather [hbm4b:s19+s3], $0x50, $0x38;
	[tilespmem:$0x1E380] =	vst v63  }
0xd6: {  	s17 =	sadd.s32 $0x1, s17;
	s0 =	sadd.s32 s1, s0  }
0xd7: {  	[tilespmem:s29], [sflag:$0x6] =	stream.linear.gather [hbm4b:s0+s3], $0x50, $0x38;
	[tilespmem:$0x1E380] =	vst v63  }
.LBB2_12:
0xd8: {  	_ =	swait.ge [sflag:s9], $0x2800  }
0xd9: {  	[sflag:s9] =	ssyncset.done $0x0  }
0xda: {  	[sflag:s9] =	ssyncadd.s32 $0xFFFFD800  }
0xdb: {  	_ =	swait.ge [sflag:s10], $0x2800  }
0xdc: {  	[sflag:s10] =	ssyncset.done $0x0  }
0xdd: {  	s17 =	simm.s32 $0x0;
	[sflag:s10] =	ssyncadd.s32 $0xFFFFD800  }
0xde: {  	v8 =	vld [tilespmem:s17+$0x2B00]  }
0xdf: {  	v12 =	vld [tilespmem:s17+$0x2B10]  }
0xe0: {  	v6 =	vld [tilespmem:s17+$0x2B20]  }
0xe1: {  	v5 =	vld [tilespmem:s17+$0x2B30]  }
0xe2: {  	v4 =	vld [tilespmem:s17+$0x2B40]  }
0xe3: {  	v3 =	vld [tilespmem:s17+$0x2B50]  }
0xe4: {  	v2 =	vld [tilespmem:s17+$0x2B60]  }
0xe5: {  	v1 =	vld [tilespmem:s17+$0x2B70]  }
0xe6: {  	v13 =	vld [tilespmem:s17+$0x300]  }
0xe7: {  	v14 =	vld [tilespmem:s17+$0x310]  }
0xe8: {  	v11 =	vld [tilespmem:s17+$0x320]  }
0xe9: {  	v10 =	vld [tilespmem:s17+$0x330]  }
0xea: {  	v9 =	vld [tilespmem:s17+$0x340]  }
0xeb: {  	v7 =	vld [tilespmem:s17+$0x350];
	v13 =	vmul.f32 v8, v13  }
0xec: {  	s14 =	simm.s32 $0x200;
	v12 =	vmul.f32 v12, v14;
	v8 =	vld [tilespmem:s17+$0x360]  }
.LBB2_13:
0xed: {  	s0 =	sshra.s32 s14, $0x2;
	p0 =	sne.s32 s14, $0x9E00;
	[tilespmem:s17+$0x300] =	vst v13;
	v6 =	vmul.f32 v6, v11;
	v11 =	vld [tilespmem:s17+$0x370]  }
0xee: {  	v13 =	vld [tilespmem:s0+$0x2B00];
	[tilespmem:s17+$0x310] =	vst v12;
	v5 =	vmul.f32 v5, v10  }
0xef: {  	v12 =	vld [tilespmem:s0+$0x2B10];
	[tilespmem:s17+$0x320] =	vst v6;
	v4 =	vmul.f32 v4, v9  }
0xf0: {  	v6 =	vld [tilespmem:s0+$0x2B20];
	[tilespmem:s17+$0x330] =	vst v5;
	v3 =	vmul.f32 v3, v7  }
0xf1: {  	v5 =	vld [tilespmem:s0+$0x2B30];
	[tilespmem:s17+$0x340] =	vst v4;
	v2 =	vmul.f32 v2, v8  }
0xf2: {  	v4 =	vld [tilespmem:s0+$0x2B40];
	[tilespmem:s17+$0x350] =	vst v3;
	v1 =	vmul.f32 v1, v11  }
0xf3: {  	v3 =	vld [tilespmem:s0+$0x2B50];
	[tilespmem:s17+$0x360] =	vst v2  }
0xf4: {  	v2 =	vld [tilespmem:s0+$0x2B60];
	[tilespmem:s17+$0x370] =	vst v1;
	s17 =	smov.u32 s0  }
0xf5: {  	v1 =	vld [tilespmem:s17+$0x2B70]  }
0xf6: {  	v7 =	vld [tilespmem:s17+$0x300]  }
0xf7: {  	v8 =	vld [tilespmem:s17+$0x310]  }
.Ltmp6:
0xf8: {  	v11 =	vld [tilespmem:s17+$0x320];
	(pc) =	sbr.rel @p0 .LBB2_13-.Ltmp6, $4  }
0xf9: {  	v10 =	vld [tilespmem:s17+$0x330]  }
0xfa: {  	v9 =	vld [tilespmem:s17+$0x340]  }
0xfb: {  	v13 =	vmul.f32 v13, v7;
	v7 =	vld [tilespmem:s17+$0x350]  }
0xfc: {  	s14 =	sadd.s32 $0x200, s14;
	v12 =	vmul.f32 v12, v8;
	v8 =	vld [tilespmem:s17+$0x360]  }
0xfd: {  	[tilespmem:s17+$0x300] =	vst v13;
	v6 =	vmul.f32 v6, v11;
	v63 =	vld [tilespmem:s17+$0x370]  }
0xfe: {  	[tilespmem:s17+$0x310] =	vst v12;
	v5 =	vmul.f32 v5, v10  }
0xff: {  	[tilespmem:s17+$0x320] =	vst v6;
	v4 =	vmul.f32 v4, v9  }
0x100: {  	[tilespmem:s17+$0x330] =	vst v5;
	v3 =	vmul.f32 v3, v7  }
0x101: {  	[tilespmem:s17+$0x340] =	vst v4;
	v2 =	vmul.f32 v2, v8  }
0x102: {  	[tilespmem:s17+$0x350] =	vst v3;
	v1 =	vmul.f32 v1, v63  }
0x103: {  	[tilespmem:s17+$0x360] =	vst v2  }
0x104: {  	s0 =	simm.s32 $0x0;
	[tilespmem:s17+$0x370] =	vst v1  }
0x105: {  	[spmem:s2] =	stream.indirect.scatter.add.f32 [tilespmem:s24], [sflag:$0x7], $0x80, s0, s23, $0xb8;
	[tilespmem:$0x1E380] =	vst v63  }
0x106: {  	s17 =	sadd.s32 $0x0, s4;
	_ =	swait.ge [sflag:s20], $0x2800  }
0x107: {  	p0 =	sgt.u32 s17, $0x270;
	[sflag:s20] =	ssyncset.done $0x0  }
0x108: {  	s0 =	simm.s32 @!p0 $0xA300;
	[sflag:s20] =	ssyncadd.s32 $0xFFFFD800  }
0x109: {  	s14 =	simm.s32 @!p0 $0x8;
	p0 =	por p0, p0;
	[bflag:$0x0] =	sbarrier.arrive $0xFFFF  }
0x10a: {  	[tilespmem:s0], [sflag:$0x8] =	stream.linear.gather @!p0 [spmem:s25], $0x800, $0x38;
	[tilespmem:$0x1E380] =	vst v63  }
0x10b: {  	_ =	swait.ge @!p0 [sflag:s14], $0x800  }
0x10c: {  	s18 =	sadd.s32 $0x10, s4;
	s19 =	simm.s32 @!p0 $0x7;
	[sflag:s14] =	ssyncset.done @!p0 $0x0  }
0x10d: {  	s1 =	rddreg [dreg:$0xc];
	[sflag:s14] =	ssyncadd.s32 @!p0 $0xFFFFF800;
	s14 =	simm.s32 @!p0 $0x0  }
0x10e: {  	[hbm4b:s1+s14] =	stream.linear.scatter @!p0 [tilespmem:s0], [sflag:$0x7], $0x800, $0x38;
	[tilespmem:$0x1E380] =	vst v63  }
0x10f: {  	p1 =	sgt.u32 s18, $0x270;
	s18 =	sadd.s32 $0x8000, s25;
	_ =	swait.ge @!p0 [sflag:s19], $0x800  }
0x110: {  	s17 =	simm.s32 $0x20;
	s14 =	sadd.s32 $0x1000, s1;
	[sflag:s19] =	ssyncset.done @!p0 $0x0  }
.LBB2_15:
0x111: {  	s0 =	simm.s32 @!p1 $0xA300;
	s25 =	simm.s32 @!p1 $0x8;
	[sflag:s19] =	ssyncadd.s32 @!p0 $0xFFFFF800  }
0x112: {  	s1 =	smov.u32 s17;
	p0 =	por p1, p1;
	s17 =	sadd.s32 $0x10, s17  }
0x113: {  	[tilespmem:s0], [sflag:$0x8] =	stream.linear.gather @!p0 [spmem:s18], $0x800, $0x38;
	[tilespmem:$0x1E380] =	vst v63  }
0x114: {  	p2 =	sne.s32 s17, $0x280;
	_ =	swait.ge @!p0 [sflag:s25], $0x800  }
.Ltmp7:
0x115: {  	[sflag:s25] =	ssyncset.done @!p0 $0x0;
	(pc) =	sbr.rel @p2 .LBB2_15-.Ltmp7, $4  }
0x116: {  	s19 =	simm.s32 @!p0 $0x7;
	[sflag:s25] =	ssyncadd.s32 @!p0 $0xFFFFF800;
	s25 =	simm.s32 @!p0 $0x0  }
0x117: {  	[hbm4b:s14+s25] =	stream.linear.scatter @!p0 [tilespmem:s0], [sflag:$0x7], $0x800, $0x38;
	[tilespmem:$0x1E380] =	vst v63  }
0x118: {  	s0 =	sadd.s32 s1, s4;
	s14 =	sadd.s32 $0x1000, s14;
	_ =	swait.ge @!p0 [sflag:s19], $0x800  }
0x119: {  	s18 =	sadd.s32 $0x8000, s18;
	p1 =	sgt.u32 s0, $0x270;
	[sflag:s19] =	ssyncset.done @!p0 $0x0  }
0x11a: {  	s0 =	simm.s32 @!p1 $0xA300  }
0x11b: {  	s1 =	simm.s32 @!p1 $0x8;
	[sflag:s19] =	ssyncadd.s32 @!p0 $0xFFFFF800;
	p0 =	por p1, p1  }
0x11c: {  	[tilespmem:s0], [sflag:$0x8] =	stream.linear.gather @!p0 [spmem:s18], $0x800, $0x38;
	[tilespmem:$0x1E380] =	vst v63  }
0x11d: {  	_ =	swait.ge @!p0 [sflag:s1], $0x800  }
0x11e: {  	[sflag:s1] =	ssyncset.done @!p0 $0x0  }
0x11f: {  	s17 =	simm.s32 @!p0 $0x7;
	[sflag:s1] =	ssyncadd.s32 @!p0 $0xFFFFF800;
	s1 =	simm.s32 @!p0 $0x0  }
0x120: {  	[hbm4b:s14+s1] =	stream.linear.scatter @!p0 [tilespmem:s0], [sflag:$0x7], $0x800, $0x38;
	[tilespmem:$0x1E380] =	vst v63  }
0x121: {  	_ =	swait.ge @!p0 [sflag:s17], $0x800  }
0x122: {  	s19 =	rddreg [dreg:$0xd]  }
0x123: {  	s25 =	rddreg [dreg:$0xa];
	s14 =	sadd.s32 $0x1, s19  }
0x124: {  	p1 =	sne.s32 s14, s25  }
.Ltmp8:
0x125: {  	_ = 	snop;
	(pc) =	sbr.rel @p1 .LBB2_1-.Ltmp8, $4  }
0x126: {  	[sflag:s17] =	ssyncset.done @!p0 $0x0  }
0x127: {  	[sflag:s17] =	ssyncadd.s32 @!p0 $0xFFFFF800  }
0x128: {  	s1 =	rddreg [dreg:$0x1]  }
0x129: {  	s25 =	rddreg [dreg:$0xb]  }
0x12a: {  	_ =	sfence.sel $0x180000  }
0x12b: {  	[bflag:$0x0] =	sbarrier.arrive $0xFFFF  }
0x12c: {  	_ =	strace $0x9000004A  }
0x12d: {  	[bflag:$0x2] =	sbarrier.arrive $0xFFFF  }
0x12e: {  	p0 =	sne.s32 s4, $0x0;
	s0 =	rddreg [dreg:$0x3]  }
0x12f: {  	s0 =	sadd.s32 @!p0 $0x100000, s0  }
0x130: {  	[sflag:s0] =	ssyncadd.tile.s32 @!p0 $0x1;
	_ =	shalt  }
.Lfunc_end2:
_tile_overlayer_lowered:
.L_overlay_start_2:
0x131: {  	(tag) =	ssettag $0x2  }
0x132: {  	s0 =	rddreg [dreg:$0x0];
	s2 =	stileid.u32  }
0x133: {  	s1 =	rddreg [dreg:$0x1];
	p0 =	sne.s32 s2, $0x0  }
0x134: {  	s3 =	rddreg [dreg:$0x2];
	[bflag:$0x3] =	sbarrier.arrive $0xFFFF;
	s2 =	simm.s32 @!p0 $0x1C07  }
0x135: {  	[timem:s3], [sflag:s2] =	dma.local @!p0 [hbm:s0], s1  }
0x136: {  	s0 =	simm.s32 @!p0 $0x7  }
0x137: {  	_ =	swait.ge @!p0 [sflag:s0], s1  }
0x138: {  	s1 =	ssub.s32 @!p0 $0x0, s1;
	[sflag:s0] =	ssyncset.done @!p0 $0x0  }
0x139: {  	[sflag:s0] =	ssyncadd.s32 @!p0 s1  }
0x13a: {  	[bflag:$0x3] =	sbarrier.arrive $0xFFFF  }
0x13b: {  	_ =	shalt  }

</sc_bundles>
